<compile_context>
chip_gen: v7x
topology: tpu7x:2x2x1
jax: 0.10.2.dev20260603
libtpu: 0.0.44.dev20260713+nightly
codegen_flags: <defaults>
</compile_context>

<pallas_src>
import functools

import jax
import jax.numpy as jnp
from jax import lax
from jax.experimental import pallas as pl
from jax.experimental.pallas import tpu as pltpu
from jax.experimental.pallas import tpu_sc as plsc

_MAX_ID = 128
_L = 16
_NW = 32


def _sc_partials(emb, ids):
    B, F, C, H, W = emb.shape
    BF = B * F
    tiles_per_frame = _NW // BF
    rows = H // tiles_per_frame
    nbuf = 2
    rsub = 2
    n_sub = rows // rsub
    grow = W // _L
    gsub = rsub * grow
    acc_rows = C + 1
    seg = _L * _MAX_ID

    mesh = plsc.VectorSubcoreMesh(core_axis_name="c", subcore_axis_name="s")

    @functools.partial(
        pl.kernel,
        out_type=jax.ShapeDtypeStruct((_NW, acc_rows, _MAX_ID), jnp.float32),
        mesh=mesh,
        compiler_params=pltpu.CompilerParams(needs_layout_passes=False),
        scratch_types=[
            pltpu.VMEM((rows, W), jnp.int32),
            pltpu.VMEM((nbuf, C, rsub, W), jnp.float32),
            pltpu.VMEM((acc_rows * seg,), jnp.float32),
            pltpu.VMEM((acc_rows, _MAX_ID), jnp.float32),
            pltpu.SemaphoreType.DMA,
            pltpu.SemaphoreType.DMA,
            pltpu.SemaphoreType.DMA,
        ],
    )
    def sc_kernel(emb_hbm, ids_hbm, out_hbm, ids_v, val_v, acc_v, stage_v,
                  sem_ids, sem_a, sem_b):
        wid = lax.axis_index("s") * 2 + lax.axis_index("c")
        frame = wid // tiles_per_frame
        b = frame // F
        f = frame % F
        r0 = (wid % tiles_per_frame) * rows

        pltpu.make_async_copy(
            ids_hbm.at[b, f, pl.ds(r0, rows), :], ids_v, sem_ids).start()
        sems = (sem_a, sem_b)
        for buf in range(nbuf - 1):
            pltpu.make_async_copy(
                emb_hbm.at[b, f, :, pl.ds(r0 + buf * rsub, rsub), :],
                val_v.at[buf], sems[buf]).start()

        zero = jnp.zeros((_L,), jnp.float32)

        def zero_body(i, carry):
            acc_v[pl.ds(i * _L, _L)] = zero
            return carry

        lax.fori_loop(0, acc_rows * seg // _L, zero_body, 0, unroll=8)
        pltpu.make_async_copy(
            ids_hbm.at[b, f, pl.ds(r0, rows), :], ids_v, sem_ids).wait()

        lane_off = lax.iota(jnp.int32, _L) * _MAX_ID
        ones = jnp.ones((_L,), jnp.float32)

        def sub_body(i, carry):
            for buf in range(nbuf):
                s = nbuf * i + buf
                nxt = (buf + nbuf - 1) % nbuf

                @pl.when(s + nbuf - 1 < n_sub)
                def _prefetch(s=s, nxt=nxt):
                    pltpu.make_async_copy(
                        emb_hbm.at[b, f, :,
                                   pl.ds(r0 + (s + nbuf - 1) * rsub, rsub),
                                   :],
                        val_v.at[nxt], sems[nxt]).start()

                pltpu.make_async_copy(
                    emb_hbm.at[b, f, :, pl.ds(r0 + s * rsub, rsub), :],
                    val_v.at[buf], sems[buf]).wait()

                @plsc.parallel_loop(0, gsub)
                def gbody(g, s=s, buf=buf):
                    gr = g // grow
                    col = (g % grow) * _L
                    idx = ids_v[s * rsub + gr, pl.ds(col, _L)] + lane_off
                    for c in range(C):
                        plsc.addupdate_scatter(
                            acc_v, [idx + c * seg],
                            val_v[buf, c, gr, pl.ds(col, _L)])
                    plsc.addupdate_scatter(acc_v, [idx + C * seg], ones)
            return carry

        lax.fori_loop(0, n_sub // nbuf, sub_body, 0)

        def red_body(r, carry):
            base = r * seg
            for blk in range(_MAX_ID // _L):
                o = blk * _L
                vs = [acc_v[pl.ds(base + l * _MAX_ID + o, _L)]
                      for l in range(_L)]
                while len(vs) > 1:
                    vs = [vs[i] + vs[i + 1] for i in range(0, len(vs), 2)]
                stage_v[r, pl.ds(o, _L)] = vs[0]
            return carry

        lax.fori_loop(0, acc_rows, red_body, 0)

        pltpu.sync_copy(stage_v, out_hbm.at[wid])

    return sc_kernel(emb, ids)


def _tc_finalize(partials, B, F, C):
    tiles_per_frame = _NW // (B * F)

    def tc_kernel(p_ref, o_ref):
        p = p_ref[...]
        p = p.reshape(B * F, tiles_per_frame, C + 1, _MAX_ID).sum(axis=1)
        sums = p[:, :C, :].reshape(B, F, C, _MAX_ID)
        counts = p[:, C, :].reshape(B, F, _MAX_ID)
        means = sums / jnp.maximum(counts, 1.0)[:, :, None, :]
        idpos = lax.broadcasted_iota(jnp.int32, (B, F, _MAX_ID), 2) > 0
        present = (counts > 0.0) & idpos
        common = present[:, :-1] & present[:, 1:]
        d = means[:, 1:] - means[:, :-1]
        dist = jnp.sum(d * d, axis=2)
        total = jnp.sum(jnp.where(common, dist, 0.0))
        valid = jnp.sum(common.astype(jnp.float32))
        o_ref[0, 0] = jnp.where(valid > 0.0,
                                total / jnp.maximum(valid, 1.0),
                                jnp.float32(0.0))

    return pl.pallas_call(
        tc_kernel,
        out_shape=jax.ShapeDtypeStruct((1, 1), jnp.float32),
        out_specs=pl.BlockSpec(memory_space=pltpu.SMEM),
    )(partials)


def kernel(embeddings, track_ids):
    B, F, C, H, W = embeddings.shape
    ids = track_ids.reshape(B, F, H, W).astype(jnp.int32)
    partials = _sc_partials(embeddings, ids)
    return _tc_finalize(partials, B, F, C)[0, 0]

# --- scband reference (transcript-rebuilt; emitter-appended) ---
"""Pipeline reference for scband-temporal-embedding-loss-20083267076319 (READ-ONLY COPY).

The authoritative reference and input builder live on the scoring server;
editing this copy changes nothing except your own understanding.
"""

import jax, jax.numpy as jnp
import numpy as np

MAX_ID = 128

def setup_inputs(seed: int = 0) -> dict:
    key = jax.random.key(seed)
    k1, k2 = jax.random.split(key)
    embeddings = jax.random.normal(k1, (2, 4, 32, 256, 256), dtype=jnp.float32)
    track_ids = jax.random.randint(k2, (2, 4, 1, 256, 256), 0, MAX_ID, dtype=jnp.int32)
    return {"embeddings": embeddings, "track_ids": track_ids}


def reference(embeddings, track_ids):
    # embeddings: (B, F, C, H, W); track_ids: (B, F, 1, H, W), id 0 = background
    B, F, C, H, W = embeddings.shape
    ids = track_ids[:, :, 0].reshape(B, F, H * W).astype(jnp.int32)
    # (B, F, HW, C)
    emb = jnp.transpose(embeddings.reshape(B, F, C, H * W), (0, 1, 3, 2))
    # Per-(batch, frame, track-id) masked mean via segment_sum (scatter-add)
    offsets = (jnp.arange(B * F, dtype=jnp.int32) * MAX_ID).reshape(B, F, 1)
    seg = (ids + offsets).reshape(-1)
    data = emb.reshape(-1, C)
    sums = jax.ops.segment_sum(data, seg, num_segments=B * F * MAX_ID)
    counts = jax.ops.segment_sum(jnp.ones((data.shape[0],), jnp.float32), seg,
                                 num_segments=B * F * MAX_ID)
    sums = sums.reshape(B, F, MAX_ID, C)
    counts = counts.reshape(B, F, MAX_ID)
    means = sums / jnp.maximum(counts, 1.0)[..., None]
    present = counts > 0
    # exclude background id 0 (matches `unique_ids > 0` filtering)
    present = present.at[:, :, 0].set(False)
    # ids common to consecutive frames f and f+1
    common = present[:, :-1] & present[:, 1:]  # (B, F-1, MAX_ID)
    dist = jnp.sum((means[:, :-1] - means[:, 1:]) ** 2, axis=-1)  # (B, F-1, MAX_ID)
    total = jnp.sum(jnp.where(common, dist, 0.0))
    valid = jnp.sum(common).astype(jnp.float32)
    return jnp.where(valid > 0, total / jnp.maximum(valid, 1.0), jnp.float32(0.0))

if __name__ == "__main__":
    import jax
    _d = setup_inputs()
    print(jax.jit(kernel)(*tuple(_d.values())))

</pallas_src>

<mosaic_0001>
#map = affine_map<(d0, d1) -> (0, 0, 0, 0, 0)>
#map1 = affine_map<(d0, d1) -> (0, 0, 0, 0)>
#map2 = affine_map<(d0, d1) -> (0, 0, 0)>
module attributes {stable_mosaic.version = 14 : i64} {
  func.func @sc_kernel(%arg0: i32, %arg1: i32, %arg2: memref<2x4x32x256x256xf32, #tpu.memory_space<hbm>>, %arg3: memref<2x4x256x256xi32, #tpu.memory_space<hbm>>, %arg4: memref<32x33x128xf32, #tpu.memory_space<hbm>>, %arg5: memref<64x256xi32, #tpu.memory_space<vmem>>, %arg6: memref<2x32x2x256xf32, #tpu.memory_space<vmem>>, %arg7: memref<67584xf32, #tpu.memory_space<vmem>>, %arg8: memref<33x128xf32, #tpu.memory_space<vmem>>, %arg9: memref<!tpu.dma_semaphore, #tpu.memory_space<semaphore_mem>>, %arg10: memref<!tpu.dma_semaphore, #tpu.memory_space<semaphore_mem>>, %arg11: memref<!tpu.dma_semaphore, #tpu.memory_space<semaphore_mem>>) attributes {dimension_semantics = [#tpu.dimension_semantics<core_parallel>, #tpu.dimension_semantics<subcore_parallel>], iteration_bounds = array<i64: 2, 16>, scalar_prefetch = 0 : i64, scratch_operands = 7 : i64, tpu.core_type = #tpu.core_type<sc_vector_subcore>, window_params = [{transform_indices = #map}, {transform_indices = #map1}, {transform_indices = #map2}]} {
    %mul3A = arith.constant 2 : i32
    %mul3A_0 = arith.muli %arg1, %mul3A : i32
    %add3A = arith.addi %mul3A_0, %arg0 : i32
    %jit3A = arith.constant 4 : i32
    %div3A = arith.divsi %add3A, %jit3A : i32
    %sign3A = arith.constant 0 : i32
    %sign3A_1 = arith.cmpi sgt, %add3A, %sign3A : i32
    %sign3A_2 = arith.extui %sign3A_1 : i1 to i32
    %sign3A_3 = arith.constant 0 : i32
    %sign3A_4 = arith.cmpi slt, %add3A, %sign3A_3 : i32
    %sign3A_5 = arith.extui %sign3A_4 : i1 to i32
    %sign3A_6 = arith.subi %sign3A_2, %sign3A_5 : i32
    %sign3A_7 = arith.constant 0 : i32
    %sign3A_8 = arith.cmpi sgt, %jit3A, %sign3A_7 : i32
    %sign3A_9 = arith.extui %sign3A_8 : i1 to i32
    %sign3A_10 = arith.constant 0 : i32
    %sign3A_11 = arith.cmpi slt, %jit3A, %sign3A_10 : i32
    %sign3A_12 = arith.extui %sign3A_11 : i1 to i32
    %sign3A_13 = arith.subi %sign3A_9, %sign3A_12 : i32
    %ne3A = arith.cmpi ne, %sign3A_6, %sign3A_13 : i32
    %rem3A = arith.remsi %add3A, %jit3A : i32
    %ne3A_14 = arith.constant 0 : i32
    %ne3A_15 = arith.cmpi ne, %rem3A, %ne3A_14 : i32
    %and3A = arith.andi %ne3A, %ne3A_15 : i1
    %sub3A = arith.constant 1 : i32
    %sub3A_16 = arith.subi %div3A, %sub3A : i32
    %select_n3A = arith.select %and3A, %sub3A_16, %div3A : i32
    %jit3A_17 = arith.constant 4 : i32
    %div3A_18 = arith.divsi %select_n3A, %jit3A_17 : i32
    %sign3A_19 = arith.constant 0 : i32
    %sign3A_20 = arith.cmpi sgt, %select_n3A, %sign3A_19 : i32
    %sign3A_21 = arith.extui %sign3A_20 : i1 to i32
    %sign3A_22 = arith.constant 0 : i32
    %sign3A_23 = arith.cmpi slt, %select_n3A, %sign3A_22 : i32
    %sign3A_24 = arith.extui %sign3A_23 : i1 to i32
    %sign3A_25 = arith.subi %sign3A_21, %sign3A_24 : i32
    %sign3A_26 = arith.constant 0 : i32
    %sign3A_27 = arith.cmpi sgt, %jit3A_17, %sign3A_26 : i32
    %sign3A_28 = arith.extui %sign3A_27 : i1 to i32
    %sign3A_29 = arith.constant 0 : i32
    %sign3A_30 = arith.cmpi slt, %jit3A_17, %sign3A_29 : i32
    %sign3A_31 = arith.extui %sign3A_30 : i1 to i32
    %sign3A_32 = arith.subi %sign3A_28, %sign3A_31 : i32
    %ne3A_33 = arith.cmpi ne, %sign3A_25, %sign3A_32 : i32
    %rem3A_34 = arith.remsi %select_n3A, %jit3A_17 : i32
    %ne3A_35 = arith.constant 0 : i32
    %ne3A_36 = arith.cmpi ne, %rem3A_34, %ne3A_35 : i32
    %and3A_37 = arith.andi %ne3A_33, %ne3A_36 : i1
    %sub3A_38 = arith.constant 1 : i32
    %sub3A_39 = arith.subi %div3A_18, %sub3A_38 : i32
    %select_n3A_40 = arith.select %and3A_37, %sub3A_39, %div3A_18 : i32
    %jit3A_41 = arith.constant 4 : i32
    %eq3A = arith.constant 0 : i32
    %eq3A_42 = arith.cmpi eq, %jit3A_41, %eq3A : i32
    %jit3A_43 = arith.constant 1 : i32
    %select_n3A_44 = arith.select %eq3A_42, %jit3A_43, %jit3A_41 : i32
    %rem3A_45 = arith.remsi %select_n3A, %select_n3A_44 : i32
    %ne3A_46 = arith.constant 0 : i32
    %ne3A_47 = arith.cmpi ne, %rem3A_45, %ne3A_46 : i32
    %lt3A = arith.constant 0 : i32
    %lt3A_48 = arith.cmpi slt, %rem3A_45, %lt3A : i32
    %lt3A_49 = arith.constant 0 : i32
    %lt3A_50 = arith.cmpi slt, %select_n3A_44, %lt3A_49 : i32
    %ne3A_51 = arith.xori %lt3A_48, %lt3A_50 : i1
    %and3A_52 = arith.andi %ne3A_51, %ne3A_47 : i1
    %add3A_53 = arith.addi %rem3A_45, %select_n3A_44 : i32
    %select_n3A_54 = arith.select %and3A_52, %add3A_53, %rem3A_45 : i32
    %jit3A_55 = arith.constant 4 : i32
    %eq3A_56 = arith.constant 0 : i32
    %eq3A_57 = arith.cmpi eq, %jit3A_55, %eq3A_56 : i32
    %jit3A_58 = arith.constant 1 : i32
    %select_n3A_59 = arith.select %eq3A_57, %jit3A_58, %jit3A_55 : i32
    %rem3A_60 = arith.remsi %add3A, %select_n3A_59 : i32
    %ne3A_61 = arith.constant 0 : i32
    %ne3A_62 = arith.cmpi ne, %rem3A_60, %ne3A_61 : i32
    %lt3A_63 = arith.constant 0 : i32
    %lt3A_64 = arith.cmpi slt, %rem3A_60, %lt3A_63 : i32
    %lt3A_65 = arith.constant 0 : i32
    %lt3A_66 = arith.cmpi slt, %select_n3A_59, %lt3A_65 : i32
    %ne3A_67 = arith.xori %lt3A_64, %lt3A_66 : i1
    %and3A_68 = arith.andi %ne3A_67, %ne3A_62 : i1
    %add3A_69 = arith.addi %rem3A_60, %select_n3A_59 : i32
    %select_n3A_70 = arith.select %and3A_68, %add3A_69, %rem3A_60 : i32
    %mul3A_71 = arith.constant 64 : i32
    %mul3A_72 = arith.muli %select_n3A_70, %mul3A_71 : i32
    %dma_start3A = arith.constant 0 : i32
    %dma_start3A_73 = tpu.memref_slice %arg3[%select_n3A_40, %select_n3A_54, %mul3A_72, %dma_start3A] : memref<2x4x256x256xi32, #tpu.memory_space<hbm>> -> memref<1x1x64x256xi32, #tpu.memory_space<hbm>>
    %dma_start3A_74 = tpu.memref_squeeze %dma_start3A_73 : memref<1x1x64x256xi32, #tpu.memory_space<hbm>> -> memref<64x256xi32, #tpu.memory_space<hbm>>
    %dma_start3A_75 = arith.constant 0 : i32
    %dma_start3A_76 = tpu.memref_slice %arg3[%select_n3A_40, %select_n3A_54, %mul3A_72, %dma_start3A_75] : memref<2x4x256x256xi32, #tpu.memory_space<hbm>> -> memref<1x1x64x256xi32, #tpu.memory_space<hbm>>
    %dma_start3A_77 = tpu.memref_squeeze %dma_start3A_76 : memref<1x1x64x256xi32, #tpu.memory_space<hbm>> -> memref<64x256xi32, #tpu.memory_space<hbm>>
    tpu.enqueue_dma source(%dma_start3A_77 : memref<64x256xi32, #tpu.memory_space<hbm>>) target(%arg5 : memref<64x256xi32, #tpu.memory_space<vmem>>) target_semaphore(%arg9 : memref<!tpu.dma_semaphore, #tpu.memory_space<semaphore_mem>>)
    %add3A_78 = arith.constant 0 : i32
    %add3A_79 = arith.addi %mul3A_72, %add3A_78 : i32
    %dma_start3A_80 = arith.constant 0 : i32
    %dma_start3A_81 = arith.constant 0 : i32
    %dma_start3A_82 = arith.constant 0 : i32
    %dma_start3A_83 = arith.constant 0 : i32
    %dma_start3A_84 = tpu.memref_slice %arg6[%dma_start3A_80, %dma_start3A_81, %dma_start3A_82, %dma_start3A_83] : memref<2x32x2x256xf32, #tpu.memory_space<vmem>> -> memref<1x32x2x256xf32, #tpu.memory_space<vmem>>
    %dma_start3A_85 = tpu.memref_squeeze %dma_start3A_84 : memref<1x32x2x256xf32, #tpu.memory_space<vmem>> -> memref<32x2x256xf32, #tpu.memory_space<vmem>>
    %dma_start3A_86 = arith.constant 0 : i32
    %dma_start3A_87 = arith.constant 0 : i32
    %dma_start3A_88 = tpu.memref_slice %arg2[%select_n3A_40, %select_n3A_54, %dma_start3A_86, %add3A_79, %dma_start3A_87] : memref<2x4x32x256x256xf32, #tpu.memory_space<hbm>> -> memref<1x1x32x2x256xf32, #tpu.memory_space<hbm>>
    %dma_start3A_89 = tpu.memref_squeeze %dma_start3A_88 : memref<1x1x32x2x256xf32, #tpu.memory_space<hbm>> -> memref<32x2x256xf32, #tpu.memory_space<hbm>>
    %dma_start3A_90 = arith.constant 0 : i32
    %dma_start3A_91 = arith.constant 0 : i32
    %dma_start3A_92 = arith.constant 0 : i32
    %dma_start3A_93 = tpu.memref_slice %arg6[%dma_start3A_80, %dma_start3A_90, %dma_start3A_91, %dma_start3A_92] : memref<2x32x2x256xf32, #tpu.memory_space<vmem>> -> memref<1x32x2x256xf32, #tpu.memory_space<vmem>>
    %dma_start3A_94 = tpu.memref_squeeze %dma_start3A_93 : memref<1x32x2x256xf32, #tpu.memory_space<vmem>> -> memref<32x2x256xf32, #tpu.memory_space<vmem>>
    %dma_start3A_95 = arith.constant 0 : i32
    %dma_start3A_96 = arith.constant 0 : i32
    %dma_start3A_97 = tpu.memref_slice %arg2[%select_n3A_40, %select_n3A_54, %dma_start3A_95, %add3A_79, %dma_start3A_96] : memref<2x4x32x256x256xf32, #tpu.memory_space<hbm>> -> memref<1x1x32x2x256xf32, #tpu.memory_space<hbm>>
    %dma_start3A_98 = tpu.memref_squeeze %dma_start3A_97 : memref<1x1x32x2x256xf32, #tpu.memory_space<hbm>> -> memref<32x2x256xf32, #tpu.memory_space<hbm>>
    tpu.enqueue_dma source(%dma_start3A_98 : memref<32x2x256xf32, #tpu.memory_space<hbm>>) target(%dma_start3A_94 : memref<32x2x256xf32, #tpu.memory_space<vmem>>) target_semaphore(%arg10 : memref<!tpu.dma_semaphore, #tpu.memory_space<semaphore_mem>>)
    %broadcast_in_dim3A = arith.constant 0.000000e+00 : f32
    %broadcast_in_dim3A_99 = vector.broadcast %broadcast_in_dim3A : f32 to vector<16xf32>
    %scan3A = arith.constant 0 : i32
    %scan3A_100 = arith.constant 0 : i32
    %scan3A_101 = arith.constant 4224 : i32
    %scan3A_102 = arith.addi %scan3A_100, %scan3A_101 : i32
    %scan3A_103 = arith.constant 8 : i32
    scf.for %scan3A_127 = %scan3A_100 to %scan3A_102 step %scan3A_103  : i32 {
      %mul3A_128 = arith.constant 16 : i32
      %mul3A_129 = arith.muli %scan3A_127, %mul3A_128 : i32
      %swap3A = arith.index_cast %mul3A_129 : i32 to index
      %swap3A_130 = tpu.vector_load %arg7[%swap3A] {strides = array<i32>} : memref<67584xf32, #tpu.memory_space<vmem>>, vector<16xf32>,
      tpu.vector_store %arg7[%swap3A], %broadcast_in_dim3A_99 {strides = array<i32>} : memref<67584xf32, #tpu.memory_space<vmem>>, vector<16xf32>,
      %scan3A_131 = arith.constant 1 : i32
      %scan3A_132 = arith.addi %scan3A_127, %scan3A_131 : i32
      %mul3A_133 = arith.constant 16 : i32
      %mul3A_134 = arith.muli %scan3A_132, %mul3A_133 : i32
      %swap3A_135 = arith.index_cast %mul3A_134 : i32 to index
      %swap3A_136 = tpu.vector_load %arg7[%swap3A_135] {strides = array<i32>} : memref<67584xf32, #tpu.memory_space<vmem>>, vector<16xf32>,
      tpu.vector_store %arg7[%swap3A_135], %broadcast_in_dim3A_99 {strides = array<i32>} : memref<67584xf32, #tpu.memory_space<vmem>>, vector<16xf32>,
      %scan3A_137 = arith.constant 2 : i32
      %scan3A_138 = arith.addi %scan3A_127, %scan3A_137 : i32
      %mul3A_139 = arith.constant 16 : i32
      %mul3A_140 = arith.muli %scan3A_138, %mul3A_139 : i32
      %swap3A_141 = arith.index_cast %mul3A_140 : i32 to index
      %swap3A_142 = tpu.vector_load %arg7[%swap3A_141] {strides = array<i32>} : memref<67584xf32, #tpu.memory_space<vmem>>, vector<16xf32>,
      tpu.vector_store %arg7[%swap3A_141], %broadcast_in_dim3A_99 {strides = array<i32>} : memref<67584xf32, #tpu.memory_space<vmem>>, vector<16xf32>,
      %scan3A_143 = arith.constant 3 : i32
      %scan3A_144 = arith.addi %scan3A_127, %scan3A_143 : i32
      %mul3A_145 = arith.constant 16 : i32
      %mul3A_146 = arith.muli %scan3A_144, %mul3A_145 : i32
      %swap3A_147 = arith.index_cast %mul3A_146 : i32 to index
      %swap3A_148 = tpu.vector_load %arg7[%swap3A_147] {strides = array<i32>} : memref<67584xf32, #tpu.memory_space<vmem>>, vector<16xf32>,
      tpu.vector_store %arg7[%swap3A_147], %broadcast_in_dim3A_99 {strides = array<i32>} : memref<67584xf32, #tpu.memory_space<vmem>>, vector<16xf32>,
      %scan3A_149 = arith.constant 4 : i32
      %scan3A_150 = arith.addi %scan3A_127, %scan3A_149 : i32
      %mul3A_151 = arith.constant 16 : i32
      %mul3A_152 = arith.muli %scan3A_150, %mul3A_151 : i32
      %swap3A_153 = arith.index_cast %mul3A_152 : i32 to index
      %swap3A_154 = tpu.vector_load %arg7[%swap3A_153] {strides = array<i32>} : memref<67584xf32, #tpu.memory_space<vmem>>, vector<16xf32>,
      tpu.vector_store %arg7[%swap3A_153], %broadcast_in_dim3A_99 {strides = array<i32>} : memref<67584xf32, #tpu.memory_space<vmem>>, vector<16xf32>,
      %scan3A_155 = arith.constant 5 : i32
      %scan3A_156 = arith.addi %scan3A_127, %scan3A_155 : i32
      %mul3A_157 = arith.constant 16 : i32
      %mul3A_158 = arith.muli %scan3A_156, %mul3A_157 : i32
      %swap3A_159 = arith.index_cast %mul3A_158 : i32 to index
      %swap3A_160 = tpu.vector_load %arg7[%swap3A_159] {strides = array<i32>} : memref<67584xf32, #tpu.memory_space<vmem>>, vector<16xf32>,
      tpu.vector_store %arg7[%swap3A_159], %broadcast_in_dim3A_99 {strides = array<i32>} : memref<67584xf32, #tpu.memory_space<vmem>>, vector<16xf32>,
      %scan3A_161 = arith.constant 6 : i32
      %scan3A_162 = arith.addi %scan3A_127, %scan3A_161 : i32
      %mul3A_163 = arith.constant 16 : i32
      %mul3A_164 = arith.muli %scan3A_162, %mul3A_163 : i32
      %swap3A_165 = arith.index_cast %mul3A_164 : i32 to index
      %swap3A_166 = tpu.vector_load %arg7[%swap3A_165] {strides = array<i32>} : memref<67584xf32, #tpu.memory_space<vmem>>, vector<16xf32>,
      tpu.vector_store %arg7[%swap3A_165], %broadcast_in_dim3A_99 {strides = array<i32>} : memref<67584xf32, #tpu.memory_space<vmem>>, vector<16xf32>,
      %scan3A_167 = arith.constant 7 : i32
      %scan3A_168 = arith.addi %scan3A_127, %scan3A_167 : i32
      %mul3A_169 = arith.constant 16 : i32
      %mul3A_170 = arith.muli %scan3A_168, %mul3A_169 : i32
      %swap3A_171 = arith.index_cast %mul3A_170 : i32 to index
      %swap3A_172 = tpu.vector_load %arg7[%swap3A_171] {strides = array<i32>} : memref<67584xf32, #tpu.memory_space<vmem>>, vector<16xf32>,
      tpu.vector_store %arg7[%swap3A_171], %broadcast_in_dim3A_99 {strides = array<i32>} : memref<67584xf32, #tpu.memory_space<vmem>>, vector<16xf32>,
    }
    %scan3A_104 = arith.constant 4224 : i32
    %dma_wait3A = arith.constant 0 : i32
    %dma_wait3A_105 = tpu.memref_slice %arg3[%select_n3A_40, %select_n3A_54, %mul3A_72, %dma_wait3A] : memref<2x4x256x256xi32, #tpu.memory_space<hbm>> -> memref<1x1x64x256xi32, #tpu.memory_space<hbm>>
    %dma_wait3A_106 = tpu.memref_squeeze %dma_wait3A_105 : memref<1x1x64x256xi32, #tpu.memory_space<hbm>> -> memref<64x256xi32, #tpu.memory_space<hbm>>
    %dma_wait3A_107 = arith.constant 0 : i32
    %dma_wait3A_108 = tpu.memref_slice %arg3[%select_n3A_40, %select_n3A_54, %mul3A_72, %dma_wait3A_107] : memref<2x4x256x256xi32, #tpu.memory_space<hbm>> -> memref<1x1x64x256xi32, #tpu.memory_space<hbm>>
    %dma_wait3A_109 = tpu.memref_squeeze %dma_wait3A_108 : memref<1x1x64x256xi32, #tpu.memory_space<hbm>> -> memref<64x256xi32, #tpu.memory_space<hbm>>
    tpu.wait_dma2 semaphore(%arg9 : memref<!tpu.dma_semaphore, #tpu.memory_space<semaphore_mem>>) src(%dma_wait3A_109 : memref<64x256xi32, #tpu.memory_space<hbm>>) dst(%arg5 : memref<64x256xi32, #tpu.memory_space<vmem>>)
    %iota3A = tpu.iota {dimensions = array<i32: 0>} : vector<16xi32>
    %mul3A_110 = arith.constant 128 : i32
    %mul3A_111 = vector.broadcast %mul3A_110 : i32 to vector<16xi32>
    %mul3A_112 = arith.muli %iota3A, %mul3A_111 : vector<16xi32>
    %broadcast_in_dim3A_113 = arith.constant 1.000000e+00 : f32
    %broadcast_in_dim3A_114 = vector.broadcast %broadcast_in_dim3A_113 : f32 to vector<16xf32>
    %scan3A_115 = arith.constant 0 : i32
    %scan3A_116 = arith.constant 0 : i32
    %scan3A_117 = arith.constant 16 : i32
    %scan3A_118 = arith.addi %scan3A_116, %scan3A_117 : i32
    %scan3A_119 = arith.constant 1 : i32
    scf.for %scan3A_127 = %scan3A_116 to %scan3A_118 step %scan3A_119  : i32 {
      %mul3A_128 = arith.constant 2 : i32
      %mul3A_129 = arith.muli %mul3A_128, %scan3A_127 : i32
      %add3A_130 = arith.constant 0 : i32
      %add3A_131 = arith.addi %mul3A_129, %add3A_130 : i32
      %add3A_132 = arith.constant 2 : i32
      %add3A_133 = arith.addi %add3A_131, %add3A_132 : i32
      %sub3A_134 = arith.constant 1 : i32
      %sub3A_135 = arith.subi %add3A_133, %sub3A_134 : i32
      %lt3A_136 = arith.constant 32 : i32
      %lt3A_137 = arith.cmpi slt, %sub3A_135, %lt3A_136 : i32
      %convert_element_type3A = arith.extui %lt3A_137 : i1 to i32
      %cond3A = arith.constant 0 : i32
      %cond3A_138 = arith.cmpi ne, %convert_element_type3A, %cond3A : i32
      scf.if %cond3A_138 {
        %add3A_201 = arith.constant 2 : i32
        %add3A_202 = arith.addi %add3A_131, %add3A_201 : i32
        %sub3A_203 = arith.constant 1 : i32
        %sub3A_204 = arith.subi %add3A_202, %sub3A_203 : i32
        %mul3A_205 = arith.constant 2 : i32
        %mul3A_206 = arith.muli %sub3A_204, %mul3A_205 : i32
        %add3A_207 = arith.addi %mul3A_72, %mul3A_206 : i32
        %dma_start3A_208 = arith.constant 1 : i32
        %dma_start3A_209 = arith.constant 0 : i32
        %dma_start3A_210 = arith.constant 0 : i32
        %dma_start3A_211 = arith.constant 0 : i32
        %dma_start3A_212 = tpu.memref_slice %arg6[%dma_start3A_208, %dma_start3A_209, %dma_start3A_210, %dma_start3A_211] : memref<2x32x2x256xf32, #tpu.memory_space<vmem>> -> memref<1x32x2x256xf32, #tpu.memory_space<vmem>>
        %dma_start3A_213 = tpu.memref_squeeze %dma_start3A_212 : memref<1x32x2x256xf32, #tpu.memory_space<vmem>> -> memref<32x2x256xf32, #tpu.memory_space<vmem>>
        %dma_start3A_214 = arith.constant 0 : i32
        %dma_start3A_215 = arith.constant 0 : i32
        %dma_start3A_216 = tpu.memref_slice %arg2[%select_n3A_40, %select_n3A_54, %dma_start3A_214, %add3A_207, %dma_start3A_215] : memref<2x4x32x256x256xf32, #tpu.memory_space<hbm>> -> memref<1x1x32x2x256xf32, #tpu.memory_space<hbm>>
        %dma_start3A_217 = tpu.memref_squeeze %dma_start3A_216 : memref<1x1x32x2x256xf32, #tpu.memory_space<hbm>> -> memref<32x2x256xf32, #tpu.memory_space<hbm>>
        %dma_start3A_218 = arith.constant 0 : i32
        %dma_start3A_219 = arith.constant 0 : i32
        %dma_start3A_220 = arith.constant 0 : i32
        %dma_start3A_221 = tpu.memref_slice %arg6[%dma_start3A_208, %dma_start3A_218, %dma_start3A_219, %dma_start3A_220] : memref<2x32x2x256xf32, #tpu.memory_space<vmem>> -> memref<1x32x2x256xf32, #tpu.memory_space<vmem>>
        %dma_start3A_222 = tpu.memref_squeeze %dma_start3A_221 : memref<1x32x2x256xf32, #tpu.memory_space<vmem>> -> memref<32x2x256xf32, #tpu.memory_space<vmem>>
        %dma_start3A_223 = arith.constant 0 : i32
        %dma_start3A_224 = arith.constant 0 : i32
        %dma_start3A_225 = tpu.memref_slice %arg2[%select_n3A_40, %select_n3A_54, %dma_start3A_223, %add3A_207, %dma_start3A_224] : memref<2x4x32x256x256xf32, #tpu.memory_space<hbm>> -> memref<1x1x32x2x256xf32, #tpu.memory_space<hbm>>
        %dma_start3A_226 = tpu.memref_squeeze %dma_start3A_225 : memref<1x1x32x2x256xf32, #tpu.memory_space<hbm>> -> memref<32x2x256xf32, #tpu.memory_space<hbm>>
        tpu.enqueue_dma source(%dma_start3A_226 : memref<32x2x256xf32, #tpu.memory_space<hbm>>) target(%dma_start3A_222 : memref<32x2x256xf32, #tpu.memory_space<vmem>>) target_semaphore(%arg11 : memref<!tpu.dma_semaphore, #tpu.memory_space<semaphore_mem>>)
      } else {
      }
      %mul3A_139 = arith.constant 2 : i32
      %mul3A_140 = arith.muli %add3A_131, %mul3A_139 : i32
      %add3A_141 = arith.addi %mul3A_72, %mul3A_140 : i32
      %dma_wait3A_142 = arith.constant 0 : i32
      %dma_wait3A_143 = arith.constant 0 : i32
      %dma_wait3A_144 = arith.constant 0 : i32
      %dma_wait3A_145 = arith.constant 0 : i32
      %dma_wait3A_146 = tpu.memref_slice %arg6[%dma_wait3A_142, %dma_wait3A_143, %dma_wait3A_144, %dma_wait3A_145] : memref<2x32x2x256xf32, #tpu.memory_space<vmem>> -> memref<1x32x2x256xf32, #tpu.memory_space<vmem>>
      %dma_wait3A_147 = tpu.memref_squeeze %dma_wait3A_146 : memref<1x32x2x256xf32, #tpu.memory_space<vmem>> -> memref<32x2x256xf32, #tpu.memory_space<vmem>>
      %dma_wait3A_148 = arith.constant 0 : i32
      %dma_wait3A_149 = arith.constant 0 : i32
      %dma_wait3A_150 = tpu.memref_slice %arg2[%select_n3A_40, %select_n3A_54, %dma_wait3A_148, %add3A_141, %dma_wait3A_149] : memref<2x4x32x256x256xf32, #tpu.memory_space<hbm>> -> memref<1x1x32x2x256xf32, #tpu.memory_space<hbm>>
      %dma_wait3A_151 = tpu.memref_squeeze %dma_wait3A_150 : memref<1x1x32x2x256xf32, #tpu.memory_space<hbm>> -> memref<32x2x256xf32, #tpu.memory_space<hbm>>
      %dma_wait3A_152 = arith.constant 0 : i32
      %dma_wait3A_153 = arith.constant 0 : i32
      %dma_wait3A_154 = arith.constant 0 : i32
      %dma_wait3A_155 = tpu.memref_slice %arg6[%dma_wait3A_142, %dma_wait3A_152, %dma_wait3A_153, %dma_wait3A_154] : memref<2x32x2x256xf32, #tpu.memory_space<vmem>> -> memref<1x32x2x256xf32, #tpu.memory_space<vmem>>
      %dma_wait3A_156 = tpu.memref_squeeze %dma_wait3A_155 : memref<1x32x2x256xf32, #tpu.memory_space<vmem>> -> memref<32x2x256xf32, #tpu.memory_space<vmem>>
      %dma_wait3A_157 = arith.constant 0 : i32
      %dma_wait3A_158 = arith.constant 0 : i32
      %dma_wait3A_159 = tpu.memref_slice %arg2[%select_n3A_40, %select_n3A_54, %dma_wait3A_157, %add3A_141, %dma_wait3A_158] : memref<2x4x32x256x256xf32, #tpu.memory_space<hbm>> -> memref<1x1x32x2x256xf32, #tpu.memory_space<hbm>>
      %dma_wait3A_160 = tpu.memref_squeeze %dma_wait3A_159 : memref<1x1x32x2x256xf32, #tpu.memory_space<hbm>> -> memref<32x2x256xf32, #tpu.memory_space<hbm>>
      tpu.wait_dma2 semaphore(%arg10 : memref<!tpu.dma_semaphore, #tpu.memory_space<semaphore_mem>>) src(%dma_wait3A_160 : memref<32x2x256xf32, #tpu.memory_space<hbm>>) dst(%dma_wait3A_156 : memref<32x2x256xf32, #tpu.memory_space<vmem>>)
      %parallel_loop3A = arith.constant 0 : i32
      %parallel_loop3A_161 = arith.constant 32 : i32
      %parallel_loop3A_162 = arith.constant 1 : i32
      scf.for %parallel_loop3A_201 = %parallel_loop3A to %parallel_loop3A_161 step %parallel_loop3A_162  : i32 {
        %parallel_loop3A_202 = arith.constant 16 : i32
        %parallel_loop3A_203 = arith.divsi %parallel_loop3A_201, %parallel_loop3A_202 : i32
        %parallel_loop3A_204 = arith.constant 0 : i32
        %parallel_loop3A_205 = arith.cmpi sgt, %parallel_loop3A_201, %parallel_loop3A_204 : i32
        %parallel_loop3A_206 = arith.extui %parallel_loop3A_205 : i1 to i32
        %parallel_loop3A_207 = arith.constant 0 : i32
        %parallel_loop3A_208 = arith.cmpi slt, %parallel_loop3A_201, %parallel_loop3A_207 : i32
        %parallel_loop3A_209 = arith.extui %parallel_loop3A_208 : i1 to i32
        %parallel_loop3A_210 = arith.subi %parallel_loop3A_206, %parallel_loop3A_209 : i32
        %parallel_loop3A_211 = arith.constant 0 : i32
        %parallel_loop3A_212 = arith.cmpi sgt, %parallel_loop3A_202, %parallel_loop3A_211 : i32
        %parallel_loop3A_213 = arith.extui %parallel_loop3A_212 : i1 to i32
        %parallel_loop3A_214 = arith.constant 0 : i32
        %parallel_loop3A_215 = arith.cmpi slt, %parallel_loop3A_202, %parallel_loop3A_214 : i32
        %parallel_loop3A_216 = arith.extui %parallel_loop3A_215 : i1 to i32
        %parallel_loop3A_217 = arith.subi %parallel_loop3A_213, %parallel_loop3A_216 : i32
        %parallel_loop3A_218 = arith.cmpi ne, %parallel_loop3A_210, %parallel_loop3A_217 : i32
        %parallel_loop3A_219 = arith.remsi %parallel_loop3A_201, %parallel_loop3A_202 : i32
        %parallel_loop3A_220 = arith.constant 0 : i32
        %parallel_loop3A_221 = arith.cmpi ne, %parallel_loop3A_219, %parallel_loop3A_220 : i32
        %parallel_loop3A_222 = arith.andi %parallel_loop3A_218, %parallel_loop3A_221 : i1
        %parallel_loop3A_223 = arith.constant 1 : i32
        %parallel_loop3A_224 = arith.subi %parallel_loop3A_203, %parallel_loop3A_223 : i32
        %parallel_loop3A_225 = arith.select %parallel_loop3A_222, %parallel_loop3A_224, %parallel_loop3A_203 : i32
        %parallel_loop3A_226 = arith.constant 16 : i32
        %parallel_loop3A_227 = arith.constant 0 : i32
        %parallel_loop3A_228 = arith.cmpi eq, %parallel_loop3A_226, %parallel_loop3A_227 : i32
        %parallel_loop3A_229 = arith.constant 1 : i32
        %parallel_loop3A_230 = arith.select %parallel_loop3A_228, %parallel_loop3A_229, %parallel_loop3A_226 : i32
        %parallel_loop3A_231 = arith.remsi %parallel_loop3A_201, %parallel_loop3A_230 : i32
        %parallel_loop3A_232 = arith.constant 0 : i32
        %parallel_loop3A_233 = arith.cmpi ne, %parallel_loop3A_231, %parallel_loop3A_232 : i32
        %parallel_loop3A_234 = arith.constant 0 : i32
        %parallel_loop3A_235 = arith.cmpi slt, %parallel_loop3A_231, %parallel_loop3A_234 : i32
        %parallel_loop3A_236 = arith.constant 0 : i32
        %parallel_loop3A_237 = arith.cmpi slt, %parallel_loop3A_230, %parallel_loop3A_236 : i32
        %parallel_loop3A_238 = arith.xori %parallel_loop3A_235, %parallel_loop3A_237 : i1
        %parallel_loop3A_239 = arith.andi %parallel_loop3A_238, %parallel_loop3A_233 : i1
        %parallel_loop3A_240 = arith.addi %parallel_loop3A_231, %parallel_loop3A_230 : i32
        %parallel_loop3A_241 = arith.select %parallel_loop3A_239, %parallel_loop3A_240, %parallel_loop3A_231 : i32
        %parallel_loop3A_242 = arith.constant 16 : i32
        %parallel_loop3A_243 = arith.muli %parallel_loop3A_241, %parallel_loop3A_242 : i32
        %parallel_loop3A_244 = arith.constant 2 : i32
        %parallel_loop3A_245 = arith.muli %add3A_131, %parallel_loop3A_244 : i32
        %parallel_loop3A_246 = arith.addi %parallel_loop3A_245, %parallel_loop3A_225 : i32
        %parallel_loop3A_247 = arith.index_cast %parallel_loop3A_246 : i32 to index
        %parallel_loop3A_248 = arith.index_cast %parallel_loop3A_243 : i32 to index
        %parallel_loop3A_249 = tpu.vector_load %arg5[%parallel_loop3A_247, %parallel_loop3A_248] {strides = array<i32>} : memref<64x256xi32, #tpu.memory_space<vmem>>, vector<16xi32>,
        %parallel_loop3A_250 = arith.addi %parallel_loop3A_249, %mul3A_112 : vector<16xi32>
        %parallel_loop3A_251 = arith.constant 0 : i32
        %parallel_loop3A_252 = vector.broadcast %parallel_loop3A_251 : i32 to vector<16xi32>
        %parallel_loop3A_253 = arith.addi %parallel_loop3A_250, %parallel_loop3A_252 : vector<16xi32>
        %parallel_loop3A_254 = arith.constant 0 : i32
        %parallel_loop3A_255 = arith.constant 0 : i32
        %parallel_loop3A_256 = arith.index_cast %parallel_loop3A_254 : i32 to index
        %parallel_loop3A_257 = arith.index_cast %parallel_loop3A_255 : i32 to index
        %parallel_loop3A_258 = arith.index_cast %parallel_loop3A_225 : i32 to index
        %parallel_loop3A_259 = arith.index_cast %parallel_loop3A_243 : i32 to index
        %parallel_loop3A_260 = tpu.vector_load %arg6[%parallel_loop3A_256, %parallel_loop3A_257, %parallel_loop3A_258, %parallel_loop3A_259] {strides = array<i32>} : memref<2x32x2x256xf32, #tpu.memory_space<vmem>>, vector<16xf32>,
        tpu.vector_store_idx %arg7[%parallel_loop3A_253], %parallel_loop3A_260 {add = true} : memref<67584xf32, #tpu.memory_space<vmem>>[vector<16xi32>], vector<16xf32>,
        %parallel_loop3A_261 = arith.constant 2048 : i32
        %parallel_loop3A_262 = vector.broadcast %parallel_loop3A_261 : i32 to vector<16xi32>
        %parallel_loop3A_263 = arith.addi %parallel_loop3A_250, %parallel_loop3A_262 : vector<16xi32>
        %parallel_loop3A_264 = arith.constant 0 : i32
        %parallel_loop3A_265 = arith.constant 1 : i32
        %parallel_loop3A_266 = arith.index_cast %parallel_loop3A_264 : i32 to index
        %parallel_loop3A_267 = arith.index_cast %parallel_loop3A_265 : i32 to index
        %parallel_loop3A_268 = arith.index_cast %parallel_loop3A_225 : i32 to index
        %parallel_loop3A_269 = arith.index_cast %parallel_loop3A_243 : i32 to index
        %parallel_loop3A_270 = tpu.vector_load %arg6[%parallel_loop3A_266, %parallel_loop3A_267, %parallel_loop3A_268, %parallel_loop3A_269] {strides = array<i32>} : memref<2x32x2x256xf32, #tpu.memory_space<vmem>>, vector<16xf32>,
        tpu.vector_store_idx %arg7[%parallel_loop3A_263], %parallel_loop3A_270 {add = true} : memref<67584xf32, #tpu.memory_space<vmem>>[vector<16xi32>], vector<16xf32>,
        %parallel_loop3A_271 = arith.constant 4096 : i32
        %parallel_loop3A_272 = vector.broadcast %parallel_loop3A_271 : i32 to vector<16xi32>
        %parallel_loop3A_273 = arith.addi %parallel_loop3A_250, %parallel_loop3A_272 : vector<16xi32>
        %parallel_loop3A_274 = arith.constant 0 : i32
        %parallel_loop3A_275 = arith.constant 2 : i32
        %parallel_loop3A_276 = arith.index_cast %parallel_loop3A_274 : i32 to index
        %parallel_loop3A_277 = arith.index_cast %parallel_loop3A_275 : i32 to index
        %parallel_loop3A_278 = arith.index_cast %parallel_loop3A_225 : i32 to index
        %parallel_loop3A_279 = arith.index_cast %parallel_loop3A_243 : i32 to index
        %parallel_loop3A_280 = tpu.vector_load %arg6[%parallel_loop3A_276, %parallel_loop3A_277, %parallel_loop3A_278, %parallel_loop3A_279] {strides = array<i32>} : memref<2x32x2x256xf32, #tpu.memory_space<vmem>>, vector<16xf32>,
        tpu.vector_store_idx %arg7[%parallel_loop3A_273], %parallel_loop3A_280 {add = true} : memref<67584xf32, #tpu.memory_space<vmem>>[vector<16xi32>], vector<16xf32>,
        %parallel_loop3A_281 = arith.constant 6144 : i32
        %parallel_loop3A_282 = vector.broadcast %parallel_loop3A_281 : i32 to vector<16xi32>
        %parallel_loop3A_283 = arith.addi %parallel_loop3A_250, %parallel_loop3A_282 : vector<16xi32>
        %parallel_loop3A_284 = arith.constant 0 : i32
        %parallel_loop3A_285 = arith.constant 3 : i32
        %parallel_loop3A_286 = arith.index_cast %parallel_loop3A_284 : i32 to index
        %parallel_loop3A_287 = arith.index_cast %parallel_loop3A_285 : i32 to index
        %parallel_loop3A_288 = arith.index_cast %parallel_loop3A_225 : i32 to index
        %parallel_loop3A_289 = arith.index_cast %parallel_loop3A_243 : i32 to index
        %parallel_loop3A_290 = tpu.vector_load %arg6[%parallel_loop3A_286, %parallel_loop3A_287, %parallel_loop3A_288, %parallel_loop3A_289] {strides = array<i32>} : memref<2x32x2x256xf32, #tpu.memory_space<vmem>>, vector<16xf32>,
        tpu.vector_store_idx %arg7[%parallel_loop3A_283], %parallel_loop3A_290 {add = true} : memref<67584xf32, #tpu.memory_space<vmem>>[vector<16xi32>], vector<16xf32>,
        %parallel_loop3A_291 = arith.constant 8192 : i32
        %parallel_loop3A_292 = vector.broadcast %parallel_loop3A_291 : i32 to vector<16xi32>
        %parallel_loop3A_293 = arith.addi %parallel_loop3A_250, %parallel_loop3A_292 : vector<16xi32>
        %parallel_loop3A_294 = arith.constant 0 : i32
        %parallel_loop3A_295 = arith.constant 4 : i32
        %parallel_loop3A_296 = arith.index_cast %parallel_loop3A_294 : i32 to index
        %parallel_loop3A_297 = arith.index_cast %parallel_loop3A_295 : i32 to index
        %parallel_loop3A_298 = arith.index_cast %parallel_loop3A_225 : i32 to index
        %parallel_loop3A_299 = arith.index_cast %parallel_loop3A_243 : i32 to index
        %parallel_loop3A_300 = tpu.vector_load %arg6[%parallel_loop3A_296, %parallel_loop3A_297, %parallel_loop3A_298, %parallel_loop3A_299] {strides = array<i32>} : memref<2x32x2x256xf32, #tpu.memory_space<vmem>>, vector<16xf32>,
        tpu.vector_store_idx %arg7[%parallel_loop3A_293], %parallel_loop3A_300 {add = true} : memref<67584xf32, #tpu.memory_space<vmem>>[vector<16xi32>], vector<16xf32>,
        %parallel_loop3A_301 = arith.constant 10240 : i32
        %parallel_loop3A_302 = vector.broadcast %parallel_loop3A_301 : i32 to vector<16xi32>
        %parallel_loop3A_303 = arith.addi %parallel_loop3A_250, %parallel_loop3A_302 : vector<16xi32>
        %parallel_loop3A_304 = arith.constant 0 : i32
        %parallel_loop3A_305 = arith.constant 5 : i32
        %parallel_loop3A_306 = arith.index_cast %parallel_loop3A_304 : i32 to index
        %parallel_loop3A_307 = arith.index_cast %parallel_loop3A_305 : i32 to index
        %parallel_loop3A_308 = arith.index_cast %parallel_loop3A_225 : i32 to index
        %parallel_loop3A_309 = arith.index_cast %parallel_loop3A_243 : i32 to index
        %parallel_loop3A_310 = tpu.vector_load %arg6[%parallel_loop3A_306, %parallel_loop3A_307, %parallel_loop3A_308, %parallel_loop3A_309] {strides = array<i32>} : memref<2x32x2x256xf32, #tpu.memory_space<vmem>>, vector<16xf32>,
        tpu.vector_store_idx %arg7[%parallel_loop3A_303], %parallel_loop3A_310 {add = true} : memref<67584xf32, #tpu.memory_space<vmem>>[vector<16xi32>], vector<16xf32>,
        %parallel_loop3A_311 = arith.constant 12288 : i32
        %parallel_loop3A_312 = vector.broadcast %parallel_loop3A_311 : i32 to vector<16xi32>
        %parallel_loop3A_313 = arith.addi %parallel_loop3A_250, %parallel_loop3A_312 : vector<16xi32>
        %parallel_loop3A_314 = arith.constant 0 : i32
        %parallel_loop3A_315 = arith.constant 6 : i32
        %parallel_loop3A_316 = arith.index_cast %parallel_loop3A_314 : i32 to index
        %parallel_loop3A_317 = arith.index_cast %parallel_loop3A_315 : i32 to index
        %parallel_loop3A_318 = arith.index_cast %parallel_loop3A_225 : i32 to index
        %parallel_loop3A_319 = arith.index_cast %parallel_loop3A_243 : i32 to index
        %parallel_loop3A_320 = tpu.vector_load %arg6[%parallel_loop3A_316, %parallel_loop3A_317, %parallel_loop3A_318, %parallel_loop3A_319] {strides = array<i32>} : memref<2x32x2x256xf32, #tpu.memory_space<vmem>>, vector<16xf32>,
        tpu.vector_store_idx %arg7[%parallel_loop3A_313], %parallel_loop3A_320 {add = true} : memref<67584xf32, #tpu.memory_space<vmem>>[vector<16xi32>], vector<16xf32>,
        %parallel_loop3A_321 = arith.constant 14336 : i32
        %parallel_loop3A_322 = vector.broadcast %parallel_loop3A_321 : i32 to vector<16xi32>
        %parallel_loop3A_323 = arith.addi %parallel_loop3A_250, %parallel_loop3A_322 : vector<16xi32>
        %parallel_loop3A_324 = arith.constant 0 : i32
        %parallel_loop3A_325 = arith.constant 7 : i32
        %parallel_loop3A_326 = arith.index_cast %parallel_loop3A_324 : i32 to index
        %parallel_loop3A_327 = arith.index_cast %parallel_loop3A_325 : i32 to index
        %parallel_loop3A_328 = arith.index_cast %parallel_loop3A_225 : i32 to index
        %parallel_loop3A_329 = arith.index_cast %parallel_loop3A_243 : i32 to index
        %parallel_loop3A_330 = tpu.vector_load %arg6[%parallel_loop3A_326, %parallel_loop3A_327, %parallel_loop3A_328, %parallel_loop3A_329] {strides = array<i32>} : memref<2x32x2x256xf32, #tpu.memory_space<vmem>>, vector<16xf32>,
        tpu.vector_store_idx %arg7[%parallel_loop3A_323], %parallel_loop3A_330 {add = true} : memref<67584xf32, #tpu.memory_space<vmem>>[vector<16xi32>], vector<16xf32>,
        %parallel_loop3A_331 = arith.constant 16384 : i32
        %parallel_loop3A_332 = vector.broadcast %parallel_loop3A_331 : i32 to vector<16xi32>
        %parallel_loop3A_333 = arith.addi %parallel_loop3A_250, %parallel_loop3A_332 : vector<16xi32>
        %parallel_loop3A_334 = arith.constant 0 : i32
        %parallel_loop3A_335 = arith.constant 8 : i32
        %parallel_loop3A_336 = arith.index_cast %parallel_loop3A_334 : i32 to index
        %parallel_loop3A_337 = arith.index_cast %parallel_loop3A_335 : i32 to index
        %parallel_loop3A_338 = arith.index_cast %parallel_loop3A_225 : i32 to index
        %parallel_loop3A_339 = arith.index_cast %parallel_loop3A_243 : i32 to index
        %parallel_loop3A_340 = tpu.vector_load %arg6[%parallel_loop3A_336, %parallel_loop3A_337, %parallel_loop3A_338, %parallel_loop3A_339] {strides = array<i32>} : memref<2x32x2x256xf32, #tpu.memory_space<vmem>>, vector<16xf32>,
        tpu.vector_store_idx %arg7[%parallel_loop3A_333], %parallel_loop3A_340 {add = true} : memref<67584xf32, #tpu.memory_space<vmem>>[vector<16xi32>], vector<16xf32>,
        %parallel_loop3A_341 = arith.constant 18432 : i32
        %parallel_loop3A_342 = vector.broadcast %parallel_loop3A_341 : i32 to vector<16xi32>
        %parallel_loop3A_343 = arith.addi %parallel_loop3A_250, %parallel_loop3A_342 : vector<16xi32>
        %parallel_loop3A_344 = arith.constant 0 : i32
        %parallel_loop3A_345 = arith.constant 9 : i32
        %parallel_loop3A_346 = arith.index_cast %parallel_loop3A_344 : i32 to index
        %parallel_loop3A_347 = arith.index_cast %parallel_loop3A_345 : i32 to index
        %parallel_loop3A_348 = arith.index_cast %parallel_loop3A_225 : i32 to index
        %parallel_loop3A_349 = arith.index_cast %parallel_loop3A_243 : i32 to index
        %parallel_loop3A_350 = tpu.vector_load %arg6[%parallel_loop3A_346, %parallel_loop3A_347, %parallel_loop3A_348, %parallel_loop3A_349] {strides = array<i32>} : memref<2x32x2x256xf32, #tpu.memory_space<vmem>>, vector<16xf32>,
        tpu.vector_store_idx %arg7[%parallel_loop3A_343], %parallel_loop3A_350 {add = true} : memref<67584xf32, #tpu.memory_space<vmem>>[vector<16xi32>], vector<16xf32>,
        %parallel_loop3A_351 = arith.constant 20480 : i32
        %parallel_loop3A_352 = vector.broadcast %parallel_loop3A_351 : i32 to vector<16xi32>
        %parallel_loop3A_353 = arith.addi %parallel_loop3A_250, %parallel_loop3A_352 : vector<16xi32>
        %parallel_loop3A_354 = arith.constant 0 : i32
        %parallel_loop3A_355 = arith.constant 10 : i32
        %parallel_loop3A_356 = arith.index_cast %parallel_loop3A_354 : i32 to index
        %parallel_loop3A_357 = arith.index_cast %parallel_loop3A_355 : i32 to index
        %parallel_loop3A_358 = arith.index_cast %parallel_loop3A_225 : i32 to index
        %parallel_loop3A_359 = arith.index_cast %parallel_loop3A_243 : i32 to index
        %parallel_loop3A_360 = tpu.vector_load %arg6[%parallel_loop3A_356, %parallel_loop3A_357, %parallel_loop3A_358, %parallel_loop3A_359] {strides = array<i32>} : memref<2x32x2x256xf32, #tpu.memory_space<vmem>>, vector<16xf32>,
        tpu.vector_store_idx %arg7[%parallel_loop3A_353], %parallel_loop3A_360 {add = true} : memref<67584xf32, #tpu.memory_space<vmem>>[vector<16xi32>], vector<16xf32>,
        %parallel_loop3A_361 = arith.constant 22528 : i32
        %parallel_loop3A_362 = vector.broadcast %parallel_loop3A_361 : i32 to vector<16xi32>
        %parallel_loop3A_363 = arith.addi %parallel_loop3A_250, %parallel_loop3A_362 : vector<16xi32>
        %parallel_loop3A_364 = arith.constant 0 : i32
        %parallel_loop3A_365 = arith.constant 11 : i32
        %parallel_loop3A_366 = arith.index_cast %parallel_loop3A_364 : i32 to index
        %parallel_loop3A_367 = arith.index_cast %parallel_loop3A_365 : i32 to index
        %parallel_loop3A_368 = arith.index_cast %parallel_loop3A_225 : i32 to index
        %parallel_loop3A_369 = arith.index_cast %parallel_loop3A_243 : i32 to index
        %parallel_loop3A_370 = tpu.vector_load %arg6[%parallel_loop3A_366, %parallel_loop3A_367, %parallel_loop3A_368, %parallel_loop3A_369] {strides = array<i32>} : memref<2x32x2x256xf32, #tpu.memory_space<vmem>>, vector<16xf32>,
        tpu.vector_store_idx %arg7[%parallel_loop3A_363], %parallel_loop3A_370 {add = true} : memref<67584xf32, #tpu.memory_space<vmem>>[vector<16xi32>], vector<16xf32>,
        %parallel_loop3A_371 = arith.constant 24576 : i32
        %parallel_loop3A_372 = vector.broadcast %parallel_loop3A_371 : i32 to vector<16xi32>
        %parallel_loop3A_373 = arith.addi %parallel_loop3A_250, %parallel_loop3A_372 : vector<16xi32>
        %parallel_loop3A_374 = arith.constant 0 : i32
        %parallel_loop3A_375 = arith.constant 12 : i32
        %parallel_loop3A_376 = arith.index_cast %parallel_loop3A_374 : i32 to index
        %parallel_loop3A_377 = arith.index_cast %parallel_loop3A_375 : i32 to index
        %parallel_loop3A_378 = arith.index_cast %parallel_loop3A_225 : i32 to index
        %parallel_loop3A_379 = arith.index_cast %parallel_loop3A_243 : i32 to index
        %parallel_loop3A_380 = tpu.vector_load %arg6[%parallel_loop3A_376, %parallel_loop3A_377, %parallel_loop3A_378, %parallel_loop3A_379] {strides = array<i32>} : memref<2x32x2x256xf32, #tpu.memory_space<vmem>>, vector<16xf32>,
        tpu.vector_store_idx %arg7[%parallel_loop3A_373], %parallel_loop3A_380 {add = true} : memref<67584xf32, #tpu.memory_space<vmem>>[vector<16xi32>], vector<16xf32>,
        %parallel_loop3A_381 = arith.constant 26624 : i32
        %parallel_loop3A_382 = vector.broadcast %parallel_loop3A_381 : i32 to vector<16xi32>
        %parallel_loop3A_383 = arith.addi %parallel_loop3A_250, %parallel_loop3A_382 : vector<16xi32>
        %parallel_loop3A_384 = arith.constant 0 : i32
        %parallel_loop3A_385 = arith.constant 13 : i32
        %parallel_loop3A_386 = arith.index_cast %parallel_loop3A_384 : i32 to index
        %parallel_loop3A_387 = arith.index_cast %parallel_loop3A_385 : i32 to index
        %parallel_loop3A_388 = arith.index_cast %parallel_loop3A_225 : i32 to index
        %parallel_loop3A_389 = arith.index_cast %parallel_loop3A_243 : i32 to index
        %parallel_loop3A_390 = tpu.vector_load %arg6[%parallel_loop3A_386, %parallel_loop3A_387, %parallel_loop3A_388, %parallel_loop3A_389] {strides = array<i32>} : memref<2x32x2x256xf32, #tpu.memory_space<vmem>>, vector<16xf32>,
        tpu.vector_store_idx %arg7[%parallel_loop3A_383], %parallel_loop3A_390 {add = true} : memref<67584xf32, #tpu.memory_space<vmem>>[vector<16xi32>], vector<16xf32>,
        %parallel_loop3A_391 = arith.constant 28672 : i32
        %parallel_loop3A_392 = vector.broadcast %parallel_loop3A_391 : i32 to vector<16xi32>
        %parallel_loop3A_393 = arith.addi %parallel_loop3A_250, %parallel_loop3A_392 : vector<16xi32>
        %parallel_loop3A_394 = arith.constant 0 : i32
        %parallel_loop3A_395 = arith.constant 14 : i32
        %parallel_loop3A_396 = arith.index_cast %parallel_loop3A_394 : i32 to index
        %parallel_loop3A_397 = arith.index_cast %parallel_loop3A_395 : i32 to index
        %parallel_loop3A_398 = arith.index_cast %parallel_loop3A_225 : i32 to index
        %parallel_loop3A_399 = arith.index_cast %parallel_loop3A_243 : i32 to index
        %parallel_loop3A_400 = tpu.vector_load %arg6[%parallel_loop3A_396, %parallel_loop3A_397, %parallel_loop3A_398, %parallel_loop3A_399] {strides = array<i32>} : memref<2x32x2x256xf32, #tpu.memory_space<vmem>>, vector<16xf32>,
        tpu.vector_store_idx %arg7[%parallel_loop3A_393], %parallel_loop3A_400 {add = true} : memref<67584xf32, #tpu.memory_space<vmem>>[vector<16xi32>], vector<16xf32>,
        %parallel_loop3A_401 = arith.constant 30720 : i32
        %parallel_loop3A_402 = vector.broadcast %parallel_loop3A_401 : i32 to vector<16xi32>
        %parallel_loop3A_403 = arith.addi %parallel_loop3A_250, %parallel_loop3A_402 : vector<16xi32>
        %parallel_loop3A_404 = arith.constant 0 : i32
        %parallel_loop3A_405 = arith.constant 15 : i32
        %parallel_loop3A_406 = arith.index_cast %parallel_loop3A_404 : i32 to index
        %parallel_loop3A_407 = arith.index_cast %parallel_loop3A_405 : i32 to index
        %parallel_loop3A_408 = arith.index_cast %parallel_loop3A_225 : i32 to index
        %parallel_loop3A_409 = arith.index_cast %parallel_loop3A_243 : i32 to index
        %parallel_loop3A_410 = tpu.vector_load %arg6[%parallel_loop3A_406, %parallel_loop3A_407, %parallel_loop3A_408, %parallel_loop3A_409] {strides = array<i32>} : memref<2x32x2x256xf32, #tpu.memory_space<vmem>>, vector<16xf32>,
        tpu.vector_store_idx %arg7[%parallel_loop3A_403], %parallel_loop3A_410 {add = true} : memref<67584xf32, #tpu.memory_space<vmem>>[vector<16xi32>], vector<16xf32>,
        %parallel_loop3A_411 = arith.constant 32768 : i32
        %parallel_loop3A_412 = vector.broadcast %parallel_loop3A_411 : i32 to vector<16xi32>
        %parallel_loop3A_413 = arith.addi %parallel_loop3A_250, %parallel_loop3A_412 : vector<16xi32>
        %parallel_loop3A_414 = arith.constant 0 : i32
        %parallel_loop3A_415 = arith.constant 16 : i32
        %parallel_loop3A_416 = arith.index_cast %parallel_loop3A_414 : i32 to index
        %parallel_loop3A_417 = arith.index_cast %parallel_loop3A_415 : i32 to index
        %parallel_loop3A_418 = arith.index_cast %parallel_loop3A_225 : i32 to index
        %parallel_loop3A_419 = arith.index_cast %parallel_loop3A_243 : i32 to index
        %parallel_loop3A_420 = tpu.vector_load %arg6[%parallel_loop3A_416, %parallel_loop3A_417, %parallel_loop3A_418, %parallel_loop3A_419] {strides = array<i32>} : memref<2x32x2x256xf32, #tpu.memory_space<vmem>>, vector<16xf32>,
        tpu.vector_store_idx %arg7[%parallel_loop3A_413], %parallel_loop3A_420 {add = true} : memref<67584xf32, #tpu.memory_space<vmem>>[vector<16xi32>], vector<16xf32>,
        %parallel_loop3A_421 = arith.constant 34816 : i32
        %parallel_loop3A_422 = vector.broadcast %parallel_loop3A_421 : i32 to vector<16xi32>
        %parallel_loop3A_423 = arith.addi %parallel_loop3A_250, %parallel_loop3A_422 : vector<16xi32>
        %parallel_loop3A_424 = arith.constant 0 : i32
        %parallel_loop3A_425 = arith.constant 17 : i32
        %parallel_loop3A_426 = arith.index_cast %parallel_loop3A_424 : i32 to index
        %parallel_loop3A_427 = arith.index_cast %parallel_loop3A_425 : i32 to index
        %parallel_loop3A_428 = arith.index_cast %parallel_loop3A_225 : i32 to index
        %parallel_loop3A_429 = arith.index_cast %parallel_loop3A_243 : i32 to index
        %parallel_loop3A_430 = tpu.vector_load %arg6[%parallel_loop3A_426, %parallel_loop3A_427, %parallel_loop3A_428, %parallel_loop3A_429] {strides = array<i32>} : memref<2x32x2x256xf32, #tpu.memory_space<vmem>>, vector<16xf32>,
        tpu.vector_store_idx %arg7[%parallel_loop3A_423], %parallel_loop3A_430 {add = true} : memref<67584xf32, #tpu.memory_space<vmem>>[vector<16xi32>], vector<16xf32>,
        %parallel_loop3A_431 = arith.constant 36864 : i32
        %parallel_loop3A_432 = vector.broadcast %parallel_loop3A_431 : i32 to vector<16xi32>
        %parallel_loop3A_433 = arith.addi %parallel_loop3A_250, %parallel_loop3A_432 : vector<16xi32>
        %parallel_loop3A_434 = arith.constant 0 : i32
        %parallel_loop3A_435 = arith.constant 18 : i32
        %parallel_loop3A_436 = arith.index_cast %parallel_loop3A_434 : i32 to index
        %parallel_loop3A_437 = arith.index_cast %parallel_loop3A_435 : i32 to index
        %parallel_loop3A_438 = arith.index_cast %parallel_loop3A_225 : i32 to index
        %parallel_loop3A_439 = arith.index_cast %parallel_loop3A_243 : i32 to index
        %parallel_loop3A_440 = tpu.vector_load %arg6[%parallel_loop3A_436, %parallel_loop3A_437, %parallel_loop3A_438, %parallel_loop3A_439] {strides = array<i32>} : memref<2x32x2x256xf32, #tpu.memory_space<vmem>>, vector<16xf32>,
        tpu.vector_store_idx %arg7[%parallel_loop3A_433], %parallel_loop3A_440 {add = true} : memref<67584xf32, #tpu.memory_space<vmem>>[vector<16xi32>], vector<16xf32>,
        %parallel_loop3A_441 = arith.constant 38912 : i32
        %parallel_loop3A_442 = vector.broadcast %parallel_loop3A_441 : i32 to vector<16xi32>
        %parallel_loop3A_443 = arith.addi %parallel_loop3A_250, %parallel_loop3A_442 : vector<16xi32>
        %parallel_loop3A_444 = arith.constant 0 : i32
        %parallel_loop3A_445 = arith.constant 19 : i32
        %parallel_loop3A_446 = arith.index_cast %parallel_loop3A_444 : i32 to index
        %parallel_loop3A_447 = arith.index_cast %parallel_loop3A_445 : i32 to index
        %parallel_loop3A_448 = arith.index_cast %parallel_loop3A_225 : i32 to index
        %parallel_loop3A_449 = arith.index_cast %parallel_loop3A_243 : i32 to index
        %parallel_loop3A_450 = tpu.vector_load %arg6[%parallel_loop3A_446, %parallel_loop3A_447, %parallel_loop3A_448, %parallel_loop3A_449] {strides = array<i32>} : memref<2x32x2x256xf32, #tpu.memory_space<vmem>>, vector<16xf32>,
        tpu.vector_store_idx %arg7[%parallel_loop3A_443], %parallel_loop3A_450 {add = true} : memref<67584xf32, #tpu.memory_space<vmem>>[vector<16xi32>], vector<16xf32>,
        %parallel_loop3A_451 = arith.constant 40960 : i32
        %parallel_loop3A_452 = vector.broadcast %parallel_loop3A_451 : i32 to vector<16xi32>
        %parallel_loop3A_453 = arith.addi %parallel_loop3A_250, %parallel_loop3A_452 : vector<16xi32>
        %parallel_loop3A_454 = arith.constant 0 : i32
        %parallel_loop3A_455 = arith.constant 20 : i32
        %parallel_loop3A_456 = arith.index_cast %parallel_loop3A_454 : i32 to index
        %parallel_loop3A_457 = arith.index_cast %parallel_loop3A_455 : i32 to index
        %parallel_loop3A_458 = arith.index_cast %parallel_loop3A_225 : i32 to index
        %parallel_loop3A_459 = arith.index_cast %parallel_loop3A_243 : i32 to index
        %parallel_loop3A_460 = tpu.vector_load %arg6[%parallel_loop3A_456, %parallel_loop3A_457, %parallel_loop3A_458, %parallel_loop3A_459] {strides = array<i32>} : memref<2x32x2x256xf32, #tpu.memory_space<vmem>>, vector<16xf32>,
        tpu.vector_store_idx %arg7[%parallel_loop3A_453], %parallel_loop3A_460 {add = true} : memref<67584xf32, #tpu.memory_space<vmem>>[vector<16xi32>], vector<16xf32>,
        %parallel_loop3A_461 = arith.constant 43008 : i32
        %parallel_loop3A_462 = vector.broadcast %parallel_loop3A_461 : i32 to vector<16xi32>
        %parallel_loop3A_463 = arith.addi %parallel_loop3A_250, %parallel_loop3A_462 : vector<16xi32>
        %parallel_loop3A_464 = arith.constant 0 : i32
        %parallel_loop3A_465 = arith.constant 21 : i32
        %parallel_loop3A_466 = arith.index_cast %parallel_loop3A_464 : i32 to index
        %parallel_loop3A_467 = arith.index_cast %parallel_loop3A_465 : i32 to index
        %parallel_loop3A_468 = arith.index_cast %parallel_loop3A_225 : i32 to index
        %parallel_loop3A_469 = arith.index_cast %parallel_loop3A_243 : i32 to index
        %parallel_loop3A_470 = tpu.vector_load %arg6[%parallel_loop3A_466, %parallel_loop3A_467, %parallel_loop3A_468, %parallel_loop3A_469] {strides = array<i32>} : memref<2x32x2x256xf32, #tpu.memory_space<vmem>>, vector<16xf32>,
        tpu.vector_store_idx %arg7[%parallel_loop3A_463], %parallel_loop3A_470 {add = true} : memref<67584xf32, #tpu.memory_space<vmem>>[vector<16xi32>], vector<16xf32>,
        %parallel_loop3A_471 = arith.constant 45056 : i32
        %parallel_loop3A_472 = vector.broadcast %parallel_loop3A_471 : i32 to vector<16xi32>
        %parallel_loop3A_473 = arith.addi %parallel_loop3A_250, %parallel_loop3A_472 : vector<16xi32>
        %parallel_loop3A_474 = arith.constant 0 : i32
        %parallel_loop3A_475 = arith.constant 22 : i32
        %parallel_loop3A_476 = arith.index_cast %parallel_loop3A_474 : i32 to index
        %parallel_loop3A_477 = arith.index_cast %parallel_loop3A_475 : i32 to index
        %parallel_loop3A_478 = arith.index_cast %parallel_loop3A_225 : i32 to index
        %parallel_loop3A_479 = arith.index_cast %parallel_loop3A_243 : i32 to index
        %parallel_loop3A_480 = tpu.vector_load %arg6[%parallel_loop3A_476, %parallel_loop3A_477, %parallel_loop3A_478, %parallel_loop3A_479] {strides = array<i32>} : memref<2x32x2x256xf32, #tpu.memory_space<vmem>>, vector<16xf32>,
        tpu.vector_store_idx %arg7[%parallel_loop3A_473], %parallel_loop3A_480 {add = true} : memref<67584xf32, #tpu.memory_space<vmem>>[vector<16xi32>], vector<16xf32>,
        %parallel_loop3A_481 = arith.constant 47104 : i32
        %parallel_loop3A_482 = vector.broadcast %parallel_loop3A_481 : i32 to vector<16xi32>
        %parallel_loop3A_483 = arith.addi %parallel_loop3A_250, %parallel_loop3A_482 : vector<16xi32>
        %parallel_loop3A_484 = arith.constant 0 : i32
        %parallel_loop3A_485 = arith.constant 23 : i32
        %parallel_loop3A_486 = arith.index_cast %parallel_loop3A_484 : i32 to index
        %parallel_loop3A_487 = arith.index_cast %parallel_loop3A_485 : i32 to index
        %parallel_loop3A_488 = arith.index_cast %parallel_loop3A_225 : i32 to index
        %parallel_loop3A_489 = arith.index_cast %parallel_loop3A_243 : i32 to index
        %parallel_loop3A_490 = tpu.vector_load %arg6[%parallel_loop3A_486, %parallel_loop3A_487, %parallel_loop3A_488, %parallel_loop3A_489] {strides = array<i32>} : memref<2x32x2x256xf32, #tpu.memory_space<vmem>>, vector<16xf32>,
        tpu.vector_store_idx %arg7[%parallel_loop3A_483], %parallel_loop3A_490 {add = true} : memref<67584xf32, #tpu.memory_space<vmem>>[vector<16xi32>], vector<16xf32>,
        %parallel_loop3A_491 = arith.constant 49152 : i32
        %parallel_loop3A_492 = vector.broadcast %parallel_loop3A_491 : i32 to vector<16xi32>
        %parallel_loop3A_493 = arith.addi %parallel_loop3A_250, %parallel_loop3A_492 : vector<16xi32>
        %parallel_loop3A_494 = arith.constant 0 : i32
        %parallel_loop3A_495 = arith.constant 24 : i32
        %parallel_loop3A_496 = arith.index_cast %parallel_loop3A_494 : i32 to index
        %parallel_loop3A_497 = arith.index_cast %parallel_loop3A_495 : i32 to index
        %parallel_loop3A_498 = arith.index_cast %parallel_loop3A_225 : i32 to index
        %parallel_loop3A_499 = arith.index_cast %parallel_loop3A_243 : i32 to index
        %parallel_loop3A_500 = tpu.vector_load %arg6[%parallel_loop3A_496, %parallel_loop3A_497, %parallel_loop3A_498, %parallel_loop3A_499] {strides = array<i32>} : memref<2x32x2x256xf32, #tpu.memory_space<vmem>>, vector<16xf32>,
        tpu.vector_store_idx %arg7[%parallel_loop3A_493], %parallel_loop3A_500 {add = true} : memref<67584xf32, #tpu.memory_space<vmem>>[vector<16xi32>], vector<16xf32>,
        %parallel_loop3A_501 = arith.constant 51200 : i32
        %parallel_loop3A_502 = vector.broadcast %parallel_loop3A_501 : i32 to vector<16xi32>
        %parallel_loop3A_503 = arith.addi %parallel_loop3A_250, %parallel_loop3A_502 : vector<16xi32>
        %parallel_loop3A_504 = arith.constant 0 : i32
        %parallel_loop3A_505 = arith.constant 25 : i32
        %parallel_loop3A_506 = arith.index_cast %parallel_loop3A_504 : i32 to index
        %parallel_loop3A_507 = arith.index_cast %parallel_loop3A_505 : i32 to index
        %parallel_loop3A_508 = arith.index_cast %parallel_loop3A_225 : i32 to index
        %parallel_loop3A_509 = arith.index_cast %parallel_loop3A_243 : i32 to index
        %parallel_loop3A_510 = tpu.vector_load %arg6[%parallel_loop3A_506, %parallel_loop3A_507, %parallel_loop3A_508, %parallel_loop3A_509] {strides = array<i32>} : memref<2x32x2x256xf32, #tpu.memory_space<vmem>>, vector<16xf32>,
        tpu.vector_store_idx %arg7[%parallel_loop3A_503], %parallel_loop3A_510 {add = true} : memref<67584xf32, #tpu.memory_space<vmem>>[vector<16xi32>], vector<16xf32>,
        %parallel_loop3A_511 = arith.constant 53248 : i32
        %parallel_loop3A_512 = vector.broadcast %parallel_loop3A_511 : i32 to vector<16xi32>
        %parallel_loop3A_513 = arith.addi %parallel_loop3A_250, %parallel_loop3A_512 : vector<16xi32>
        %parallel_loop3A_514 = arith.constant 0 : i32
        %parallel_loop3A_515 = arith.constant 26 : i32
        %parallel_loop3A_516 = arith.index_cast %parallel_loop3A_514 : i32 to index
        %parallel_loop3A_517 = arith.index_cast %parallel_loop3A_515 : i32 to index
        %parallel_loop3A_518 = arith.index_cast %parallel_loop3A_225 : i32 to index
        %parallel_loop3A_519 = arith.index_cast %parallel_loop3A_243 : i32 to index
        %parallel_loop3A_520 = tpu.vector_load %arg6[%parallel_loop3A_516, %parallel_loop3A_517, %parallel_loop3A_518, %parallel_loop3A_519] {strides = array<i32>} : memref<2x32x2x256xf32, #tpu.memory_space<vmem>>, vector<16xf32>,
        tpu.vector_store_idx %arg7[%parallel_loop3A_513], %parallel_loop3A_520 {add = true} : memref<67584xf32, #tpu.memory_space<vmem>>[vector<16xi32>], vector<16xf32>,
        %parallel_loop3A_521 = arith.constant 55296 : i32
        %parallel_loop3A_522 = vector.broadcast %parallel_loop3A_521 : i32 to vector<16xi32>
        %parallel_loop3A_523 = arith.addi %parallel_loop3A_250, %parallel_loop3A_522 : vector<16xi32>
        %parallel_loop3A_524 = arith.constant 0 : i32
        %parallel_loop3A_525 = arith.constant 27 : i32
        %parallel_loop3A_526 = arith.index_cast %parallel_loop3A_524 : i32 to index
        %parallel_loop3A_527 = arith.index_cast %parallel_loop3A_525 : i32 to index
        %parallel_loop3A_528 = arith.index_cast %parallel_loop3A_225 : i32 to index
        %parallel_loop3A_529 = arith.index_cast %parallel_loop3A_243 : i32 to index
        %parallel_loop3A_530 = tpu.vector_load %arg6[%parallel_loop3A_526, %parallel_loop3A_527, %parallel_loop3A_528, %parallel_loop3A_529] {strides = array<i32>} : memref<2x32x2x256xf32, #tpu.memory_space<vmem>>, vector<16xf32>,
        tpu.vector_store_idx %arg7[%parallel_loop3A_523], %parallel_loop3A_530 {add = true} : memref<67584xf32, #tpu.memory_space<vmem>>[vector<16xi32>], vector<16xf32>,
        %parallel_loop3A_531 = arith.constant 57344 : i32
        %parallel_loop3A_532 = vector.broadcast %parallel_loop3A_531 : i32 to vector<16xi32>
        %parallel_loop3A_533 = arith.addi %parallel_loop3A_250, %parallel_loop3A_532 : vector<16xi32>
        %parallel_loop3A_534 = arith.constant 0 : i32
        %parallel_loop3A_535 = arith.constant 28 : i32
        %parallel_loop3A_536 = arith.index_cast %parallel_loop3A_534 : i32 to index
        %parallel_loop3A_537 = arith.index_cast %parallel_loop3A_535 : i32 to index
        %parallel_loop3A_538 = arith.index_cast %parallel_loop3A_225 : i32 to index
        %parallel_loop3A_539 = arith.index_cast %parallel_loop3A_243 : i32 to index
        %parallel_loop3A_540 = tpu.vector_load %arg6[%parallel_loop3A_536, %parallel_loop3A_537, %parallel_loop3A_538, %parallel_loop3A_539] {strides = array<i32>} : memref<2x32x2x256xf32, #tpu.memory_space<vmem>>, vector<16xf32>,
        tpu.vector_store_idx %arg7[%parallel_loop3A_533], %parallel_loop3A_540 {add = true} : memref<67584xf32, #tpu.memory_space<vmem>>[vector<16xi32>], vector<16xf32>,
        %parallel_loop3A_541 = arith.constant 59392 : i32
        %parallel_loop3A_542 = vector.broadcast %parallel_loop3A_541 : i32 to vector<16xi32>
        %parallel_loop3A_543 = arith.addi %parallel_loop3A_250, %parallel_loop3A_542 : vector<16xi32>
        %parallel_loop3A_544 = arith.constant 0 : i32
        %parallel_loop3A_545 = arith.constant 29 : i32
        %parallel_loop3A_546 = arith.index_cast %parallel_loop3A_544 : i32 to index
        %parallel_loop3A_547 = arith.index_cast %parallel_loop3A_545 : i32 to index
        %parallel_loop3A_548 = arith.index_cast %parallel_loop3A_225 : i32 to index
        %parallel_loop3A_549 = arith.index_cast %parallel_loop3A_243 : i32 to index
        %parallel_loop3A_550 = tpu.vector_load %arg6[%parallel_loop3A_546, %parallel_loop3A_547, %parallel_loop3A_548, %parallel_loop3A_549] {strides = array<i32>} : memref<2x32x2x256xf32, #tpu.memory_space<vmem>>, vector<16xf32>,
        tpu.vector_store_idx %arg7[%parallel_loop3A_543], %parallel_loop3A_550 {add = true} : memref<67584xf32, #tpu.memory_space<vmem>>[vector<16xi32>], vector<16xf32>,
        %parallel_loop3A_551 = arith.constant 61440 : i32
        %parallel_loop3A_552 = vector.broadcast %parallel_loop3A_551 : i32 to vector<16xi32>
        %parallel_loop3A_553 = arith.addi %parallel_loop3A_250, %parallel_loop3A_552 : vector<16xi32>
        %parallel_loop3A_554 = arith.constant 0 : i32
        %parallel_loop3A_555 = arith.constant 30 : i32
        %parallel_loop3A_556 = arith.index_cast %parallel_loop3A_554 : i32 to index
        %parallel_loop3A_557 = arith.index_cast %parallel_loop3A_555 : i32 to index
        %parallel_loop3A_558 = arith.index_cast %parallel_loop3A_225 : i32 to index
        %parallel_loop3A_559 = arith.index_cast %parallel_loop3A_243 : i32 to index
        %parallel_loop3A_560 = tpu.vector_load %arg6[%parallel_loop3A_556, %parallel_loop3A_557, %parallel_loop3A_558, %parallel_loop3A_559] {strides = array<i32>} : memref<2x32x2x256xf32, #tpu.memory_space<vmem>>, vector<16xf32>,
        tpu.vector_store_idx %arg7[%parallel_loop3A_553], %parallel_loop3A_560 {add = true} : memref<67584xf32, #tpu.memory_space<vmem>>[vector<16xi32>], vector<16xf32>,
        %parallel_loop3A_561 = arith.constant 63488 : i32
        %parallel_loop3A_562 = vector.broadcast %parallel_loop3A_561 : i32 to vector<16xi32>
        %parallel_loop3A_563 = arith.addi %parallel_loop3A_250, %parallel_loop3A_562 : vector<16xi32>
        %parallel_loop3A_564 = arith.constant 0 : i32
        %parallel_loop3A_565 = arith.constant 31 : i32
        %parallel_loop3A_566 = arith.index_cast %parallel_loop3A_564 : i32 to index
        %parallel_loop3A_567 = arith.index_cast %parallel_loop3A_565 : i32 to index
        %parallel_loop3A_568 = arith.index_cast %parallel_loop3A_225 : i32 to index
        %parallel_loop3A_569 = arith.index_cast %parallel_loop3A_243 : i32 to index
        %parallel_loop3A_570 = tpu.vector_load %arg6[%parallel_loop3A_566, %parallel_loop3A_567, %parallel_loop3A_568, %parallel_loop3A_569] {strides = array<i32>} : memref<2x32x2x256xf32, #tpu.memory_space<vmem>>, vector<16xf32>,
        tpu.vector_store_idx %arg7[%parallel_loop3A_563], %parallel_loop3A_570 {add = true} : memref<67584xf32, #tpu.memory_space<vmem>>[vector<16xi32>], vector<16xf32>,
        %parallel_loop3A_571 = arith.constant 65536 : i32
        %parallel_loop3A_572 = vector.broadcast %parallel_loop3A_571 : i32 to vector<16xi32>
        %parallel_loop3A_573 = arith.addi %parallel_loop3A_250, %parallel_loop3A_572 : vector<16xi32>
        tpu.vector_store_idx %arg7[%parallel_loop3A_573], %broadcast_in_dim3A_114 {add = true} : memref<67584xf32, #tpu.memory_space<vmem>>[vector<16xi32>], vector<16xf32>,
      } {sc.loop_unroll_factor = 1 : i64, sc.parallel_access}
      %mul3A_163 = arith.constant 2 : i32
      %mul3A_164 = arith.muli %mul3A_163, %scan3A_127 : i32
      %add3A_165 = arith.constant 1 : i32
      %add3A_166 = arith.addi %mul3A_164, %add3A_165 : i32
      %add3A_167 = arith.constant 2 : i32
      %add3A_168 = arith.addi %add3A_166, %add3A_167 : i32
      %sub3A_169 = arith.constant 1 : i32
      %sub3A_170 = arith.subi %add3A_168, %sub3A_169 : i32
      %lt3A_171 = arith.constant 32 : i32
      %lt3A_172 = arith.cmpi slt, %sub3A_170, %lt3A_171 : i32
      %convert_element_type3A_173 = arith.extui %lt3A_172 : i1 to i32
      %cond3A_174 = arith.constant 0 : i32
      %cond3A_175 = arith.cmpi ne, %convert_element_type3A_173, %cond3A_174 : i32
      scf.if %cond3A_175 {
        %add3A_201 = arith.constant 2 : i32
        %add3A_202 = arith.addi %add3A_166, %add3A_201 : i32
        %sub3A_203 = arith.constant 1 : i32
        %sub3A_204 = arith.subi %add3A_202, %sub3A_203 : i32
        %mul3A_205 = arith.constant 2 : i32
        %mul3A_206 = arith.muli %sub3A_204, %mul3A_205 : i32
        %add3A_207 = arith.addi %mul3A_72, %mul3A_206 : i32
        %dma_start3A_208 = arith.constant 0 : i32
        %dma_start3A_209 = arith.constant 0 : i32
        %dma_start3A_210 = arith.constant 0 : i32
        %dma_start3A_211 = arith.constant 0 : i32
        %dma_start3A_212 = tpu.memref_slice %arg6[%dma_start3A_208, %dma_start3A_209, %dma_start3A_210, %dma_start3A_211] : memref<2x32x2x256xf32, #tpu.memory_space<vmem>> -> memref<1x32x2x256xf32, #tpu.memory_space<vmem>>
        %dma_start3A_213 = tpu.memref_squeeze %dma_start3A_212 : memref<1x32x2x256xf32, #tpu.memory_space<vmem>> -> memref<32x2x256xf32, #tpu.memory_space<vmem>>
        %dma_start3A_214 = arith.constant 0 : i32
        %dma_start3A_215 = arith.constant 0 : i32
        %dma_start3A_216 = tpu.memref_slice %arg2[%select_n3A_40, %select_n3A_54, %dma_start3A_214, %add3A_207, %dma_start3A_215] : memref<2x4x32x256x256xf32, #tpu.memory_space<hbm>> -> memref<1x1x32x2x256xf32, #tpu.memory_space<hbm>>
        %dma_start3A_217 = tpu.memref_squeeze %dma_start3A_216 : memref<1x1x32x2x256xf32, #tpu.memory_space<hbm>> -> memref<32x2x256xf32, #tpu.memory_space<hbm>>
        %dma_start3A_218 = arith.constant 0 : i32
        %dma_start3A_219 = arith.constant 0 : i32
        %dma_start3A_220 = arith.constant 0 : i32
        %dma_start3A_221 = tpu.memref_slice %arg6[%dma_start3A_208, %dma_start3A_218, %dma_start3A_219, %dma_start3A_220] : memref<2x32x2x256xf32, #tpu.memory_space<vmem>> -> memref<1x32x2x256xf32, #tpu.memory_space<vmem>>
        %dma_start3A_222 = tpu.memref_squeeze %dma_start3A_221 : memref<1x32x2x256xf32, #tpu.memory_space<vmem>> -> memref<32x2x256xf32, #tpu.memory_space<vmem>>
        %dma_start3A_223 = arith.constant 0 : i32
        %dma_start3A_224 = arith.constant 0 : i32
        %dma_start3A_225 = tpu.memref_slice %arg2[%select_n3A_40, %select_n3A_54, %dma_start3A_223, %add3A_207, %dma_start3A_224] : memref<2x4x32x256x256xf32, #tpu.memory_space<hbm>> -> memref<1x1x32x2x256xf32, #tpu.memory_space<hbm>>
        %dma_start3A_226 = tpu.memref_squeeze %dma_start3A_225 : memref<1x1x32x2x256xf32, #tpu.memory_space<hbm>> -> memref<32x2x256xf32, #tpu.memory_space<hbm>>
        tpu.enqueue_dma source(%dma_start3A_226 : memref<32x2x256xf32, #tpu.memory_space<hbm>>) target(%dma_start3A_222 : memref<32x2x256xf32, #tpu.memory_space<vmem>>) target_semaphore(%arg10 : memref<!tpu.dma_semaphore, #tpu.memory_space<semaphore_mem>>)
      } else {
      }
      %mul3A_176 = arith.constant 2 : i32
      %mul3A_177 = arith.muli %add3A_166, %mul3A_176 : i32
      %add3A_178 = arith.addi %mul3A_72, %mul3A_177 : i32
      %dma_wait3A_179 = arith.constant 1 : i32
      %dma_wait3A_180 = arith.constant 0 : i32
      %dma_wait3A_181 = arith.constant 0 : i32
      %dma_wait3A_182 = arith.constant 0 : i32
      %dma_wait3A_183 = tpu.memref_slice %arg6[%dma_wait3A_179, %dma_wait3A_180, %dma_wait3A_181, %dma_wait3A_182] : memref<2x32x2x256xf32, #tpu.memory_space<vmem>> -> memref<1x32x2x256xf32, #tpu.memory_space<vmem>>
      %dma_wait3A_184 = tpu.memref_squeeze %dma_wait3A_183 : memref<1x32x2x256xf32, #tpu.memory_space<vmem>> -> memref<32x2x256xf32, #tpu.memory_space<vmem>>
      %dma_wait3A_185 = arith.constant 0 : i32
      %dma_wait3A_186 = arith.constant 0 : i32
      %dma_wait3A_187 = tpu.memref_slice %arg2[%select_n3A_40, %select_n3A_54, %dma_wait3A_185, %add3A_178, %dma_wait3A_186] : memref<2x4x32x256x256xf32, #tpu.memory_space<hbm>> -> memref<1x1x32x2x256xf32, #tpu.memory_space<hbm>>
      %dma_wait3A_188 = tpu.memref_squeeze %dma_wait3A_187 : memref<1x1x32x2x256xf32, #tpu.memory_space<hbm>> -> memref<32x2x256xf32, #tpu.memory_space<hbm>>
      %dma_wait3A_189 = arith.constant 0 : i32
      %dma_wait3A_190 = arith.constant 0 : i32
      %dma_wait3A_191 = arith.constant 0 : i32
      %dma_wait3A_192 = tpu.memref_slice %arg6[%dma_wait3A_179, %dma_wait3A_189, %dma_wait3A_190, %dma_wait3A_191] : memref<2x32x2x256xf32, #tpu.memory_space<vmem>> -> memref<1x32x2x256xf32, #tpu.memory_space<vmem>>
      %dma_wait3A_193 = tpu.memref_squeeze %dma_wait3A_192 : memref<1x32x2x256xf32, #tpu.memory_space<vmem>> -> memref<32x2x256xf32, #tpu.memory_space<vmem>>
      %dma_wait3A_194 = arith.constant 0 : i32
      %dma_wait3A_195 = arith.constant 0 : i32
      %dma_wait3A_196 = tpu.memref_slice %arg2[%select_n3A_40, %select_n3A_54, %dma_wait3A_194, %add3A_178, %dma_wait3A_195] : memref<2x4x32x256x256xf32, #tpu.memory_space<hbm>> -> memref<1x1x32x2x256xf32, #tpu.memory_space<hbm>>
      %dma_wait3A_197 = tpu.memref_squeeze %dma_wait3A_196 : memref<1x1x32x2x256xf32, #tpu.memory_space<hbm>> -> memref<32x2x256xf32, #tpu.memory_space<hbm>>
      tpu.wait_dma2 semaphore(%arg11 : memref<!tpu.dma_semaphore, #tpu.memory_space<semaphore_mem>>) src(%dma_wait3A_197 : memref<32x2x256xf32, #tpu.memory_space<hbm>>) dst(%dma_wait3A_193 : memref<32x2x256xf32, #tpu.memory_space<vmem>>)
      %parallel_loop3A_198 = arith.constant 0 : i32
      %parallel_loop3A_199 = arith.constant 32 : i32
      %parallel_loop3A_200 = arith.constant 1 : i32
      scf.for %parallel_loop3A_201 = %parallel_loop3A_198 to %parallel_loop3A_199 step %parallel_loop3A_200  : i32 {
        %parallel_loop3A_202 = arith.constant 16 : i32
        %parallel_loop3A_203 = arith.divsi %parallel_loop3A_201, %parallel_loop3A_202 : i32
        %parallel_loop3A_204 = arith.constant 0 : i32
        %parallel_loop3A_205 = arith.cmpi sgt, %parallel_loop3A_201, %parallel_loop3A_204 : i32
        %parallel_loop3A_206 = arith.extui %parallel_loop3A_205 : i1 to i32
        %parallel_loop3A_207 = arith.constant 0 : i32
        %parallel_loop3A_208 = arith.cmpi slt, %parallel_loop3A_201, %parallel_loop3A_207 : i32
        %parallel_loop3A_209 = arith.extui %parallel_loop3A_208 : i1 to i32
        %parallel_loop3A_210 = arith.subi %parallel_loop3A_206, %parallel_loop3A_209 : i32
        %parallel_loop3A_211 = arith.constant 0 : i32
        %parallel_loop3A_212 = arith.cmpi sgt, %parallel_loop3A_202, %parallel_loop3A_211 : i32
        %parallel_loop3A_213 = arith.extui %parallel_loop3A_212 : i1 to i32
        %parallel_loop3A_214 = arith.constant 0 : i32
        %parallel_loop3A_215 = arith.cmpi slt, %parallel_loop3A_202, %parallel_loop3A_214 : i32
        %parallel_loop3A_216 = arith.extui %parallel_loop3A_215 : i1 to i32
        %parallel_loop3A_217 = arith.subi %parallel_loop3A_213, %parallel_loop3A_216 : i32
        %parallel_loop3A_218 = arith.cmpi ne, %parallel_loop3A_210, %parallel_loop3A_217 : i32
        %parallel_loop3A_219 = arith.remsi %parallel_loop3A_201, %parallel_loop3A_202 : i32
        %parallel_loop3A_220 = arith.constant 0 : i32
        %parallel_loop3A_221 = arith.cmpi ne, %parallel_loop3A_219, %parallel_loop3A_220 : i32
        %parallel_loop3A_222 = arith.andi %parallel_loop3A_218, %parallel_loop3A_221 : i1
        %parallel_loop3A_223 = arith.constant 1 : i32
        %parallel_loop3A_224 = arith.subi %parallel_loop3A_203, %parallel_loop3A_223 : i32
        %parallel_loop3A_225 = arith.select %parallel_loop3A_222, %parallel_loop3A_224, %parallel_loop3A_203 : i32
        %parallel_loop3A_226 = arith.constant 16 : i32
        %parallel_loop3A_227 = arith.constant 0 : i32
        %parallel_loop3A_228 = arith.cmpi eq, %parallel_loop3A_226, %parallel_loop3A_227 : i32
        %parallel_loop3A_229 = arith.constant 1 : i32
        %parallel_loop3A_230 = arith.select %parallel_loop3A_228, %parallel_loop3A_229, %parallel_loop3A_226 : i32
        %parallel_loop3A_231 = arith.remsi %parallel_loop3A_201, %parallel_loop3A_230 : i32
        %parallel_loop3A_232 = arith.constant 0 : i32
        %parallel_loop3A_233 = arith.cmpi ne, %parallel_loop3A_231, %parallel_loop3A_232 : i32
        %parallel_loop3A_234 = arith.constant 0 : i32
        %parallel_loop3A_235 = arith.cmpi slt, %parallel_loop3A_231, %parallel_loop3A_234 : i32
        %parallel_loop3A_236 = arith.constant 0 : i32
        %parallel_loop3A_237 = arith.cmpi slt, %parallel_loop3A_230, %parallel_loop3A_236 : i32
        %parallel_loop3A_238 = arith.xori %parallel_loop3A_235, %parallel_loop3A_237 : i1
        %parallel_loop3A_239 = arith.andi %parallel_loop3A_238, %parallel_loop3A_233 : i1
        %parallel_loop3A_240 = arith.addi %parallel_loop3A_231, %parallel_loop3A_230 : i32
        %parallel_loop3A_241 = arith.select %parallel_loop3A_239, %parallel_loop3A_240, %parallel_loop3A_231 : i32
        %parallel_loop3A_242 = arith.constant 16 : i32
        %parallel_loop3A_243 = arith.muli %parallel_loop3A_241, %parallel_loop3A_242 : i32
        %parallel_loop3A_244 = arith.constant 2 : i32
        %parallel_loop3A_245 = arith.muli %add3A_166, %parallel_loop3A_244 : i32
        %parallel_loop3A_246 = arith.addi %parallel_loop3A_245, %parallel_loop3A_225 : i32
        %parallel_loop3A_247 = arith.index_cast %parallel_loop3A_246 : i32 to index
        %parallel_loop3A_248 = arith.index_cast %parallel_loop3A_243 : i32 to index
        %parallel_loop3A_249 = tpu.vector_load %arg5[%parallel_loop3A_247, %parallel_loop3A_248] {strides = array<i32>} : memref<64x256xi32, #tpu.memory_space<vmem>>, vector<16xi32>,
        %parallel_loop3A_250 = arith.addi %parallel_loop3A_249, %mul3A_112 : vector<16xi32>
        %parallel_loop3A_251 = arith.constant 0 : i32
        %parallel_loop3A_252 = vector.broadcast %parallel_loop3A_251 : i32 to vector<16xi32>
        %parallel_loop3A_253 = arith.addi %parallel_loop3A_250, %parallel_loop3A_252 : vector<16xi32>
        %parallel_loop3A_254 = arith.constant 1 : i32
        %parallel_loop3A_255 = arith.constant 0 : i32
        %parallel_loop3A_256 = arith.index_cast %parallel_loop3A_254 : i32 to index
        %parallel_loop3A_257 = arith.index_cast %parallel_loop3A_255 : i32 to index
        %parallel_loop3A_258 = arith.index_cast %parallel_loop3A_225 : i32 to index
        %parallel_loop3A_259 = arith.index_cast %parallel_loop3A_243 : i32 to index
        %parallel_loop3A_260 = tpu.vector_load %arg6[%parallel_loop3A_256, %parallel_loop3A_257, %parallel_loop3A_258, %parallel_loop3A_259] {strides = array<i32>} : memref<2x32x2x256xf32, #tpu.memory_space<vmem>>, vector<16xf32>,
        tpu.vector_store_idx %arg7[%parallel_loop3A_253], %parallel_loop3A_260 {add = true} : memref<67584xf32, #tpu.memory_space<vmem>>[vector<16xi32>], vector<16xf32>,
        %parallel_loop3A_261 = arith.constant 2048 : i32
        %parallel_loop3A_262 = vector.broadcast %parallel_loop3A_261 : i32 to vector<16xi32>
        %parallel_loop3A_263 = arith.addi %parallel_loop3A_250, %parallel_loop3A_262 : vector<16xi32>
        %parallel_loop3A_264 = arith.constant 1 : i32
        %parallel_loop3A_265 = arith.constant 1 : i32
        %parallel_loop3A_266 = arith.index_cast %parallel_loop3A_264 : i32 to index
        %parallel_loop3A_267 = arith.index_cast %parallel_loop3A_265 : i32 to index
        %parallel_loop3A_268 = arith.index_cast %parallel_loop3A_225 : i32 to index
        %parallel_loop3A_269 = arith.index_cast %parallel_loop3A_243 : i32 to index
        %parallel_loop3A_270 = tpu.vector_load %arg6[%parallel_loop3A_266, %parallel_loop3A_267, %parallel_loop3A_268, %parallel_loop3A_269] {strides = array<i32>} : memref<2x32x2x256xf32, #tpu.memory_space<vmem>>, vector<16xf32>,
        tpu.vector_store_idx %arg7[%parallel_loop3A_263], %parallel_loop3A_270 {add = true} : memref<67584xf32, #tpu.memory_space<vmem>>[vector<16xi32>], vector<16xf32>,
        %parallel_loop3A_271 = arith.constant 4096 : i32
        %parallel_loop3A_272 = vector.broadcast %parallel_loop3A_271 : i32 to vector<16xi32>
        %parallel_loop3A_273 = arith.addi %parallel_loop3A_250, %parallel_loop3A_272 : vector<16xi32>
        %parallel_loop3A_274 = arith.constant 1 : i32
        %parallel_loop3A_275 = arith.constant 2 : i32
        %parallel_loop3A_276 = arith.index_cast %parallel_loop3A_274 : i32 to index
        %parallel_loop3A_277 = arith.index_cast %parallel_loop3A_275 : i32 to index
        %parallel_loop3A_278 = arith.index_cast %parallel_loop3A_225 : i32 to index
        %parallel_loop3A_279 = arith.index_cast %parallel_loop3A_243 : i32 to index
        %parallel_loop3A_280 = tpu.vector_load %arg6[%parallel_loop3A_276, %parallel_loop3A_277, %parallel_loop3A_278, %parallel_loop3A_279] {strides = array<i32>} : memref<2x32x2x256xf32, #tpu.memory_space<vmem>>, vector<16xf32>,
        tpu.vector_store_idx %arg7[%parallel_loop3A_273], %parallel_loop3A_280 {add = true} : memref<67584xf32, #tpu.memory_space<vmem>>[vector<16xi32>], vector<16xf32>,
        %parallel_loop3A_281 = arith.constant 6144 : i32
        %parallel_loop3A_282 = vector.broadcast %parallel_loop3A_281 : i32 to vector<16xi32>
        %parallel_loop3A_283 = arith.addi %parallel_loop3A_250, %parallel_loop3A_282 : vector<16xi32>
        %parallel_loop3A_284 = arith.constant 1 : i32
        %parallel_loop3A_285 = arith.constant 3 : i32
        %parallel_loop3A_286 = arith.index_cast %parallel_loop3A_284 : i32 to index
        %parallel_loop3A_287 = arith.index_cast %parallel_loop3A_285 : i32 to index
        %parallel_loop3A_288 = arith.index_cast %parallel_loop3A_225 : i32 to index
        %parallel_loop3A_289 = arith.index_cast %parallel_loop3A_243 : i32 to index
        %parallel_loop3A_290 = tpu.vector_load %arg6[%parallel_loop3A_286, %parallel_loop3A_287, %parallel_loop3A_288, %parallel_loop3A_289] {strides = array<i32>} : memref<2x32x2x256xf32, #tpu.memory_space<vmem>>, vector<16xf32>,
        tpu.vector_store_idx %arg7[%parallel_loop3A_283], %parallel_loop3A_290 {add = true} : memref<67584xf32, #tpu.memory_space<vmem>>[vector<16xi32>], vector<16xf32>,
        %parallel_loop3A_291 = arith.constant 8192 : i32
        %parallel_loop3A_292 = vector.broadcast %parallel_loop3A_291 : i32 to vector<16xi32>
        %parallel_loop3A_293 = arith.addi %parallel_loop3A_250, %parallel_loop3A_292 : vector<16xi32>
        %parallel_loop3A_294 = arith.constant 1 : i32
        %parallel_loop3A_295 = arith.constant 4 : i32
        %parallel_loop3A_296 = arith.index_cast %parallel_loop3A_294 : i32 to index
        %parallel_loop3A_297 = arith.index_cast %parallel_loop3A_295 : i32 to index
        %parallel_loop3A_298 = arith.index_cast %parallel_loop3A_225 : i32 to index
        %parallel_loop3A_299 = arith.index_cast %parallel_loop3A_243 : i32 to index
        %parallel_loop3A_300 = tpu.vector_load %arg6[%parallel_loop3A_296, %parallel_loop3A_297, %parallel_loop3A_298, %parallel_loop3A_299] {strides = array<i32>} : memref<2x32x2x256xf32, #tpu.memory_space<vmem>>, vector<16xf32>,
        tpu.vector_store_idx %arg7[%parallel_loop3A_293], %parallel_loop3A_300 {add = true} : memref<67584xf32, #tpu.memory_space<vmem>>[vector<16xi32>], vector<16xf32>,
        %parallel_loop3A_301 = arith.constant 10240 : i32
        %parallel_loop3A_302 = vector.broadcast %parallel_loop3A_301 : i32 to vector<16xi32>
        %parallel_loop3A_303 = arith.addi %parallel_loop3A_250, %parallel_loop3A_302 : vector<16xi32>
        %parallel_loop3A_304 = arith.constant 1 : i32
        %parallel_loop3A_305 = arith.constant 5 : i32
        %parallel_loop3A_306 = arith.index_cast %parallel_loop3A_304 : i32 to index
        %parallel_loop3A_307 = arith.index_cast %parallel_loop3A_305 : i32 to index
        %parallel_loop3A_308 = arith.index_cast %parallel_loop3A_225 : i32 to index
        %parallel_loop3A_309 = arith.index_cast %parallel_loop3A_243 : i32 to index
        %parallel_loop3A_310 = tpu.vector_load %arg6[%parallel_loop3A_306, %parallel_loop3A_307, %parallel_loop3A_308, %parallel_loop3A_309] {strides = array<i32>} : memref<2x32x2x256xf32, #tpu.memory_space<vmem>>, vector<16xf32>,
        tpu.vector_store_idx %arg7[%parallel_loop3A_303], %parallel_loop3A_310 {add = true} : memref<67584xf32, #tpu.memory_space<vmem>>[vector<16xi32>], vector<16xf32>,
        %parallel_loop3A_311 = arith.constant 12288 : i32
        %parallel_loop3A_312 = vector.broadcast %parallel_loop3A_311 : i32 to vector<16xi32>
        %parallel_loop3A_313 = arith.addi %parallel_loop3A_250, %parallel_loop3A_312 : vector<16xi32>
        %parallel_loop3A_314 = arith.constant 1 : i32
        %parallel_loop3A_315 = arith.constant 6 : i32
        %parallel_loop3A_316 = arith.index_cast %parallel_loop3A_314 : i32 to index
        %parallel_loop3A_317 = arith.index_cast %parallel_loop3A_315 : i32 to index
        %parallel_loop3A_318 = arith.index_cast %parallel_loop3A_225 : i32 to index
        %parallel_loop3A_319 = arith.index_cast %parallel_loop3A_243 : i32 to index
        %parallel_loop3A_320 = tpu.vector_load %arg6[%parallel_loop3A_316, %parallel_loop3A_317, %parallel_loop3A_318, %parallel_loop3A_319] {strides = array<i32>} : memref<2x32x2x256xf32, #tpu.memory_space<vmem>>, vector<16xf32>,
        tpu.vector_store_idx %arg7[%parallel_loop3A_313], %parallel_loop3A_320 {add = true} : memref<67584xf32, #tpu.memory_space<vmem>>[vector<16xi32>], vector<16xf32>,
        %parallel_loop3A_321 = arith.constant 14336 : i32
        %parallel_loop3A_322 = vector.broadcast %parallel_loop3A_321 : i32 to vector<16xi32>
        %parallel_loop3A_323 = arith.addi %parallel_loop3A_250, %parallel_loop3A_322 : vector<16xi32>
        %parallel_loop3A_324 = arith.constant 1 : i32
        %parallel_loop3A_325 = arith.constant 7 : i32
        %parallel_loop3A_326 = arith.index_cast %parallel_loop3A_324 : i32 to index
        %parallel_loop3A_327 = arith.index_cast %parallel_loop3A_325 : i32 to index
        %parallel_loop3A_328 = arith.index_cast %parallel_loop3A_225 : i32 to index
        %parallel_loop3A_329 = arith.index_cast %parallel_loop3A_243 : i32 to index
        %parallel_loop3A_330 = tpu.vector_load %arg6[%parallel_loop3A_326, %parallel_loop3A_327, %parallel_loop3A_328, %parallel_loop3A_329] {strides = array<i32>} : memref<2x32x2x256xf32, #tpu.memory_space<vmem>>, vector<16xf32>,
        tpu.vector_store_idx %arg7[%parallel_loop3A_323], %parallel_loop3A_330 {add = true} : memref<67584xf32, #tpu.memory_space<vmem>>[vector<16xi32>], vector<16xf32>,
        %parallel_loop3A_331 = arith.constant 16384 : i32
        %parallel_loop3A_332 = vector.broadcast %parallel_loop3A_331 : i32 to vector<16xi32>
        %parallel_loop3A_333 = arith.addi %parallel_loop3A_250, %parallel_loop3A_332 : vector<16xi32>
        %parallel_loop3A_334 = arith.constant 1 : i32
        %parallel_loop3A_335 = arith.constant 8 : i32
        %parallel_loop3A_336 = arith.index_cast %parallel_loop3A_334 : i32 to index
        %parallel_loop3A_337 = arith.index_cast %parallel_loop3A_335 : i32 to index
        %parallel_loop3A_338 = arith.index_cast %parallel_loop3A_225 : i32 to index
        %parallel_loop3A_339 = arith.index_cast %parallel_loop3A_243 : i32 to index
        %parallel_loop3A_340 = tpu.vector_load %arg6[%parallel_loop3A_336, %parallel_loop3A_337, %parallel_loop3A_338, %parallel_loop3A_339] {strides = array<i32>} : memref<2x32x2x256xf32, #tpu.memory_space<vmem>>, vector<16xf32>,
        tpu.vector_store_idx %arg7[%parallel_loop3A_333], %parallel_loop3A_340 {add = true} : memref<67584xf32, #tpu.memory_space<vmem>>[vector<16xi32>], vector<16xf32>,
        %parallel_loop3A_341 = arith.constant 18432 : i32
        %parallel_loop3A_342 = vector.broadcast %parallel_loop3A_341 : i32 to vector<16xi32>
        %parallel_loop3A_343 = arith.addi %parallel_loop3A_250, %parallel_loop3A_342 : vector<16xi32>
        %parallel_loop3A_344 = arith.constant 1 : i32
        %parallel_loop3A_345 = arith.constant 9 : i32
        %parallel_loop3A_346 = arith.index_cast %parallel_loop3A_344 : i32 to index
        %parallel_loop3A_347 = arith.index_cast %parallel_loop3A_345 : i32 to index
        %parallel_loop3A_348 = arith.index_cast %parallel_loop3A_225 : i32 to index
        %parallel_loop3A_349 = arith.index_cast %parallel_loop3A_243 : i32 to index
        %parallel_loop3A_350 = tpu.vector_load %arg6[%parallel_loop3A_346, %parallel_loop3A_347, %parallel_loop3A_348, %parallel_loop3A_349] {strides = array<i32>} : memref<2x32x2x256xf32, #tpu.memory_space<vmem>>, vector<16xf32>,
        tpu.vector_store_idx %arg7[%parallel_loop3A_343], %parallel_loop3A_350 {add = true} : memref<67584xf32, #tpu.memory_space<vmem>>[vector<16xi32>], vector<16xf32>,
        %parallel_loop3A_351 = arith.constant 20480 : i32
        %parallel_loop3A_352 = vector.broadcast %parallel_loop3A_351 : i32 to vector<16xi32>
        %parallel_loop3A_353 = arith.addi %parallel_loop3A_250, %parallel_loop3A_352 : vector<16xi32>
        %parallel_loop3A_354 = arith.constant 1 : i32
        %parallel_loop3A_355 = arith.constant 10 : i32
        %parallel_loop3A_356 = arith.index_cast %parallel_loop3A_354 : i32 to index
        %parallel_loop3A_357 = arith.index_cast %parallel_loop3A_355 : i32 to index
        %parallel_loop3A_358 = arith.index_cast %parallel_loop3A_225 : i32 to index
        %parallel_loop3A_359 = arith.index_cast %parallel_loop3A_243 : i32 to index
        %parallel_loop3A_360 = tpu.vector_load %arg6[%parallel_loop3A_356, %parallel_loop3A_357, %parallel_loop3A_358, %parallel_loop3A_359] {strides = array<i32>} : memref<2x32x2x256xf32, #tpu.memory_space<vmem>>, vector<16xf32>,
        tpu.vector_store_idx %arg7[%parallel_loop3A_353], %parallel_loop3A_360 {add = true} : memref<67584xf32, #tpu.memory_space<vmem>>[vector<16xi32>], vector<16xf32>,
        %parallel_loop3A_361 = arith.constant 22528 : i32
        %parallel_loop3A_362 = vector.broadcast %parallel_loop3A_361 : i32 to vector<16xi32>
        %parallel_loop3A_363 = arith.addi %parallel_loop3A_250, %parallel_loop3A_362 : vector<16xi32>
        %parallel_loop3A_364 = arith.constant 1 : i32
        %parallel_loop3A_365 = arith.constant 11 : i32
        %parallel_loop3A_366 = arith.index_cast %parallel_loop3A_364 : i32 to index
        %parallel_loop3A_367 = arith.index_cast %parallel_loop3A_365 : i32 to index
        %parallel_loop3A_368 = arith.index_cast %parallel_loop3A_225 : i32 to index
        %parallel_loop3A_369 = arith.index_cast %parallel_loop3A_243 : i32 to index
        %parallel_loop3A_370 = tpu.vector_load %arg6[%parallel_loop3A_366, %parallel_loop3A_367, %parallel_loop3A_368, %parallel_loop3A_369] {strides = array<i32>} : memref<2x32x2x256xf32, #tpu.memory_space<vmem>>, vector<16xf32>,
        tpu.vector_store_idx %arg7[%parallel_loop3A_363], %parallel_loop3A_370 {add = true} : memref<67584xf32, #tpu.memory_space<vmem>>[vector<16xi32>], vector<16xf32>,
        %parallel_loop3A_371 = arith.constant 24576 : i32
        %parallel_loop3A_372 = vector.broadcast %parallel_loop3A_371 : i32 to vector<16xi32>
        %parallel_loop3A_373 = arith.addi %parallel_loop3A_250, %parallel_loop3A_372 : vector<16xi32>
        %parallel_loop3A_374 = arith.constant 1 : i32
        %parallel_loop3A_375 = arith.constant 12 : i32
        %parallel_loop3A_376 = arith.index_cast %parallel_loop3A_374 : i32 to index
        %parallel_loop3A_377 = arith.index_cast %parallel_loop3A_375 : i32 to index
        %parallel_loop3A_378 = arith.index_cast %parallel_loop3A_225 : i32 to index
        %parallel_loop3A_379 = arith.index_cast %parallel_loop3A_243 : i32 to index
        %parallel_loop3A_380 = tpu.vector_load %arg6[%parallel_loop3A_376, %parallel_loop3A_377, %parallel_loop3A_378, %parallel_loop3A_379] {strides = array<i32>} : memref<2x32x2x256xf32, #tpu.memory_space<vmem>>, vector<16xf32>,
        tpu.vector_store_idx %arg7[%parallel_loop3A_373], %parallel_loop3A_380 {add = true} : memref<67584xf32, #tpu.memory_space<vmem>>[vector<16xi32>], vector<16xf32>,
        %parallel_loop3A_381 = arith.constant 26624 : i32
        %parallel_loop3A_382 = vector.broadcast %parallel_loop3A_381 : i32 to vector<16xi32>
        %parallel_loop3A_383 = arith.addi %parallel_loop3A_250, %parallel_loop3A_382 : vector<16xi32>
        %parallel_loop3A_384 = arith.constant 1 : i32
        %parallel_loop3A_385 = arith.constant 13 : i32
        %parallel_loop3A_386 = arith.index_cast %parallel_loop3A_384 : i32 to index
        %parallel_loop3A_387 = arith.index_cast %parallel_loop3A_385 : i32 to index
        %parallel_loop3A_388 = arith.index_cast %parallel_loop3A_225 : i32 to index
        %parallel_loop3A_389 = arith.index_cast %parallel_loop3A_243 : i32 to index
        %parallel_loop3A_390 = tpu.vector_load %arg6[%parallel_loop3A_386, %parallel_loop3A_387, %parallel_loop3A_388, %parallel_loop3A_389] {strides = array<i32>} : memref<2x32x2x256xf32, #tpu.memory_space<vmem>>, vector<16xf32>,
        tpu.vector_store_idx %arg7[%parallel_loop3A_383], %parallel_loop3A_390 {add = true} : memref<67584xf32, #tpu.memory_space<vmem>>[vector<16xi32>], vector<16xf32>,
        %parallel_loop3A_391 = arith.constant 28672 : i32
        %parallel_loop3A_392 = vector.broadcast %parallel_loop3A_391 : i32 to vector<16xi32>
        %parallel_loop3A_393 = arith.addi %parallel_loop3A_250, %parallel_loop3A_392 : vector<16xi32>
        %parallel_loop3A_394 = arith.constant 1 : i32
        %parallel_loop3A_395 = arith.constant 14 : i32
        %parallel_loop3A_396 = arith.index_cast %parallel_loop3A_394 : i32 to index
        %parallel_loop3A_397 = arith.index_cast %parallel_loop3A_395 : i32 to index
        %parallel_loop3A_398 = arith.index_cast %parallel_loop3A_225 : i32 to index
        %parallel_loop3A_399 = arith.index_cast %parallel_loop3A_243 : i32 to index
        %parallel_loop3A_400 = tpu.vector_load %arg6[%parallel_loop3A_396, %parallel_loop3A_397, %parallel_loop3A_398, %parallel_loop3A_399] {strides = array<i32>} : memref<2x32x2x256xf32, #tpu.memory_space<vmem>>, vector<16xf32>,
        tpu.vector_store_idx %arg7[%parallel_loop3A_393], %parallel_loop3A_400 {add = true} : memref<67584xf32, #tpu.memory_space<vmem>>[vector<16xi32>], vector<16xf32>,
        %parallel_loop3A_401 = arith.constant 30720 : i32
        %parallel_loop3A_402 = vector.broadcast %parallel_loop3A_401 : i32 to vector<16xi32>
        %parallel_loop3A_403 = arith.addi %parallel_loop3A_250, %parallel_loop3A_402 : vector<16xi32>
        %parallel_loop3A_404 = arith.constant 1 : i32
        %parallel_loop3A_405 = arith.constant 15 : i32
        %parallel_loop3A_406 = arith.index_cast %parallel_loop3A_404 : i32 to index
        %parallel_loop3A_407 = arith.index_cast %parallel_loop3A_405 : i32 to index
        %parallel_loop3A_408 = arith.index_cast %parallel_loop3A_225 : i32 to index
        %parallel_loop3A_409 = arith.index_cast %parallel_loop3A_243 : i32 to index
        %parallel_loop3A_410 = tpu.vector_load %arg6[%parallel_loop3A_406, %parallel_loop3A_407, %parallel_loop3A_408, %parallel_loop3A_409] {strides = array<i32>} : memref<2x32x2x256xf32, #tpu.memory_space<vmem>>, vector<16xf32>,
        tpu.vector_store_idx %arg7[%parallel_loop3A_403], %parallel_loop3A_410 {add = true} : memref<67584xf32, #tpu.memory_space<vmem>>[vector<16xi32>], vector<16xf32>,
        %parallel_loop3A_411 = arith.constant 32768 : i32
        %parallel_loop3A_412 = vector.broadcast %parallel_loop3A_411 : i32 to vector<16xi32>
        %parallel_loop3A_413 = arith.addi %parallel_loop3A_250, %parallel_loop3A_412 : vector<16xi32>
        %parallel_loop3A_414 = arith.constant 1 : i32
        %parallel_loop3A_415 = arith.constant 16 : i32
        %parallel_loop3A_416 = arith.index_cast %parallel_loop3A_414 : i32 to index
        %parallel_loop3A_417 = arith.index_cast %parallel_loop3A_415 : i32 to index
        %parallel_loop3A_418 = arith.index_cast %parallel_loop3A_225 : i32 to index
        %parallel_loop3A_419 = arith.index_cast %parallel_loop3A_243 : i32 to index
        %parallel_loop3A_420 = tpu.vector_load %arg6[%parallel_loop3A_416, %parallel_loop3A_417, %parallel_loop3A_418, %parallel_loop3A_419] {strides = array<i32>} : memref<2x32x2x256xf32, #tpu.memory_space<vmem>>, vector<16xf32>,
        tpu.vector_store_idx %arg7[%parallel_loop3A_413], %parallel_loop3A_420 {add = true} : memref<67584xf32, #tpu.memory_space<vmem>>[vector<16xi32>], vector<16xf32>,
        %parallel_loop3A_421 = arith.constant 34816 : i32
        %parallel_loop3A_422 = vector.broadcast %parallel_loop3A_421 : i32 to vector<16xi32>
        %parallel_loop3A_423 = arith.addi %parallel_loop3A_250, %parallel_loop3A_422 : vector<16xi32>
        %parallel_loop3A_424 = arith.constant 1 : i32
        %parallel_loop3A_425 = arith.constant 17 : i32
        %parallel_loop3A_426 = arith.index_cast %parallel_loop3A_424 : i32 to index
        %parallel_loop3A_427 = arith.index_cast %parallel_loop3A_425 : i32 to index
        %parallel_loop3A_428 = arith.index_cast %parallel_loop3A_225 : i32 to index
        %parallel_loop3A_429 = arith.index_cast %parallel_loop3A_243 : i32 to index
        %parallel_loop3A_430 = tpu.vector_load %arg6[%parallel_loop3A_426, %parallel_loop3A_427, %parallel_loop3A_428, %parallel_loop3A_429] {strides = array<i32>} : memref<2x32x2x256xf32, #tpu.memory_space<vmem>>, vector<16xf32>,
        tpu.vector_store_idx %arg7[%parallel_loop3A_423], %parallel_loop3A_430 {add = true} : memref<67584xf32, #tpu.memory_space<vmem>>[vector<16xi32>], vector<16xf32>,
        %parallel_loop3A_431 = arith.constant 36864 : i32
        %parallel_loop3A_432 = vector.broadcast %parallel_loop3A_431 : i32 to vector<16xi32>
        %parallel_loop3A_433 = arith.addi %parallel_loop3A_250, %parallel_loop3A_432 : vector<16xi32>
        %parallel_loop3A_434 = arith.constant 1 : i32
        %parallel_loop3A_435 = arith.constant 18 : i32
        %parallel_loop3A_436 = arith.index_cast %parallel_loop3A_434 : i32 to index
        %parallel_loop3A_437 = arith.index_cast %parallel_loop3A_435 : i32 to index
        %parallel_loop3A_438 = arith.index_cast %parallel_loop3A_225 : i32 to index
        %parallel_loop3A_439 = arith.index_cast %parallel_loop3A_243 : i32 to index
        %parallel_loop3A_440 = tpu.vector_load %arg6[%parallel_loop3A_436, %parallel_loop3A_437, %parallel_loop3A_438, %parallel_loop3A_439] {strides = array<i32>} : memref<2x32x2x256xf32, #tpu.memory_space<vmem>>, vector<16xf32>,
        tpu.vector_store_idx %arg7[%parallel_loop3A_433], %parallel_loop3A_440 {add = true} : memref<67584xf32, #tpu.memory_space<vmem>>[vector<16xi32>], vector<16xf32>,
        %parallel_loop3A_441 = arith.constant 38912 : i32
        %parallel_loop3A_442 = vector.broadcast %parallel_loop3A_441 : i32 to vector<16xi32>
        %parallel_loop3A_443 = arith.addi %parallel_loop3A_250, %parallel_loop3A_442 : vector<16xi32>
        %parallel_loop3A_444 = arith.constant 1 : i32
        %parallel_loop3A_445 = arith.constant 19 : i32
        %parallel_loop3A_446 = arith.index_cast %parallel_loop3A_444 : i32 to index
        %parallel_loop3A_447 = arith.index_cast %parallel_loop3A_445 : i32 to index
        %parallel_loop3A_448 = arith.index_cast %parallel_loop3A_225 : i32 to index
        %parallel_loop3A_449 = arith.index_cast %parallel_loop3A_243 : i32 to index
        %parallel_loop3A_450 = tpu.vector_load %arg6[%parallel_loop3A_446, %parallel_loop3A_447, %parallel_loop3A_448, %parallel_loop3A_449] {strides = array<i32>} : memref<2x32x2x256xf32, #tpu.memory_space<vmem>>, vector<16xf32>,
        tpu.vector_store_idx %arg7[%parallel_loop3A_443], %parallel_loop3A_450 {add = true} : memref<67584xf32, #tpu.memory_space<vmem>>[vector<16xi32>], vector<16xf32>,
        %parallel_loop3A_451 = arith.constant 40960 : i32
        %parallel_loop3A_452 = vector.broadcast %parallel_loop3A_451 : i32 to vector<16xi32>
        %parallel_loop3A_453 = arith.addi %parallel_loop3A_250, %parallel_loop3A_452 : vector<16xi32>
        %parallel_loop3A_454 = arith.constant 1 : i32
        %parallel_loop3A_455 = arith.constant 20 : i32
        %parallel_loop3A_456 = arith.index_cast %parallel_loop3A_454 : i32 to index
        %parallel_loop3A_457 = arith.index_cast %parallel_loop3A_455 : i32 to index
        %parallel_loop3A_458 = arith.index_cast %parallel_loop3A_225 : i32 to index
        %parallel_loop3A_459 = arith.index_cast %parallel_loop3A_243 : i32 to index
        %parallel_loop3A_460 = tpu.vector_load %arg6[%parallel_loop3A_456, %parallel_loop3A_457, %parallel_loop3A_458, %parallel_loop3A_459] {strides = array<i32>} : memref<2x32x2x256xf32, #tpu.memory_space<vmem>>, vector<16xf32>,
        tpu.vector_store_idx %arg7[%parallel_loop3A_453], %parallel_loop3A_460 {add = true} : memref<67584xf32, #tpu.memory_space<vmem>>[vector<16xi32>], vector<16xf32>,
        %parallel_loop3A_461 = arith.constant 43008 : i32
        %parallel_loop3A_462 = vector.broadcast %parallel_loop3A_461 : i32 to vector<16xi32>
        %parallel_loop3A_463 = arith.addi %parallel_loop3A_250, %parallel_loop3A_462 : vector<16xi32>
        %parallel_loop3A_464 = arith.constant 1 : i32
        %parallel_loop3A_465 = arith.constant 21 : i32
        %parallel_loop3A_466 = arith.index_cast %parallel_loop3A_464 : i32 to index
        %parallel_loop3A_467 = arith.index_cast %parallel_loop3A_465 : i32 to index
        %parallel_loop3A_468 = arith.index_cast %parallel_loop3A_225 : i32 to index
        %parallel_loop3A_469 = arith.index_cast %parallel_loop3A_243 : i32 to index
        %parallel_loop3A_470 = tpu.vector_load %arg6[%parallel_loop3A_466, %parallel_loop3A_467, %parallel_loop3A_468, %parallel_loop3A_469] {strides = array<i32>} : memref<2x32x2x256xf32, #tpu.memory_space<vmem>>, vector<16xf32>,
        tpu.vector_store_idx %arg7[%parallel_loop3A_463], %parallel_loop3A_470 {add = true} : memref<67584xf32, #tpu.memory_space<vmem>>[vector<16xi32>], vector<16xf32>,
        %parallel_loop3A_471 = arith.constant 45056 : i32
        %parallel_loop3A_472 = vector.broadcast %parallel_loop3A_471 : i32 to vector<16xi32>
        %parallel_loop3A_473 = arith.addi %parallel_loop3A_250, %parallel_loop3A_472 : vector<16xi32>
        %parallel_loop3A_474 = arith.constant 1 : i32
        %parallel_loop3A_475 = arith.constant 22 : i32
        %parallel_loop3A_476 = arith.index_cast %parallel_loop3A_474 : i32 to index
        %parallel_loop3A_477 = arith.index_cast %parallel_loop3A_475 : i32 to index
        %parallel_loop3A_478 = arith.index_cast %parallel_loop3A_225 : i32 to index
        %parallel_loop3A_479 = arith.index_cast %parallel_loop3A_243 : i32 to index
        %parallel_loop3A_480 = tpu.vector_load %arg6[%parallel_loop3A_476, %parallel_loop3A_477, %parallel_loop3A_478, %parallel_loop3A_479] {strides = array<i32>} : memref<2x32x2x256xf32, #tpu.memory_space<vmem>>, vector<16xf32>,
        tpu.vector_store_idx %arg7[%parallel_loop3A_473], %parallel_loop3A_480 {add = true} : memref<67584xf32, #tpu.memory_space<vmem>>[vector<16xi32>], vector<16xf32>,
        %parallel_loop3A_481 = arith.constant 47104 : i32
        %parallel_loop3A_482 = vector.broadcast %parallel_loop3A_481 : i32 to vector<16xi32>
        %parallel_loop3A_483 = arith.addi %parallel_loop3A_250, %parallel_loop3A_482 : vector<16xi32>
        %parallel_loop3A_484 = arith.constant 1 : i32
        %parallel_loop3A_485 = arith.constant 23 : i32
        %parallel_loop3A_486 = arith.index_cast %parallel_loop3A_484 : i32 to index
        %parallel_loop3A_487 = arith.index_cast %parallel_loop3A_485 : i32 to index
        %parallel_loop3A_488 = arith.index_cast %parallel_loop3A_225 : i32 to index
        %parallel_loop3A_489 = arith.index_cast %parallel_loop3A_243 : i32 to index
        %parallel_loop3A_490 = tpu.vector_load %arg6[%parallel_loop3A_486, %parallel_loop3A_487, %parallel_loop3A_488, %parallel_loop3A_489] {strides = array<i32>} : memref<2x32x2x256xf32, #tpu.memory_space<vmem>>, vector<16xf32>,
        tpu.vector_store_idx %arg7[%parallel_loop3A_483], %parallel_loop3A_490 {add = true} : memref<67584xf32, #tpu.memory_space<vmem>>[vector<16xi32>], vector<16xf32>,
        %parallel_loop3A_491 = arith.constant 49152 : i32
        %parallel_loop3A_492 = vector.broadcast %parallel_loop3A_491 : i32 to vector<16xi32>
        %parallel_loop3A_493 = arith.addi %parallel_loop3A_250, %parallel_loop3A_492 : vector<16xi32>
        %parallel_loop3A_494 = arith.constant 1 : i32
        %parallel_loop3A_495 = arith.constant 24 : i32
        %parallel_loop3A_496 = arith.index_cast %parallel_loop3A_494 : i32 to index
        %parallel_loop3A_497 = arith.index_cast %parallel_loop3A_495 : i32 to index
        %parallel_loop3A_498 = arith.index_cast %parallel_loop3A_225 : i32 to index
        %parallel_loop3A_499 = arith.index_cast %parallel_loop3A_243 : i32 to index
        %parallel_loop3A_500 = tpu.vector_load %arg6[%parallel_loop3A_496, %parallel_loop3A_497, %parallel_loop3A_498, %parallel_loop3A_499] {strides = array<i32>} : memref<2x32x2x256xf32, #tpu.memory_space<vmem>>, vector<16xf32>,
        tpu.vector_store_idx %arg7[%parallel_loop3A_493], %parallel_loop3A_500 {add = true} : memref<67584xf32, #tpu.memory_space<vmem>>[vector<16xi32>], vector<16xf32>,
        %parallel_loop3A_501 = arith.constant 51200 : i32
        %parallel_loop3A_502 = vector.broadcast %parallel_loop3A_501 : i32 to vector<16xi32>
        %parallel_loop3A_503 = arith.addi %parallel_loop3A_250, %parallel_loop3A_502 : vector<16xi32>
        %parallel_loop3A_504 = arith.constant 1 : i32
        %parallel_loop3A_505 = arith.constant 25 : i32
        %parallel_loop3A_506 = arith.index_cast %parallel_loop3A_504 : i32 to index
        %parallel_loop3A_507 = arith.index_cast %parallel_loop3A_505 : i32 to index
        %parallel_loop3A_508 = arith.index_cast %parallel_loop3A_225 : i32 to index
        %parallel_loop3A_509 = arith.index_cast %parallel_loop3A_243 : i32 to index
        %parallel_loop3A_510 = tpu.vector_load %arg6[%parallel_loop3A_506, %parallel_loop3A_507, %parallel_loop3A_508, %parallel_loop3A_509] {strides = array<i32>} : memref<2x32x2x256xf32, #tpu.memory_space<vmem>>, vector<16xf32>,
        tpu.vector_store_idx %arg7[%parallel_loop3A_503], %parallel_loop3A_510 {add = true} : memref<67584xf32, #tpu.memory_space<vmem>>[vector<16xi32>], vector<16xf32>,
        %parallel_loop3A_511 = arith.constant 53248 : i32
        %parallel_loop3A_512 = vector.broadcast %parallel_loop3A_511 : i32 to vector<16xi32>
        %parallel_loop3A_513 = arith.addi %parallel_loop3A_250, %parallel_loop3A_512 : vector<16xi32>
        %parallel_loop3A_514 = arith.constant 1 : i32
        %parallel_loop3A_515 = arith.constant 26 : i32
        %parallel_loop3A_516 = arith.index_cast %parallel_loop3A_514 : i32 to index
        %parallel_loop3A_517 = arith.index_cast %parallel_loop3A_515 : i32 to index
        %parallel_loop3A_518 = arith.index_cast %parallel_loop3A_225 : i32 to index
        %parallel_loop3A_519 = arith.index_cast %parallel_loop3A_243 : i32 to index
        %parallel_loop3A_520 = tpu.vector_load %arg6[%parallel_loop3A_516, %parallel_loop3A_517, %parallel_loop3A_518, %parallel_loop3A_519] {strides = array<i32>} : memref<2x32x2x256xf32, #tpu.memory_space<vmem>>, vector<16xf32>,
        tpu.vector_store_idx %arg7[%parallel_loop3A_513], %parallel_loop3A_520 {add = true} : memref<67584xf32, #tpu.memory_space<vmem>>[vector<16xi32>], vector<16xf32>,
        %parallel_loop3A_521 = arith.constant 55296 : i32
        %parallel_loop3A_522 = vector.broadcast %parallel_loop3A_521 : i32 to vector<16xi32>
        %parallel_loop3A_523 = arith.addi %parallel_loop3A_250, %parallel_loop3A_522 : vector<16xi32>
        %parallel_loop3A_524 = arith.constant 1 : i32
        %parallel_loop3A_525 = arith.constant 27 : i32
        %parallel_loop3A_526 = arith.index_cast %parallel_loop3A_524 : i32 to index
        %parallel_loop3A_527 = arith.index_cast %parallel_loop3A_525 : i32 to index
        %parallel_loop3A_528 = arith.index_cast %parallel_loop3A_225 : i32 to index
        %parallel_loop3A_529 = arith.index_cast %parallel_loop3A_243 : i32 to index
        %parallel_loop3A_530 = tpu.vector_load %arg6[%parallel_loop3A_526, %parallel_loop3A_527, %parallel_loop3A_528, %parallel_loop3A_529] {strides = array<i32>} : memref<2x32x2x256xf32, #tpu.memory_space<vmem>>, vector<16xf32>,
        tpu.vector_store_idx %arg7[%parallel_loop3A_523], %parallel_loop3A_530 {add = true} : memref<67584xf32, #tpu.memory_space<vmem>>[vector<16xi32>], vector<16xf32>,
        %parallel_loop3A_531 = arith.constant 57344 : i32
        %parallel_loop3A_532 = vector.broadcast %parallel_loop3A_531 : i32 to vector<16xi32>
        %parallel_loop3A_533 = arith.addi %parallel_loop3A_250, %parallel_loop3A_532 : vector<16xi32>
        %parallel_loop3A_534 = arith.constant 1 : i32
        %parallel_loop3A_535 = arith.constant 28 : i32
        %parallel_loop3A_536 = arith.index_cast %parallel_loop3A_534 : i32 to index
        %parallel_loop3A_537 = arith.index_cast %parallel_loop3A_535 : i32 to index
        %parallel_loop3A_538 = arith.index_cast %parallel_loop3A_225 : i32 to index
        %parallel_loop3A_539 = arith.index_cast %parallel_loop3A_243 : i32 to index
        %parallel_loop3A_540 = tpu.vector_load %arg6[%parallel_loop3A_536, %parallel_loop3A_537, %parallel_loop3A_538, %parallel_loop3A_539] {strides = array<i32>} : memref<2x32x2x256xf32, #tpu.memory_space<vmem>>, vector<16xf32>,
        tpu.vector_store_idx %arg7[%parallel_loop3A_533], %parallel_loop3A_540 {add = true} : memref<67584xf32, #tpu.memory_space<vmem>>[vector<16xi32>], vector<16xf32>,
        %parallel_loop3A_541 = arith.constant 59392 : i32
        %parallel_loop3A_542 = vector.broadcast %parallel_loop3A_541 : i32 to vector<16xi32>
        %parallel_loop3A_543 = arith.addi %parallel_loop3A_250, %parallel_loop3A_542 : vector<16xi32>
        %parallel_loop3A_544 = arith.constant 1 : i32
        %parallel_loop3A_545 = arith.constant 29 : i32
        %parallel_loop3A_546 = arith.index_cast %parallel_loop3A_544 : i32 to index
        %parallel_loop3A_547 = arith.index_cast %parallel_loop3A_545 : i32 to index
        %parallel_loop3A_548 = arith.index_cast %parallel_loop3A_225 : i32 to index
        %parallel_loop3A_549 = arith.index_cast %parallel_loop3A_243 : i32 to index
        %parallel_loop3A_550 = tpu.vector_load %arg6[%parallel_loop3A_546, %parallel_loop3A_547, %parallel_loop3A_548, %parallel_loop3A_549] {strides = array<i32>} : memref<2x32x2x256xf32, #tpu.memory_space<vmem>>, vector<16xf32>,
        tpu.vector_store_idx %arg7[%parallel_loop3A_543], %parallel_loop3A_550 {add = true} : memref<67584xf32, #tpu.memory_space<vmem>>[vector<16xi32>], vector<16xf32>,
        %parallel_loop3A_551 = arith.constant 61440 : i32
        %parallel_loop3A_552 = vector.broadcast %parallel_loop3A_551 : i32 to vector<16xi32>
        %parallel_loop3A_553 = arith.addi %parallel_loop3A_250, %parallel_loop3A_552 : vector<16xi32>
        %parallel_loop3A_554 = arith.constant 1 : i32
        %parallel_loop3A_555 = arith.constant 30 : i32
        %parallel_loop3A_556 = arith.index_cast %parallel_loop3A_554 : i32 to index
        %parallel_loop3A_557 = arith.index_cast %parallel_loop3A_555 : i32 to index
        %parallel_loop3A_558 = arith.index_cast %parallel_loop3A_225 : i32 to index
        %parallel_loop3A_559 = arith.index_cast %parallel_loop3A_243 : i32 to index
        %parallel_loop3A_560 = tpu.vector_load %arg6[%parallel_loop3A_556, %parallel_loop3A_557, %parallel_loop3A_558, %parallel_loop3A_559] {strides = array<i32>} : memref<2x32x2x256xf32, #tpu.memory_space<vmem>>, vector<16xf32>,
        tpu.vector_store_idx %arg7[%parallel_loop3A_553], %parallel_loop3A_560 {add = true} : memref<67584xf32, #tpu.memory_space<vmem>>[vector<16xi32>], vector<16xf32>,
        %parallel_loop3A_561 = arith.constant 63488 : i32
        %parallel_loop3A_562 = vector.broadcast %parallel_loop3A_561 : i32 to vector<16xi32>
        %parallel_loop3A_563 = arith.addi %parallel_loop3A_250, %parallel_loop3A_562 : vector<16xi32>
        %parallel_loop3A_564 = arith.constant 1 : i32
        %parallel_loop3A_565 = arith.constant 31 : i32
        %parallel_loop3A_566 = arith.index_cast %parallel_loop3A_564 : i32 to index
        %parallel_loop3A_567 = arith.index_cast %parallel_loop3A_565 : i32 to index
        %parallel_loop3A_568 = arith.index_cast %parallel_loop3A_225 : i32 to index
        %parallel_loop3A_569 = arith.index_cast %parallel_loop3A_243 : i32 to index
        %parallel_loop3A_570 = tpu.vector_load %arg6[%parallel_loop3A_566, %parallel_loop3A_567, %parallel_loop3A_568, %parallel_loop3A_569] {strides = array<i32>} : memref<2x32x2x256xf32, #tpu.memory_space<vmem>>, vector<16xf32>,
        tpu.vector_store_idx %arg7[%parallel_loop3A_563], %parallel_loop3A_570 {add = true} : memref<67584xf32, #tpu.memory_space<vmem>>[vector<16xi32>], vector<16xf32>,
        %parallel_loop3A_571 = arith.constant 65536 : i32
        %parallel_loop3A_572 = vector.broadcast %parallel_loop3A_571 : i32 to vector<16xi32>
        %parallel_loop3A_573 = arith.addi %parallel_loop3A_250, %parallel_loop3A_572 : vector<16xi32>
        tpu.vector_store_idx %arg7[%parallel_loop3A_573], %broadcast_in_dim3A_114 {add = true} : memref<67584xf32, #tpu.memory_space<vmem>>[vector<16xi32>], vector<16xf32>,
      } {sc.loop_unroll_factor = 1 : i64, sc.parallel_access}
    }
    %scan3A_120 = arith.constant 16 : i32
    %scan3A_121 = arith.constant 0 : i32
    %scan3A_122 = arith.constant 0 : i32
    %scan3A_123 = arith.constant 33 : i32
    %scan3A_124 = arith.addi %scan3A_122, %scan3A_123 : i32
    %scan3A_125 = arith.constant 1 : i32
    scf.for %scan3A_127 = %scan3A_122 to %scan3A_124 step %scan3A_125  : i32 {
      %mul3A_128 = arith.constant 2048 : i32
      %mul3A_129 = arith.muli %scan3A_127, %mul3A_128 : i32
      %add3A_130 = arith.constant 0 : i32
      %add3A_131 = arith.addi %mul3A_129, %add3A_130 : i32
      %add3A_132 = arith.constant 0 : i32
      %add3A_133 = arith.addi %add3A_131, %add3A_132 : i32
      %get3A = arith.index_cast %add3A_133 : i32 to index
      %get3A_134 = tpu.vector_load %arg7[%get3A] {strides = array<i32>} : memref<67584xf32, #tpu.memory_space<vmem>>, vector<16xf32>,
      %add3A_135 = arith.constant 128 : i32
      %add3A_136 = arith.addi %mul3A_129, %add3A_135 : i32
      %add3A_137 = arith.constant 0 : i32
      %add3A_138 = arith.addi %add3A_136, %add3A_137 : i32
      %get3A_139 = arith.index_cast %add3A_138 : i32 to index
      %get3A_140 = tpu.vector_load %arg7[%get3A_139] {strides = array<i32>} : memref<67584xf32, #tpu.memory_space<vmem>>, vector<16xf32>,
      %add3A_141 = arith.constant 256 : i32
      %add3A_142 = arith.addi %mul3A_129, %add3A_141 : i32
      %add3A_143 = arith.constant 0 : i32
      %add3A_144 = arith.addi %add3A_142, %add3A_143 : i32
      %get3A_145 = arith.index_cast %add3A_144 : i32 to index
      %get3A_146 = tpu.vector_load %arg7[%get3A_145] {strides = array<i32>} : memref<67584xf32, #tpu.memory_space<vmem>>, vector<16xf32>,
      %add3A_147 = arith.constant 384 : i32
      %add3A_148 = arith.addi %mul3A_129, %add3A_147 : i32
      %add3A_149 = arith.constant 0 : i32
      %add3A_150 = arith.addi %add3A_148, %add3A_149 : i32
      %get3A_151 = arith.index_cast %add3A_150 : i32 to index
      %get3A_152 = tpu.vector_load %arg7[%get3A_151] {strides = array<i32>} : memref<67584xf32, #tpu.memory_space<vmem>>, vector<16xf32>,
      %add3A_153 = arith.constant 512 : i32
      %add3A_154 = arith.addi %mul3A_129, %add3A_153 : i32
      %add3A_155 = arith.constant 0 : i32
      %add3A_156 = arith.addi %add3A_154, %add3A_155 : i32
      %get3A_157 = arith.index_cast %add3A_156 : i32 to index
      %get3A_158 = tpu.vector_load %arg7[%get3A_157] {strides = array<i32>} : memref<67584xf32, #tpu.memory_space<vmem>>, vector<16xf32>,
      %add3A_159 = arith.constant 640 : i32
      %add3A_160 = arith.addi %mul3A_129, %add3A_159 : i32
      %add3A_161 = arith.constant 0 : i32
      %add3A_162 = arith.addi %add3A_160, %add3A_161 : i32
      %get3A_163 = arith.index_cast %add3A_162 : i32 to index
      %get3A_164 = tpu.vector_load %arg7[%get3A_163] {strides = array<i32>} : memref<67584xf32, #tpu.memory_space<vmem>>, vector<16xf32>,
      %add3A_165 = arith.constant 768 : i32
      %add3A_166 = arith.addi %mul3A_129, %add3A_165 : i32
      %add3A_167 = arith.constant 0 : i32
      %add3A_168 = arith.addi %add3A_166, %add3A_167 : i32
      %get3A_169 = arith.index_cast %add3A_168 : i32 to index
      %get3A_170 = tpu.vector_load %arg7[%get3A_169] {strides = array<i32>} : memref<67584xf32, #tpu.memory_space<vmem>>, vector<16xf32>,
      %add3A_171 = arith.constant 896 : i32
      %add3A_172 = arith.addi %mul3A_129, %add3A_171 : i32
      %add3A_173 = arith.constant 0 : i32
      %add3A_174 = arith.addi %add3A_172, %add3A_173 : i32
      %get3A_175 = arith.index_cast %add3A_174 : i32 to index
      %get3A_176 = tpu.vector_load %arg7[%get3A_175] {strides = array<i32>} : memref<67584xf32, #tpu.memory_space<vmem>>, vector<16xf32>,
      %add3A_177 = arith.constant 1024 : i32
      %add3A_178 = arith.addi %mul3A_129, %add3A_177 : i32
      %add3A_179 = arith.constant 0 : i32
      %add3A_180 = arith.addi %add3A_178, %add3A_179 : i32
      %get3A_181 = arith.index_cast %add3A_180 : i32 to index
      %get3A_182 = tpu.vector_load %arg7[%get3A_181] {strides = array<i32>} : memref<67584xf32, #tpu.memory_space<vmem>>, vector<16xf32>,
      %add3A_183 = arith.constant 1152 : i32
      %add3A_184 = arith.addi %mul3A_129, %add3A_183 : i32
      %add3A_185 = arith.constant 0 : i32
      %add3A_186 = arith.addi %add3A_184, %add3A_185 : i32
      %get3A_187 = arith.index_cast %add3A_186 : i32 to index
      %get3A_188 = tpu.vector_load %arg7[%get3A_187] {strides = array<i32>} : memref<67584xf32, #tpu.memory_space<vmem>>, vector<16xf32>,
      %add3A_189 = arith.constant 1280 : i32
      %add3A_190 = arith.addi %mul3A_129, %add3A_189 : i32
      %add3A_191 = arith.constant 0 : i32
      %add3A_192 = arith.addi %add3A_190, %add3A_191 : i32
      %get3A_193 = arith.index_cast %add3A_192 : i32 to index
      %get3A_194 = tpu.vector_load %arg7[%get3A_193] {strides = array<i32>} : memref<67584xf32, #tpu.memory_space<vmem>>, vector<16xf32>,
      %add3A_195 = arith.constant 1408 : i32
      %add3A_196 = arith.addi %mul3A_129, %add3A_195 : i32
      %add3A_197 = arith.constant 0 : i32
      %add3A_198 = arith.addi %add3A_196, %add3A_197 : i32
      %get3A_199 = arith.index_cast %add3A_198 : i32 to index
      %get3A_200 = tpu.vector_load %arg7[%get3A_199] {strides = array<i32>} : memref<67584xf32, #tpu.memory_space<vmem>>, vector<16xf32>,
      %add3A_201 = arith.constant 1536 : i32
      %add3A_202 = arith.addi %mul3A_129, %add3A_201 : i32
      %add3A_203 = arith.constant 0 : i32
      %add3A_204 = arith.addi %add3A_202, %add3A_203 : i32
      %get3A_205 = arith.index_cast %add3A_204 : i32 to index
      %get3A_206 = tpu.vector_load %arg7[%get3A_205] {strides = array<i32>} : memref<67584xf32, #tpu.memory_space<vmem>>, vector<16xf32>,
      %add3A_207 = arith.constant 1664 : i32
      %add3A_208 = arith.addi %mul3A_129, %add3A_207 : i32
      %add3A_209 = arith.constant 0 : i32
      %add3A_210 = arith.addi %add3A_208, %add3A_209 : i32
      %get3A_211 = arith.index_cast %add3A_210 : i32 to index
      %get3A_212 = tpu.vector_load %arg7[%get3A_211] {strides = array<i32>} : memref<67584xf32, #tpu.memory_space<vmem>>, vector<16xf32>,
      %add3A_213 = arith.constant 1792 : i32
      %add3A_214 = arith.addi %mul3A_129, %add3A_213 : i32
      %add3A_215 = arith.constant 0 : i32
      %add3A_216 = arith.addi %add3A_214, %add3A_215 : i32
      %get3A_217 = arith.index_cast %add3A_216 : i32 to index
      %get3A_218 = tpu.vector_load %arg7[%get3A_217] {strides = array<i32>} : memref<67584xf32, #tpu.memory_space<vmem>>, vector<16xf32>,
      %add3A_219 = arith.constant 1920 : i32
      %add3A_220 = arith.addi %mul3A_129, %add3A_219 : i32
      %add3A_221 = arith.constant 0 : i32
      %add3A_222 = arith.addi %add3A_220, %add3A_221 : i32
      %get3A_223 = arith.index_cast %add3A_222 : i32 to index
      %get3A_224 = tpu.vector_load %arg7[%get3A_223] {strides = array<i32>} : memref<67584xf32, #tpu.memory_space<vmem>>, vector<16xf32>,
      %add3A_225 = arith.addf %get3A_134, %get3A_140 : vector<16xf32>
      %add3A_226 = arith.addf %get3A_146, %get3A_152 : vector<16xf32>
      %add3A_227 = arith.addf %get3A_158, %get3A_164 : vector<16xf32>
      %add3A_228 = arith.addf %get3A_170, %get3A_176 : vector<16xf32>
      %add3A_229 = arith.addf %get3A_182, %get3A_188 : vector<16xf32>
      %add3A_230 = arith.addf %get3A_194, %get3A_200 : vector<16xf32>
      %add3A_231 = arith.addf %get3A_206, %get3A_212 : vector<16xf32>
      %add3A_232 = arith.addf %get3A_218, %get3A_224 : vector<16xf32>
      %add3A_233 = arith.addf %add3A_225, %add3A_226 : vector<16xf32>
      %add3A_234 = arith.addf %add3A_227, %add3A_228 : vector<16xf32>
      %add3A_235 = arith.addf %add3A_229, %add3A_230 : vector<16xf32>
      %add3A_236 = arith.addf %add3A_231, %add3A_232 : vector<16xf32>
      %add3A_237 = arith.addf %add3A_233, %add3A_234 : vector<16xf32>
      %add3A_238 = arith.addf %add3A_235, %add3A_236 : vector<16xf32>
      %add3A_239 = arith.addf %add3A_237, %add3A_238 : vector<16xf32>
      %swap3A = arith.index_cast %scan3A_127 : i32 to index
      %swap3A_240 = arith.constant 0 : index
      %swap3A_241 = tpu.vector_load %arg8[%swap3A, %swap3A_240] {strides = array<i32>} : memref<33x128xf32, #tpu.memory_space<vmem>>, vector<16xf32>,
      tpu.vector_store %arg8[%swap3A, %swap3A_240], %add3A_239 {strides = array<i32>} : memref<33x128xf32, #tpu.memory_space<vmem>>, vector<16xf32>,
      %add3A_242 = arith.constant 0 : i32
      %add3A_243 = arith.addi %mul3A_129, %add3A_242 : i32
      %add3A_244 = arith.constant 16 : i32
      %add3A_245 = arith.addi %add3A_243, %add3A_244 : i32
      %get3A_246 = arith.index_cast %add3A_245 : i32 to index
      %get3A_247 = tpu.vector_load %arg7[%get3A_246] {strides = array<i32>} : memref<67584xf32, #tpu.memory_space<vmem>>, vector<16xf32>,
      %add3A_248 = arith.constant 128 : i32
      %add3A_249 = arith.addi %mul3A_129, %add3A_248 : i32
      %add3A_250 = arith.constant 16 : i32
      %add3A_251 = arith.addi %add3A_249, %add3A_250 : i32
      %get3A_252 = arith.index_cast %add3A_251 : i32 to index
      %get3A_253 = tpu.vector_load %arg7[%get3A_252] {strides = array<i32>} : memref<67584xf32, #tpu.memory_space<vmem>>, vector<16xf32>,
      %add3A_254 = arith.constant 256 : i32
      %add3A_255 = arith.addi %mul3A_129, %add3A_254 : i32
      %add3A_256 = arith.constant 16 : i32
      %add3A_257 = arith.addi %add3A_255, %add3A_256 : i32
      %get3A_258 = arith.index_cast %add3A_257 : i32 to index
      %get3A_259 = tpu.vector_load %arg7[%get3A_258] {strides = array<i32>} : memref<67584xf32, #tpu.memory_space<vmem>>, vector<16xf32>,
      %add3A_260 = arith.constant 384 : i32
      %add3A_261 = arith.addi %mul3A_129, %add3A_260 : i32
      %add3A_262 = arith.constant 16 : i32
      %add3A_263 = arith.addi %add3A_261, %add3A_262 : i32
      %get3A_264 = arith.index_cast %add3A_263 : i32 to index
      %get3A_265 = tpu.vector_load %arg7[%get3A_264] {strides = array<i32>} : memref<67584xf32, #tpu.memory_space<vmem>>, vector<16xf32>,
      %add3A_266 = arith.constant 512 : i32
      %add3A_267 = arith.addi %mul3A_129, %add3A_266 : i32
      %add3A_268 = arith.constant 16 : i32
      %add3A_269 = arith.addi %add3A_267, %add3A_268 : i32
      %get3A_270 = arith.index_cast %add3A_269 : i32 to index
      %get3A_271 = tpu.vector_load %arg7[%get3A_270] {strides = array<i32>} : memref<67584xf32, #tpu.memory_space<vmem>>, vector<16xf32>,
      %add3A_272 = arith.constant 640 : i32
      %add3A_273 = arith.addi %mul3A_129, %add3A_272 : i32
      %add3A_274 = arith.constant 16 : i32
      %add3A_275 = arith.addi %add3A_273, %add3A_274 : i32
      %get3A_276 = arith.index_cast %add3A_275 : i32 to index
      %get3A_277 = tpu.vector_load %arg7[%get3A_276] {strides = array<i32>} : memref<67584xf32, #tpu.memory_space<vmem>>, vector<16xf32>,
      %add3A_278 = arith.constant 768 : i32
      %add3A_279 = arith.addi %mul3A_129, %add3A_278 : i32
      %add3A_280 = arith.constant 16 : i32
      %add3A_281 = arith.addi %add3A_279, %add3A_280 : i32
      %get3A_282 = arith.index_cast %add3A_281 : i32 to index
      %get3A_283 = tpu.vector_load %arg7[%get3A_282] {strides = array<i32>} : memref<67584xf32, #tpu.memory_space<vmem>>, vector<16xf32>,
      %add3A_284 = arith.constant 896 : i32
      %add3A_285 = arith.addi %mul3A_129, %add3A_284 : i32
      %add3A_286 = arith.constant 16 : i32
      %add3A_287 = arith.addi %add3A_285, %add3A_286 : i32
      %get3A_288 = arith.index_cast %add3A_287 : i32 to index
      %get3A_289 = tpu.vector_load %arg7[%get3A_288] {strides = array<i32>} : memref<67584xf32, #tpu.memory_space<vmem>>, vector<16xf32>,
      %add3A_290 = arith.constant 1024 : i32
      %add3A_291 = arith.addi %mul3A_129, %add3A_290 : i32
      %add3A_292 = arith.constant 16 : i32
      %add3A_293 = arith.addi %add3A_291, %add3A_292 : i32
      %get3A_294 = arith.index_cast %add3A_293 : i32 to index
      %get3A_295 = tpu.vector_load %arg7[%get3A_294] {strides = array<i32>} : memref<67584xf32, #tpu.memory_space<vmem>>, vector<16xf32>,
      %add3A_296 = arith.constant 1152 : i32
      %add3A_297 = arith.addi %mul3A_129, %add3A_296 : i32
      %add3A_298 = arith.constant 16 : i32
      %add3A_299 = arith.addi %add3A_297, %add3A_298 : i32
      %get3A_300 = arith.index_cast %add3A_299 : i32 to index
      %get3A_301 = tpu.vector_load %arg7[%get3A_300] {strides = array<i32>} : memref<67584xf32, #tpu.memory_space<vmem>>, vector<16xf32>,
      %add3A_302 = arith.constant 1280 : i32
      %add3A_303 = arith.addi %mul3A_129, %add3A_302 : i32
      %add3A_304 = arith.constant 16 : i32
      %add3A_305 = arith.addi %add3A_303, %add3A_304 : i32
      %get3A_306 = arith.index_cast %add3A_305 : i32 to index
      %get3A_307 = tpu.vector_load %arg7[%get3A_306] {strides = array<i32>} : memref<67584xf32, #tpu.memory_space<vmem>>, vector<16xf32>,
      %add3A_308 = arith.constant 1408 : i32
      %add3A_309 = arith.addi %mul3A_129, %add3A_308 : i32
      %add3A_310 = arith.constant 16 : i32
      %add3A_311 = arith.addi %add3A_309, %add3A_310 : i32
      %get3A_312 = arith.index_cast %add3A_311 : i32 to index
      %get3A_313 = tpu.vector_load %arg7[%get3A_312] {strides = array<i32>} : memref<67584xf32, #tpu.memory_space<vmem>>, vector<16xf32>,
      %add3A_314 = arith.constant 1536 : i32
      %add3A_315 = arith.addi %mul3A_129, %add3A_314 : i32
      %add3A_316 = arith.constant 16 : i32
      %add3A_317 = arith.addi %add3A_315, %add3A_316 : i32
      %get3A_318 = arith.index_cast %add3A_317 : i32 to index
      %get3A_319 = tpu.vector_load %arg7[%get3A_318] {strides = array<i32>} : memref<67584xf32, #tpu.memory_space<vmem>>, vector<16xf32>,
      %add3A_320 = arith.constant 1664 : i32
      %add3A_321 = arith.addi %mul3A_129, %add3A_320 : i32
      %add3A_322 = arith.constant 16 : i32
      %add3A_323 = arith.addi %add3A_321, %add3A_322 : i32
      %get3A_324 = arith.index_cast %add3A_323 : i32 to index
      %get3A_325 = tpu.vector_load %arg7[%get3A_324] {strides = array<i32>} : memref<67584xf32, #tpu.memory_space<vmem>>, vector<16xf32>,
      %add3A_326 = arith.constant 1792 : i32
      %add3A_327 = arith.addi %mul3A_129, %add3A_326 : i32
      %add3A_328 = arith.constant 16 : i32
      %add3A_329 = arith.addi %add3A_327, %add3A_328 : i32
      %get3A_330 = arith.index_cast %add3A_329 : i32 to index
      %get3A_331 = tpu.vector_load %arg7[%get3A_330] {strides = array<i32>} : memref<67584xf32, #tpu.memory_space<vmem>>, vector<16xf32>,
      %add3A_332 = arith.constant 1920 : i32
      %add3A_333 = arith.addi %mul3A_129, %add3A_332 : i32
      %add3A_334 = arith.constant 16 : i32
      %add3A_335 = arith.addi %add3A_333, %add3A_334 : i32
      %get3A_336 = arith.index_cast %add3A_335 : i32 to index
      %get3A_337 = tpu.vector_load %arg7[%get3A_336] {strides = array<i32>} : memref<67584xf32, #tpu.memory_space<vmem>>, vector<16xf32>,
      %add3A_338 = arith.addf %get3A_247, %get3A_253 : vector<16xf32>
      %add3A_339 = arith.addf %get3A_259, %get3A_265 : vector<16xf32>
      %add3A_340 = arith.addf %get3A_271, %get3A_277 : vector<16xf32>
      %add3A_341 = arith.addf %get3A_283, %get3A_289 : vector<16xf32>
      %add3A_342 = arith.addf %get3A_295, %get3A_301 : vector<16xf32>
      %add3A_343 = arith.addf %get3A_307, %get3A_313 : vector<16xf32>
      %add3A_344 = arith.addf %get3A_319, %get3A_325 : vector<16xf32>
      %add3A_345 = arith.addf %get3A_331, %get3A_337 : vector<16xf32>
      %add3A_346 = arith.addf %add3A_338, %add3A_339 : vector<16xf32>
      %add3A_347 = arith.addf %add3A_340, %add3A_341 : vector<16xf32>
      %add3A_348 = arith.addf %add3A_342, %add3A_343 : vector<16xf32>
      %add3A_349 = arith.addf %add3A_344, %add3A_345 : vector<16xf32>
      %add3A_350 = arith.addf %add3A_346, %add3A_347 : vector<16xf32>
      %add3A_351 = arith.addf %add3A_348, %add3A_349 : vector<16xf32>
      %add3A_352 = arith.addf %add3A_350, %add3A_351 : vector<16xf32>
      %swap3A_353 = arith.index_cast %scan3A_127 : i32 to index
      %swap3A_354 = arith.constant 16 : index
      %swap3A_355 = tpu.vector_load %arg8[%swap3A_353, %swap3A_354] {strides = array<i32>} : memref<33x128xf32, #tpu.memory_space<vmem>>, vector<16xf32>,
      tpu.vector_store %arg8[%swap3A_353, %swap3A_354], %add3A_352 {strides = array<i32>} : memref<33x128xf32, #tpu.memory_space<vmem>>, vector<16xf32>,
      %add3A_356 = arith.constant 0 : i32
      %add3A_357 = arith.addi %mul3A_129, %add3A_356 : i32
      %add3A_358 = arith.constant 32 : i32
      %add3A_359 = arith.addi %add3A_357, %add3A_358 : i32
      %get3A_360 = arith.index_cast %add3A_359 : i32 to index
      %get3A_361 = tpu.vector_load %arg7[%get3A_360] {strides = array<i32>} : memref<67584xf32, #tpu.memory_space<vmem>>, vector<16xf32>,
      %add3A_362 = arith.constant 128 : i32
      %add3A_363 = arith.addi %mul3A_129, %add3A_362 : i32
      %add3A_364 = arith.constant 32 : i32
      %add3A_365 = arith.addi %add3A_363, %add3A_364 : i32
      %get3A_366 = arith.index_cast %add3A_365 : i32 to index
      %get3A_367 = tpu.vector_load %arg7[%get3A_366] {strides = array<i32>} : memref<67584xf32, #tpu.memory_space<vmem>>, vector<16xf32>,
      %add3A_368 = arith.constant 256 : i32
      %add3A_369 = arith.addi %mul3A_129, %add3A_368 : i32
      %add3A_370 = arith.constant 32 : i32
      %add3A_371 = arith.addi %add3A_369, %add3A_370 : i32
      %get3A_372 = arith.index_cast %add3A_371 : i32 to index
      %get3A_373 = tpu.vector_load %arg7[%get3A_372] {strides = array<i32>} : memref<67584xf32, #tpu.memory_space<vmem>>, vector<16xf32>,
      %add3A_374 = arith.constant 384 : i32
      %add3A_375 = arith.addi %mul3A_129, %add3A_374 : i32
      %add3A_376 = arith.constant 32 : i32
      %add3A_377 = arith.addi %add3A_375, %add3A_376 : i32
      %get3A_378 = arith.index_cast %add3A_377 : i32 to index
      %get3A_379 = tpu.vector_load %arg7[%get3A_378] {strides = array<i32>} : memref<67584xf32, #tpu.memory_space<vmem>>, vector<16xf32>,
      %add3A_380 = arith.constant 512 : i32
      %add3A_381 = arith.addi %mul3A_129, %add3A_380 : i32
      %add3A_382 = arith.constant 32 : i32
      %add3A_383 = arith.addi %add3A_381, %add3A_382 : i32
      %get3A_384 = arith.index_cast %add3A_383 : i32 to index
      %get3A_385 = tpu.vector_load %arg7[%get3A_384] {strides = array<i32>} : memref<67584xf32, #tpu.memory_space<vmem>>, vector<16xf32>,
      %add3A_386 = arith.constant 640 : i32
      %add3A_387 = arith.addi %mul3A_129, %add3A_386 : i32
      %add3A_388 = arith.constant 32 : i32
      %add3A_389 = arith.addi %add3A_387, %add3A_388 : i32
      %get3A_390 = arith.index_cast %add3A_389 : i32 to index
      %get3A_391 = tpu.vector_load %arg7[%get3A_390] {strides = array<i32>} : memref<67584xf32, #tpu.memory_space<vmem>>, vector<16xf32>,
      %add3A_392 = arith.constant 768 : i32
      %add3A_393 = arith.addi %mul3A_129, %add3A_392 : i32
      %add3A_394 = arith.constant 32 : i32
      %add3A_395 = arith.addi %add3A_393, %add3A_394 : i32
      %get3A_396 = arith.index_cast %add3A_395 : i32 to index
      %get3A_397 = tpu.vector_load %arg7[%get3A_396] {strides = array<i32>} : memref<67584xf32, #tpu.memory_space<vmem>>, vector<16xf32>,
      %add3A_398 = arith.constant 896 : i32
      %add3A_399 = arith.addi %mul3A_129, %add3A_398 : i32
      %add3A_400 = arith.constant 32 : i32
      %add3A_401 = arith.addi %add3A_399, %add3A_400 : i32
      %get3A_402 = arith.index_cast %add3A_401 : i32 to index
      %get3A_403 = tpu.vector_load %arg7[%get3A_402] {strides = array<i32>} : memref<67584xf32, #tpu.memory_space<vmem>>, vector<16xf32>,
      %add3A_404 = arith.constant 1024 : i32
      %add3A_405 = arith.addi %mul3A_129, %add3A_404 : i32
      %add3A_406 = arith.constant 32 : i32
      %add3A_407 = arith.addi %add3A_405, %add3A_406 : i32
      %get3A_408 = arith.index_cast %add3A_407 : i32 to index
      %get3A_409 = tpu.vector_load %arg7[%get3A_408] {strides = array<i32>} : memref<67584xf32, #tpu.memory_space<vmem>>, vector<16xf32>,
      %add3A_410 = arith.constant 1152 : i32
      %add3A_411 = arith.addi %mul3A_129, %add3A_410 : i32
      %add3A_412 = arith.constant 32 : i32
      %add3A_413 = arith.addi %add3A_411, %add3A_412 : i32
      %get3A_414 = arith.index_cast %add3A_413 : i32 to index
      %get3A_415 = tpu.vector_load %arg7[%get3A_414] {strides = array<i32>} : memref<67584xf32, #tpu.memory_space<vmem>>, vector<16xf32>,
      %add3A_416 = arith.constant 1280 : i32
      %add3A_417 = arith.addi %mul3A_129, %add3A_416 : i32
      %add3A_418 = arith.constant 32 : i32
      %add3A_419 = arith.addi %add3A_417, %add3A_418 : i32
      %get3A_420 = arith.index_cast %add3A_419 : i32 to index
      %get3A_421 = tpu.vector_load %arg7[%get3A_420] {strides = array<i32>} : memref<67584xf32, #tpu.memory_space<vmem>>, vector<16xf32>,
      %add3A_422 = arith.constant 1408 : i32
      %add3A_423 = arith.addi %mul3A_129, %add3A_422 : i32
      %add3A_424 = arith.constant 32 : i32
      %add3A_425 = arith.addi %add3A_423, %add3A_424 : i32
      %get3A_426 = arith.index_cast %add3A_425 : i32 to index
      %get3A_427 = tpu.vector_load %arg7[%get3A_426] {strides = array<i32>} : memref<67584xf32, #tpu.memory_space<vmem>>, vector<16xf32>,
      %add3A_428 = arith.constant 1536 : i32
      %add3A_429 = arith.addi %mul3A_129, %add3A_428 : i32
      %add3A_430 = arith.constant 32 : i32
      %add3A_431 = arith.addi %add3A_429, %add3A_430 : i32
      %get3A_432 = arith.index_cast %add3A_431 : i32 to index
      %get3A_433 = tpu.vector_load %arg7[%get3A_432] {strides = array<i32>} : memref<67584xf32, #tpu.memory_space<vmem>>, vector<16xf32>,
      %add3A_434 = arith.constant 1664 : i32
      %add3A_435 = arith.addi %mul3A_129, %add3A_434 : i32
      %add3A_436 = arith.constant 32 : i32
      %add3A_437 = arith.addi %add3A_435, %add3A_436 : i32
      %get3A_438 = arith.index_cast %add3A_437 : i32 to index
      %get3A_439 = tpu.vector_load %arg7[%get3A_438] {strides = array<i32>} : memref<67584xf32, #tpu.memory_space<vmem>>, vector<16xf32>,
      %add3A_440 = arith.constant 1792 : i32
      %add3A_441 = arith.addi %mul3A_129, %add3A_440 : i32
      %add3A_442 = arith.constant 32 : i32
      %add3A_443 = arith.addi %add3A_441, %add3A_442 : i32
      %get3A_444 = arith.index_cast %add3A_443 : i32 to index
      %get3A_445 = tpu.vector_load %arg7[%get3A_444] {strides = array<i32>} : memref<67584xf32, #tpu.memory_space<vmem>>, vector<16xf32>,
      %add3A_446 = arith.constant 1920 : i32
      %add3A_447 = arith.addi %mul3A_129, %add3A_446 : i32
      %add3A_448 = arith.constant 32 : i32
      %add3A_449 = arith.addi %add3A_447, %add3A_448 : i32
      %get3A_450 = arith.index_cast %add3A_449 : i32 to index
      %get3A_451 = tpu.vector_load %arg7[%get3A_450] {strides = array<i32>} : memref<67584xf32, #tpu.memory_space<vmem>>, vector<16xf32>,
      %add3A_452 = arith.addf %get3A_361, %get3A_367 : vector<16xf32>
      %add3A_453 = arith.addf %get3A_373, %get3A_379 : vector<16xf32>
      %add3A_454 = arith.addf %get3A_385, %get3A_391 : vector<16xf32>
      %add3A_455 = arith.addf %get3A_397, %get3A_403 : vector<16xf32>
      %add3A_456 = arith.addf %get3A_409, %get3A_415 : vector<16xf32>
      %add3A_457 = arith.addf %get3A_421, %get3A_427 : vector<16xf32>
      %add3A_458 = arith.addf %get3A_433, %get3A_439 : vector<16xf32>
      %add3A_459 = arith.addf %get3A_445, %get3A_451 : vector<16xf32>
      %add3A_460 = arith.addf %add3A_452, %add3A_453 : vector<16xf32>
      %add3A_461 = arith.addf %add3A_454, %add3A_455 : vector<16xf32>
      %add3A_462 = arith.addf %add3A_456, %add3A_457 : vector<16xf32>
      %add3A_463 = arith.addf %add3A_458, %add3A_459 : vector<16xf32>
      %add3A_464 = arith.addf %add3A_460, %add3A_461 : vector<16xf32>
      %add3A_465 = arith.addf %add3A_462, %add3A_463 : vector<16xf32>
      %add3A_466 = arith.addf %add3A_464, %add3A_465 : vector<16xf32>
      %swap3A_467 = arith.index_cast %scan3A_127 : i32 to index
      %swap3A_468 = arith.constant 32 : index
      %swap3A_469 = tpu.vector_load %arg8[%swap3A_467, %swap3A_468] {strides = array<i32>} : memref<33x128xf32, #tpu.memory_space<vmem>>, vector<16xf32>,
      tpu.vector_store %arg8[%swap3A_467, %swap3A_468], %add3A_466 {strides = array<i32>} : memref<33x128xf32, #tpu.memory_space<vmem>>, vector<16xf32>,
      %add3A_470 = arith.constant 0 : i32
      %add3A_471 = arith.addi %mul3A_129, %add3A_470 : i32
      %add3A_472 = arith.constant 48 : i32
      %add3A_473 = arith.addi %add3A_471, %add3A_472 : i32
      %get3A_474 = arith.index_cast %add3A_473 : i32 to index
      %get3A_475 = tpu.vector_load %arg7[%get3A_474] {strides = array<i32>} : memref<67584xf32, #tpu.memory_space<vmem>>, vector<16xf32>,
      %add3A_476 = arith.constant 128 : i32
      %add3A_477 = arith.addi %mul3A_129, %add3A_476 : i32
      %add3A_478 = arith.constant 48 : i32
      %add3A_479 = arith.addi %add3A_477, %add3A_478 : i32
      %get3A_480 = arith.index_cast %add3A_479 : i32 to index
      %get3A_481 = tpu.vector_load %arg7[%get3A_480] {strides = array<i32>} : memref<67584xf32, #tpu.memory_space<vmem>>, vector<16xf32>,
      %add3A_482 = arith.constant 256 : i32
      %add3A_483 = arith.addi %mul3A_129, %add3A_482 : i32
      %add3A_484 = arith.constant 48 : i32
      %add3A_485 = arith.addi %add3A_483, %add3A_484 : i32
      %get3A_486 = arith.index_cast %add3A_485 : i32 to index
      %get3A_487 = tpu.vector_load %arg7[%get3A_486] {strides = array<i32>} : memref<67584xf32, #tpu.memory_space<vmem>>, vector<16xf32>,
      %add3A_488 = arith.constant 384 : i32
      %add3A_489 = arith.addi %mul3A_129, %add3A_488 : i32
      %add3A_490 = arith.constant 48 : i32
      %add3A_491 = arith.addi %add3A_489, %add3A_490 : i32
      %get3A_492 = arith.index_cast %add3A_491 : i32 to index
      %get3A_493 = tpu.vector_load %arg7[%get3A_492] {strides = array<i32>} : memref<67584xf32, #tpu.memory_space<vmem>>, vector<16xf32>,
      %add3A_494 = arith.constant 512 : i32
      %add3A_495 = arith.addi %mul3A_129, %add3A_494 : i32
      %add3A_496 = arith.constant 48 : i32
      %add3A_497 = arith.addi %add3A_495, %add3A_496 : i32
      %get3A_498 = arith.index_cast %add3A_497 : i32 to index
      %get3A_499 = tpu.vector_load %arg7[%get3A_498] {strides = array<i32>} : memref<67584xf32, #tpu.memory_space<vmem>>, vector<16xf32>,
      %add3A_500 = arith.constant 640 : i32
      %add3A_501 = arith.addi %mul3A_129, %add3A_500 : i32
      %add3A_502 = arith.constant 48 : i32
      %add3A_503 = arith.addi %add3A_501, %add3A_502 : i32
      %get3A_504 = arith.index_cast %add3A_503 : i32 to index
      %get3A_505 = tpu.vector_load %arg7[%get3A_504] {strides = array<i32>} : memref<67584xf32, #tpu.memory_space<vmem>>, vector<16xf32>,
      %add3A_506 = arith.constant 768 : i32
      %add3A_507 = arith.addi %mul3A_129, %add3A_506 : i32
      %add3A_508 = arith.constant 48 : i32
      %add3A_509 = arith.addi %add3A_507, %add3A_508 : i32
      %get3A_510 = arith.index_cast %add3A_509 : i32 to index
      %get3A_511 = tpu.vector_load %arg7[%get3A_510] {strides = array<i32>} : memref<67584xf32, #tpu.memory_space<vmem>>, vector<16xf32>,
      %add3A_512 = arith.constant 896 : i32
      %add3A_513 = arith.addi %mul3A_129, %add3A_512 : i32
      %add3A_514 = arith.constant 48 : i32
      %add3A_515 = arith.addi %add3A_513, %add3A_514 : i32
      %get3A_516 = arith.index_cast %add3A_515 : i32 to index
      %get3A_517 = tpu.vector_load %arg7[%get3A_516] {strides = array<i32>} : memref<67584xf32, #tpu.memory_space<vmem>>, vector<16xf32>,
      %add3A_518 = arith.constant 1024 : i32
      %add3A_519 = arith.addi %mul3A_129, %add3A_518 : i32
      %add3A_520 = arith.constant 48 : i32
      %add3A_521 = arith.addi %add3A_519, %add3A_520 : i32
      %get3A_522 = arith.index_cast %add3A_521 : i32 to index
      %get3A_523 = tpu.vector_load %arg7[%get3A_522] {strides = array<i32>} : memref<67584xf32, #tpu.memory_space<vmem>>, vector<16xf32>,
      %add3A_524 = arith.constant 1152 : i32
      %add3A_525 = arith.addi %mul3A_129, %add3A_524 : i32
      %add3A_526 = arith.constant 48 : i32
      %add3A_527 = arith.addi %add3A_525, %add3A_526 : i32
      %get3A_528 = arith.index_cast %add3A_527 : i32 to index
      %get3A_529 = tpu.vector_load %arg7[%get3A_528] {strides = array<i32>} : memref<67584xf32, #tpu.memory_space<vmem>>, vector<16xf32>,
      %add3A_530 = arith.constant 1280 : i32
      %add3A_531 = arith.addi %mul3A_129, %add3A_530 : i32
      %add3A_532 = arith.constant 48 : i32
      %add3A_533 = arith.addi %add3A_531, %add3A_532 : i32
      %get3A_534 = arith.index_cast %add3A_533 : i32 to index
      %get3A_535 = tpu.vector_load %arg7[%get3A_534] {strides = array<i32>} : memref<67584xf32, #tpu.memory_space<vmem>>, vector<16xf32>,
      %add3A_536 = arith.constant 1408 : i32
      %add3A_537 = arith.addi %mul3A_129, %add3A_536 : i32
      %add3A_538 = arith.constant 48 : i32
      %add3A_539 = arith.addi %add3A_537, %add3A_538 : i32
      %get3A_540 = arith.index_cast %add3A_539 : i32 to index
      %get3A_541 = tpu.vector_load %arg7[%get3A_540] {strides = array<i32>} : memref<67584xf32, #tpu.memory_space<vmem>>, vector<16xf32>,
      %add3A_542 = arith.constant 1536 : i32
      %add3A_543 = arith.addi %mul3A_129, %add3A_542 : i32
      %add3A_544 = arith.constant 48 : i32
      %add3A_545 = arith.addi %add3A_543, %add3A_544 : i32
      %get3A_546 = arith.index_cast %add3A_545 : i32 to index
      %get3A_547 = tpu.vector_load %arg7[%get3A_546] {strides = array<i32>} : memref<67584xf32, #tpu.memory_space<vmem>>, vector<16xf32>,
      %add3A_548 = arith.constant 1664 : i32
      %add3A_549 = arith.addi %mul3A_129, %add3A_548 : i32
      %add3A_550 = arith.constant 48 : i32
      %add3A_551 = arith.addi %add3A_549, %add3A_550 : i32
      %get3A_552 = arith.index_cast %add3A_551 : i32 to index
      %get3A_553 = tpu.vector_load %arg7[%get3A_552] {strides = array<i32>} : memref<67584xf32, #tpu.memory_space<vmem>>, vector<16xf32>,
      %add3A_554 = arith.constant 1792 : i32
      %add3A_555 = arith.addi %mul3A_129, %add3A_554 : i32
      %add3A_556 = arith.constant 48 : i32
      %add3A_557 = arith.addi %add3A_555, %add3A_556 : i32
      %get3A_558 = arith.index_cast %add3A_557 : i32 to index
      %get3A_559 = tpu.vector_load %arg7[%get3A_558] {strides = array<i32>} : memref<67584xf32, #tpu.memory_space<vmem>>, vector<16xf32>,
      %add3A_560 = arith.constant 1920 : i32
      %add3A_561 = arith.addi %mul3A_129, %add3A_560 : i32
      %add3A_562 = arith.constant 48 : i32
      %add3A_563 = arith.addi %add3A_561, %add3A_562 : i32
      %get3A_564 = arith.index_cast %add3A_563 : i32 to index
      %get3A_565 = tpu.vector_load %arg7[%get3A_564] {strides = array<i32>} : memref<67584xf32, #tpu.memory_space<vmem>>, vector<16xf32>,
      %add3A_566 = arith.addf %get3A_475, %get3A_481 : vector<16xf32>
      %add3A_567 = arith.addf %get3A_487, %get3A_493 : vector<16xf32>
      %add3A_568 = arith.addf %get3A_499, %get3A_505 : vector<16xf32>
      %add3A_569 = arith.addf %get3A_511, %get3A_517 : vector<16xf32>
      %add3A_570 = arith.addf %get3A_523, %get3A_529 : vector<16xf32>
      %add3A_571 = arith.addf %get3A_535, %get3A_541 : vector<16xf32>
      %add3A_572 = arith.addf %get3A_547, %get3A_553 : vector<16xf32>
      %add3A_573 = arith.addf %get3A_559, %get3A_565 : vector<16xf32>
      %add3A_574 = arith.addf %add3A_566, %add3A_567 : vector<16xf32>
      %add3A_575 = arith.addf %add3A_568, %add3A_569 : vector<16xf32>
      %add3A_576 = arith.addf %add3A_570, %add3A_571 : vector<16xf32>
      %add3A_577 = arith.addf %add3A_572, %add3A_573 : vector<16xf32>
      %add3A_578 = arith.addf %add3A_574, %add3A_575 : vector<16xf32>
      %add3A_579 = arith.addf %add3A_576, %add3A_577 : vector<16xf32>
      %add3A_580 = arith.addf %add3A_578, %add3A_579 : vector<16xf32>
      %swap3A_581 = arith.index_cast %scan3A_127 : i32 to index
      %swap3A_582 = arith.constant 48 : index
      %swap3A_583 = tpu.vector_load %arg8[%swap3A_581, %swap3A_582] {strides = array<i32>} : memref<33x128xf32, #tpu.memory_space<vmem>>, vector<16xf32>,
      tpu.vector_store %arg8[%swap3A_581, %swap3A_582], %add3A_580 {strides = array<i32>} : memref<33x128xf32, #tpu.memory_space<vmem>>, vector<16xf32>,
      %add3A_584 = arith.constant 0 : i32
      %add3A_585 = arith.addi %mul3A_129, %add3A_584 : i32
      %add3A_586 = arith.constant 64 : i32
      %add3A_587 = arith.addi %add3A_585, %add3A_586 : i32
      %get3A_588 = arith.index_cast %add3A_587 : i32 to index
      %get3A_589 = tpu.vector_load %arg7[%get3A_588] {strides = array<i32>} : memref<67584xf32, #tpu.memory_space<vmem>>, vector<16xf32>,
      %add3A_590 = arith.constant 128 : i32
      %add3A_591 = arith.addi %mul3A_129, %add3A_590 : i32
      %add3A_592 = arith.constant 64 : i32
      %add3A_593 = arith.addi %add3A_591, %add3A_592 : i32
      %get3A_594 = arith.index_cast %add3A_593 : i32 to index
      %get3A_595 = tpu.vector_load %arg7[%get3A_594] {strides = array<i32>} : memref<67584xf32, #tpu.memory_space<vmem>>, vector<16xf32>,
      %add3A_596 = arith.constant 256 : i32
      %add3A_597 = arith.addi %mul3A_129, %add3A_596 : i32
      %add3A_598 = arith.constant 64 : i32
      %add3A_599 = arith.addi %add3A_597, %add3A_598 : i32
      %get3A_600 = arith.index_cast %add3A_599 : i32 to index
      %get3A_601 = tpu.vector_load %arg7[%get3A_600] {strides = array<i32>} : memref<67584xf32, #tpu.memory_space<vmem>>, vector<16xf32>,
      %add3A_602 = arith.constant 384 : i32
      %add3A_603 = arith.addi %mul3A_129, %add3A_602 : i32
      %add3A_604 = arith.constant 64 : i32
      %add3A_605 = arith.addi %add3A_603, %add3A_604 : i32
      %get3A_606 = arith.index_cast %add3A_605 : i32 to index
      %get3A_607 = tpu.vector_load %arg7[%get3A_606] {strides = array<i32>} : memref<67584xf32, #tpu.memory_space<vmem>>, vector<16xf32>,
      %add3A_608 = arith.constant 512 : i32
      %add3A_609 = arith.addi %mul3A_129, %add3A_608 : i32
      %add3A_610 = arith.constant 64 : i32
      %add3A_611 = arith.addi %add3A_609, %add3A_610 : i32
      %get3A_612 = arith.index_cast %add3A_611 : i32 to index
      %get3A_613 = tpu.vector_load %arg7[%get3A_612] {strides = array<i32>} : memref<67584xf32, #tpu.memory_space<vmem>>, vector<16xf32>,
      %add3A_614 = arith.constant 640 : i32
      %add3A_615 = arith.addi %mul3A_129, %add3A_614 : i32
      %add3A_616 = arith.constant 64 : i32
      %add3A_617 = arith.addi %add3A_615, %add3A_616 : i32
      %get3A_618 = arith.index_cast %add3A_617 : i32 to index
      %get3A_619 = tpu.vector_load %arg7[%get3A_618] {strides = array<i32>} : memref<67584xf32, #tpu.memory_space<vmem>>, vector<16xf32>,
      %add3A_620 = arith.constant 768 : i32
      %add3A_621 = arith.addi %mul3A_129, %add3A_620 : i32
      %add3A_622 = arith.constant 64 : i32
      %add3A_623 = arith.addi %add3A_621, %add3A_622 : i32
      %get3A_624 = arith.index_cast %add3A_623 : i32 to index
      %get3A_625 = tpu.vector_load %arg7[%get3A_624] {strides = array<i32>} : memref<67584xf32, #tpu.memory_space<vmem>>, vector<16xf32>,
      %add3A_626 = arith.constant 896 : i32
      %add3A_627 = arith.addi %mul3A_129, %add3A_626 : i32
      %add3A_628 = arith.constant 64 : i32
      %add3A_629 = arith.addi %add3A_627, %add3A_628 : i32
      %get3A_630 = arith.index_cast %add3A_629 : i32 to index
      %get3A_631 = tpu.vector_load %arg7[%get3A_630] {strides = array<i32>} : memref<67584xf32, #tpu.memory_space<vmem>>, vector<16xf32>,
      %add3A_632 = arith.constant 1024 : i32
      %add3A_633 = arith.addi %mul3A_129, %add3A_632 : i32
      %add3A_634 = arith.constant 64 : i32
      %add3A_635 = arith.addi %add3A_633, %add3A_634 : i32
      %get3A_636 = arith.index_cast %add3A_635 : i32 to index
      %get3A_637 = tpu.vector_load %arg7[%get3A_636] {strides = array<i32>} : memref<67584xf32, #tpu.memory_space<vmem>>, vector<16xf32>,
      %add3A_638 = arith.constant 1152 : i32
      %add3A_639 = arith.addi %mul3A_129, %add3A_638 : i32
      %add3A_640 = arith.constant 64 : i32
      %add3A_641 = arith.addi %add3A_639, %add3A_640 : i32
      %get3A_642 = arith.index_cast %add3A_641 : i32 to index
      %get3A_643 = tpu.vector_load %arg7[%get3A_642] {strides = array<i32>} : memref<67584xf32, #tpu.memory_space<vmem>>, vector<16xf32>,
      %add3A_644 = arith.constant 1280 : i32
      %add3A_645 = arith.addi %mul3A_129, %add3A_644 : i32
      %add3A_646 = arith.constant 64 : i32
      %add3A_647 = arith.addi %add3A_645, %add3A_646 : i32
      %get3A_648 = arith.index_cast %add3A_647 : i32 to index
      %get3A_649 = tpu.vector_load %arg7[%get3A_648] {strides = array<i32>} : memref<67584xf32, #tpu.memory_space<vmem>>, vector<16xf32>,
      %add3A_650 = arith.constant 1408 : i32
      %add3A_651 = arith.addi %mul3A_129, %add3A_650 : i32
      %add3A_652 = arith.constant 64 : i32
      %add3A_653 = arith.addi %add3A_651, %add3A_652 : i32
      %get3A_654 = arith.index_cast %add3A_653 : i32 to index
      %get3A_655 = tpu.vector_load %arg7[%get3A_654] {strides = array<i32>} : memref<67584xf32, #tpu.memory_space<vmem>>, vector<16xf32>,
      %add3A_656 = arith.constant 1536 : i32
      %add3A_657 = arith.addi %mul3A_129, %add3A_656 : i32
      %add3A_658 = arith.constant 64 : i32
      %add3A_659 = arith.addi %add3A_657, %add3A_658 : i32
      %get3A_660 = arith.index_cast %add3A_659 : i32 to index
      %get3A_661 = tpu.vector_load %arg7[%get3A_660] {strides = array<i32>} : memref<67584xf32, #tpu.memory_space<vmem>>, vector<16xf32>,
      %add3A_662 = arith.constant 1664 : i32
      %add3A_663 = arith.addi %mul3A_129, %add3A_662 : i32
      %add3A_664 = arith.constant 64 : i32
      %add3A_665 = arith.addi %add3A_663, %add3A_664 : i32
      %get3A_666 = arith.index_cast %add3A_665 : i32 to index
      %get3A_667 = tpu.vector_load %arg7[%get3A_666] {strides = array<i32>} : memref<67584xf32, #tpu.memory_space<vmem>>, vector<16xf32>,
      %add3A_668 = arith.constant 1792 : i32
      %add3A_669 = arith.addi %mul3A_129, %add3A_668 : i32
      %add3A_670 = arith.constant 64 : i32
      %add3A_671 = arith.addi %add3A_669, %add3A_670 : i32
      %get3A_672 = arith.index_cast %add3A_671 : i32 to index
      %get3A_673 = tpu.vector_load %arg7[%get3A_672] {strides = array<i32>} : memref<67584xf32, #tpu.memory_space<vmem>>, vector<16xf32>,
      %add3A_674 = arith.constant 1920 : i32
      %add3A_675 = arith.addi %mul3A_129, %add3A_674 : i32
      %add3A_676 = arith.constant 64 : i32
      %add3A_677 = arith.addi %add3A_675, %add3A_676 : i32
      %get3A_678 = arith.index_cast %add3A_677 : i32 to index
      %get3A_679 = tpu.vector_load %arg7[%get3A_678] {strides = array<i32>} : memref<67584xf32, #tpu.memory_space<vmem>>, vector<16xf32>,
      %add3A_680 = arith.addf %get3A_589, %get3A_595 : vector<16xf32>
      %add3A_681 = arith.addf %get3A_601, %get3A_607 : vector<16xf32>
      %add3A_682 = arith.addf %get3A_613, %get3A_619 : vector<16xf32>
      %add3A_683 = arith.addf %get3A_625, %get3A_631 : vector<16xf32>
      %add3A_684 = arith.addf %get3A_637, %get3A_643 : vector<16xf32>
      %add3A_685 = arith.addf %get3A_649, %get3A_655 : vector<16xf32>
      %add3A_686 = arith.addf %get3A_661, %get3A_667 : vector<16xf32>
      %add3A_687 = arith.addf %get3A_673, %get3A_679 : vector<16xf32>
      %add3A_688 = arith.addf %add3A_680, %add3A_681 : vector<16xf32>
      %add3A_689 = arith.addf %add3A_682, %add3A_683 : vector<16xf32>
      %add3A_690 = arith.addf %add3A_684, %add3A_685 : vector<16xf32>
      %add3A_691 = arith.addf %add3A_686, %add3A_687 : vector<16xf32>
      %add3A_692 = arith.addf %add3A_688, %add3A_689 : vector<16xf32>
      %add3A_693 = arith.addf %add3A_690, %add3A_691 : vector<16xf32>
      %add3A_694 = arith.addf %add3A_692, %add3A_693 : vector<16xf32>
      %swap3A_695 = arith.index_cast %scan3A_127 : i32 to index
      %swap3A_696 = arith.constant 64 : index
      %swap3A_697 = tpu.vector_load %arg8[%swap3A_695, %swap3A_696] {strides = array<i32>} : memref<33x128xf32, #tpu.memory_space<vmem>>, vector<16xf32>,
      tpu.vector_store %arg8[%swap3A_695, %swap3A_696], %add3A_694 {strides = array<i32>} : memref<33x128xf32, #tpu.memory_space<vmem>>, vector<16xf32>,
      %add3A_698 = arith.constant 0 : i32
      %add3A_699 = arith.addi %mul3A_129, %add3A_698 : i32
      %add3A_700 = arith.constant 80 : i32
      %add3A_701 = arith.addi %add3A_699, %add3A_700 : i32
      %get3A_702 = arith.index_cast %add3A_701 : i32 to index
      %get3A_703 = tpu.vector_load %arg7[%get3A_702] {strides = array<i32>} : memref<67584xf32, #tpu.memory_space<vmem>>, vector<16xf32>,
      %add3A_704 = arith.constant 128 : i32
      %add3A_705 = arith.addi %mul3A_129, %add3A_704 : i32
      %add3A_706 = arith.constant 80 : i32
      %add3A_707 = arith.addi %add3A_705, %add3A_706 : i32
      %get3A_708 = arith.index_cast %add3A_707 : i32 to index
      %get3A_709 = tpu.vector_load %arg7[%get3A_708] {strides = array<i32>} : memref<67584xf32, #tpu.memory_space<vmem>>, vector<16xf32>,
      %add3A_710 = arith.constant 256 : i32
      %add3A_711 = arith.addi %mul3A_129, %add3A_710 : i32
      %add3A_712 = arith.constant 80 : i32
      %add3A_713 = arith.addi %add3A_711, %add3A_712 : i32
      %get3A_714 = arith.index_cast %add3A_713 : i32 to index
      %get3A_715 = tpu.vector_load %arg7[%get3A_714] {strides = array<i32>} : memref<67584xf32, #tpu.memory_space<vmem>>, vector<16xf32>,
      %add3A_716 = arith.constant 384 : i32
      %add3A_717 = arith.addi %mul3A_129, %add3A_716 : i32
      %add3A_718 = arith.constant 80 : i32
      %add3A_719 = arith.addi %add3A_717, %add3A_718 : i32
      %get3A_720 = arith.index_cast %add3A_719 : i32 to index
      %get3A_721 = tpu.vector_load %arg7[%get3A_720] {strides = array<i32>} : memref<67584xf32, #tpu.memory_space<vmem>>, vector<16xf32>,
      %add3A_722 = arith.constant 512 : i32
      %add3A_723 = arith.addi %mul3A_129, %add3A_722 : i32
      %add3A_724 = arith.constant 80 : i32
      %add3A_725 = arith.addi %add3A_723, %add3A_724 : i32
      %get3A_726 = arith.index_cast %add3A_725 : i32 to index
      %get3A_727 = tpu.vector_load %arg7[%get3A_726] {strides = array<i32>} : memref<67584xf32, #tpu.memory_space<vmem>>, vector<16xf32>,
      %add3A_728 = arith.constant 640 : i32
      %add3A_729 = arith.addi %mul3A_129, %add3A_728 : i32
      %add3A_730 = arith.constant 80 : i32
      %add3A_731 = arith.addi %add3A_729, %add3A_730 : i32
      %get3A_732 = arith.index_cast %add3A_731 : i32 to index
      %get3A_733 = tpu.vector_load %arg7[%get3A_732] {strides = array<i32>} : memref<67584xf32, #tpu.memory_space<vmem>>, vector<16xf32>,
      %add3A_734 = arith.constant 768 : i32
      %add3A_735 = arith.addi %mul3A_129, %add3A_734 : i32
      %add3A_736 = arith.constant 80 : i32
      %add3A_737 = arith.addi %add3A_735, %add3A_736 : i32
      %get3A_738 = arith.index_cast %add3A_737 : i32 to index
      %get3A_739 = tpu.vector_load %arg7[%get3A_738] {strides = array<i32>} : memref<67584xf32, #tpu.memory_space<vmem>>, vector<16xf32>,
      %add3A_740 = arith.constant 896 : i32
      %add3A_741 = arith.addi %mul3A_129, %add3A_740 : i32
      %add3A_742 = arith.constant 80 : i32
      %add3A_743 = arith.addi %add3A_741, %add3A_742 : i32
      %get3A_744 = arith.index_cast %add3A_743 : i32 to index
      %get3A_745 = tpu.vector_load %arg7[%get3A_744] {strides = array<i32>} : memref<67584xf32, #tpu.memory_space<vmem>>, vector<16xf32>,
      %add3A_746 = arith.constant 1024 : i32
      %add3A_747 = arith.addi %mul3A_129, %add3A_746 : i32
      %add3A_748 = arith.constant 80 : i32
      %add3A_749 = arith.addi %add3A_747, %add3A_748 : i32
      %get3A_750 = arith.index_cast %add3A_749 : i32 to index
      %get3A_751 = tpu.vector_load %arg7[%get3A_750] {strides = array<i32>} : memref<67584xf32, #tpu.memory_space<vmem>>, vector<16xf32>,
      %add3A_752 = arith.constant 1152 : i32
      %add3A_753 = arith.addi %mul3A_129, %add3A_752 : i32
      %add3A_754 = arith.constant 80 : i32
      %add3A_755 = arith.addi %add3A_753, %add3A_754 : i32
      %get3A_756 = arith.index_cast %add3A_755 : i32 to index
      %get3A_757 = tpu.vector_load %arg7[%get3A_756] {strides = array<i32>} : memref<67584xf32, #tpu.memory_space<vmem>>, vector<16xf32>,
      %add3A_758 = arith.constant 1280 : i32
      %add3A_759 = arith.addi %mul3A_129, %add3A_758 : i32
      %add3A_760 = arith.constant 80 : i32
      %add3A_761 = arith.addi %add3A_759, %add3A_760 : i32
      %get3A_762 = arith.index_cast %add3A_761 : i32 to index
      %get3A_763 = tpu.vector_load %arg7[%get3A_762] {strides = array<i32>} : memref<67584xf32, #tpu.memory_space<vmem>>, vector<16xf32>,
      %add3A_764 = arith.constant 1408 : i32
      %add3A_765 = arith.addi %mul3A_129, %add3A_764 : i32
      %add3A_766 = arith.constant 80 : i32
      %add3A_767 = arith.addi %add3A_765, %add3A_766 : i32
      %get3A_768 = arith.index_cast %add3A_767 : i32 to index
      %get3A_769 = tpu.vector_load %arg7[%get3A_768] {strides = array<i32>} : memref<67584xf32, #tpu.memory_space<vmem>>, vector<16xf32>,
      %add3A_770 = arith.constant 1536 : i32
      %add3A_771 = arith.addi %mul3A_129, %add3A_770 : i32
      %add3A_772 = arith.constant 80 : i32
      %add3A_773 = arith.addi %add3A_771, %add3A_772 : i32
      %get3A_774 = arith.index_cast %add3A_773 : i32 to index
      %get3A_775 = tpu.vector_load %arg7[%get3A_774] {strides = array<i32>} : memref<67584xf32, #tpu.memory_space<vmem>>, vector<16xf32>,
      %add3A_776 = arith.constant 1664 : i32
      %add3A_777 = arith.addi %mul3A_129, %add3A_776 : i32
      %add3A_778 = arith.constant 80 : i32
      %add3A_779 = arith.addi %add3A_777, %add3A_778 : i32
      %get3A_780 = arith.index_cast %add3A_779 : i32 to index
      %get3A_781 = tpu.vector_load %arg7[%get3A_780] {strides = array<i32>} : memref<67584xf32, #tpu.memory_space<vmem>>, vector<16xf32>,
      %add3A_782 = arith.constant 1792 : i32
      %add3A_783 = arith.addi %mul3A_129, %add3A_782 : i32
      %add3A_784 = arith.constant 80 : i32
      %add3A_785 = arith.addi %add3A_783, %add3A_784 : i32
      %get3A_786 = arith.index_cast %add3A_785 : i32 to index
      %get3A_787 = tpu.vector_load %arg7[%get3A_786] {strides = array<i32>} : memref<67584xf32, #tpu.memory_space<vmem>>, vector<16xf32>,
      %add3A_788 = arith.constant 1920 : i32
      %add3A_789 = arith.addi %mul3A_129, %add3A_788 : i32
      %add3A_790 = arith.constant 80 : i32
      %add3A_791 = arith.addi %add3A_789, %add3A_790 : i32
      %get3A_792 = arith.index_cast %add3A_791 : i32 to index
      %get3A_793 = tpu.vector_load %arg7[%get3A_792] {strides = array<i32>} : memref<67584xf32, #tpu.memory_space<vmem>>, vector<16xf32>,
      %add3A_794 = arith.addf %get3A_703, %get3A_709 : vector<16xf32>
      %add3A_795 = arith.addf %get3A_715, %get3A_721 : vector<16xf32>
      %add3A_796 = arith.addf %get3A_727, %get3A_733 : vector<16xf32>
      %add3A_797 = arith.addf %get3A_739, %get3A_745 : vector<16xf32>
      %add3A_798 = arith.addf %get3A_751, %get3A_757 : vector<16xf32>
      %add3A_799 = arith.addf %get3A_763, %get3A_769 : vector<16xf32>
      %add3A_800 = arith.addf %get3A_775, %get3A_781 : vector<16xf32>
      %add3A_801 = arith.addf %get3A_787, %get3A_793 : vector<16xf32>
      %add3A_802 = arith.addf %add3A_794, %add3A_795 : vector<16xf32>
      %add3A_803 = arith.addf %add3A_796, %add3A_797 : vector<16xf32>
      %add3A_804 = arith.addf %add3A_798, %add3A_799 : vector<16xf32>
      %add3A_805 = arith.addf %add3A_800, %add3A_801 : vector<16xf32>
      %add3A_806 = arith.addf %add3A_802, %add3A_803 : vector<16xf32>
      %add3A_807 = arith.addf %add3A_804, %add3A_805 : vector<16xf32>
      %add3A_808 = arith.addf %add3A_806, %add3A_807 : vector<16xf32>
      %swap3A_809 = arith.index_cast %scan3A_127 : i32 to index
      %swap3A_810 = arith.constant 80 : index
      %swap3A_811 = tpu.vector_load %arg8[%swap3A_809, %swap3A_810] {strides = array<i32>} : memref<33x128xf32, #tpu.memory_space<vmem>>, vector<16xf32>,
      tpu.vector_store %arg8[%swap3A_809, %swap3A_810], %add3A_808 {strides = array<i32>} : memref<33x128xf32, #tpu.memory_space<vmem>>, vector<16xf32>,
      %add3A_812 = arith.constant 0 : i32
      %add3A_813 = arith.addi %mul3A_129, %add3A_812 : i32
      %add3A_814 = arith.constant 96 : i32
      %add3A_815 = arith.addi %add3A_813, %add3A_814 : i32
      %get3A_816 = arith.index_cast %add3A_815 : i32 to index
      %get3A_817 = tpu.vector_load %arg7[%get3A_816] {strides = array<i32>} : memref<67584xf32, #tpu.memory_space<vmem>>, vector<16xf32>,
      %add3A_818 = arith.constant 128 : i32
      %add3A_819 = arith.addi %mul3A_129, %add3A_818 : i32
      %add3A_820 = arith.constant 96 : i32
      %add3A_821 = arith.addi %add3A_819, %add3A_820 : i32
      %get3A_822 = arith.index_cast %add3A_821 : i32 to index
      %get3A_823 = tpu.vector_load %arg7[%get3A_822] {strides = array<i32>} : memref<67584xf32, #tpu.memory_space<vmem>>, vector<16xf32>,
      %add3A_824 = arith.constant 256 : i32
      %add3A_825 = arith.addi %mul3A_129, %add3A_824 : i32
      %add3A_826 = arith.constant 96 : i32
      %add3A_827 = arith.addi %add3A_825, %add3A_826 : i32
      %get3A_828 = arith.index_cast %add3A_827 : i32 to index
      %get3A_829 = tpu.vector_load %arg7[%get3A_828] {strides = array<i32>} : memref<67584xf32, #tpu.memory_space<vmem>>, vector<16xf32>,
      %add3A_830 = arith.constant 384 : i32
      %add3A_831 = arith.addi %mul3A_129, %add3A_830 : i32
      %add3A_832 = arith.constant 96 : i32
      %add3A_833 = arith.addi %add3A_831, %add3A_832 : i32
      %get3A_834 = arith.index_cast %add3A_833 : i32 to index
      %get3A_835 = tpu.vector_load %arg7[%get3A_834] {strides = array<i32>} : memref<67584xf32, #tpu.memory_space<vmem>>, vector<16xf32>,
      %add3A_836 = arith.constant 512 : i32
      %add3A_837 = arith.addi %mul3A_129, %add3A_836 : i32
      %add3A_838 = arith.constant 96 : i32
      %add3A_839 = arith.addi %add3A_837, %add3A_838 : i32
      %get3A_840 = arith.index_cast %add3A_839 : i32 to index
      %get3A_841 = tpu.vector_load %arg7[%get3A_840] {strides = array<i32>} : memref<67584xf32, #tpu.memory_space<vmem>>, vector<16xf32>,
      %add3A_842 = arith.constant 640 : i32
      %add3A_843 = arith.addi %mul3A_129, %add3A_842 : i32
      %add3A_844 = arith.constant 96 : i32
      %add3A_845 = arith.addi %add3A_843, %add3A_844 : i32
      %get3A_846 = arith.index_cast %add3A_845 : i32 to index
      %get3A_847 = tpu.vector_load %arg7[%get3A_846] {strides = array<i32>} : memref<67584xf32, #tpu.memory_space<vmem>>, vector<16xf32>,
      %add3A_848 = arith.constant 768 : i32
      %add3A_849 = arith.addi %mul3A_129, %add3A_848 : i32
      %add3A_850 = arith.constant 96 : i32
      %add3A_851 = arith.addi %add3A_849, %add3A_850 : i32
      %get3A_852 = arith.index_cast %add3A_851 : i32 to index
      %get3A_853 = tpu.vector_load %arg7[%get3A_852] {strides = array<i32>} : memref<67584xf32, #tpu.memory_space<vmem>>, vector<16xf32>,
      %add3A_854 = arith.constant 896 : i32
      %add3A_855 = arith.addi %mul3A_129, %add3A_854 : i32
      %add3A_856 = arith.constant 96 : i32
      %add3A_857 = arith.addi %add3A_855, %add3A_856 : i32
      %get3A_858 = arith.index_cast %add3A_857 : i32 to index
      %get3A_859 = tpu.vector_load %arg7[%get3A_858] {strides = array<i32>} : memref<67584xf32, #tpu.memory_space<vmem>>, vector<16xf32>,
      %add3A_860 = arith.constant 1024 : i32
      %add3A_861 = arith.addi %mul3A_129, %add3A_860 : i32
      %add3A_862 = arith.constant 96 : i32
      %add3A_863 = arith.addi %add3A_861, %add3A_862 : i32
      %get3A_864 = arith.index_cast %add3A_863 : i32 to index
      %get3A_865 = tpu.vector_load %arg7[%get3A_864] {strides = array<i32>} : memref<67584xf32, #tpu.memory_space<vmem>>, vector<16xf32>,
      %add3A_866 = arith.constant 1152 : i32
      %add3A_867 = arith.addi %mul3A_129, %add3A_866 : i32
      %add3A_868 = arith.constant 96 : i32
      %add3A_869 = arith.addi %add3A_867, %add3A_868 : i32
      %get3A_870 = arith.index_cast %add3A_869 : i32 to index
      %get3A_871 = tpu.vector_load %arg7[%get3A_870] {strides = array<i32>} : memref<67584xf32, #tpu.memory_space<vmem>>, vector<16xf32>,
      %add3A_872 = arith.constant 1280 : i32
      %add3A_873 = arith.addi %mul3A_129, %add3A_872 : i32
      %add3A_874 = arith.constant 96 : i32
      %add3A_875 = arith.addi %add3A_873, %add3A_874 : i32
      %get3A_876 = arith.index_cast %add3A_875 : i32 to index
      %get3A_877 = tpu.vector_load %arg7[%get3A_876] {strides = array<i32>} : memref<67584xf32, #tpu.memory_space<vmem>>, vector<16xf32>,
      %add3A_878 = arith.constant 1408 : i32
      %add3A_879 = arith.addi %mul3A_129, %add3A_878 : i32
      %add3A_880 = arith.constant 96 : i32
      %add3A_881 = arith.addi %add3A_879, %add3A_880 : i32
      %get3A_882 = arith.index_cast %add3A_881 : i32 to index
      %get3A_883 = tpu.vector_load %arg7[%get3A_882] {strides = array<i32>} : memref<67584xf32, #tpu.memory_space<vmem>>, vector<16xf32>,
      %add3A_884 = arith.constant 1536 : i32
      %add3A_885 = arith.addi %mul3A_129, %add3A_884 : i32
      %add3A_886 = arith.constant 96 : i32
      %add3A_887 = arith.addi %add3A_885, %add3A_886 : i32
      %get3A_888 = arith.index_cast %add3A_887 : i32 to index
      %get3A_889 = tpu.vector_load %arg7[%get3A_888] {strides = array<i32>} : memref<67584xf32, #tpu.memory_space<vmem>>, vector<16xf32>,
      %add3A_890 = arith.constant 1664 : i32
      %add3A_891 = arith.addi %mul3A_129, %add3A_890 : i32
      %add3A_892 = arith.constant 96 : i32
      %add3A_893 = arith.addi %add3A_891, %add3A_892 : i32
      %get3A_894 = arith.index_cast %add3A_893 : i32 to index
      %get3A_895 = tpu.vector_load %arg7[%get3A_894] {strides = array<i32>} : memref<67584xf32, #tpu.memory_space<vmem>>, vector<16xf32>,
      %add3A_896 = arith.constant 1792 : i32
      %add3A_897 = arith.addi %mul3A_129, %add3A_896 : i32
      %add3A_898 = arith.constant 96 : i32
      %add3A_899 = arith.addi %add3A_897, %add3A_898 : i32
      %get3A_900 = arith.index_cast %add3A_899 : i32 to index
      %get3A_901 = tpu.vector_load %arg7[%get3A_900] {strides = array<i32>} : memref<67584xf32, #tpu.memory_space<vmem>>, vector<16xf32>,
      %add3A_902 = arith.constant 1920 : i32
      %add3A_903 = arith.addi %mul3A_129, %add3A_902 : i32
      %add3A_904 = arith.constant 96 : i32
      %add3A_905 = arith.addi %add3A_903, %add3A_904 : i32
      %get3A_906 = arith.index_cast %add3A_905 : i32 to index
      %get3A_907 = tpu.vector_load %arg7[%get3A_906] {strides = array<i32>} : memref<67584xf32, #tpu.memory_space<vmem>>, vector<16xf32>,
      %add3A_908 = arith.addf %get3A_817, %get3A_823 : vector<16xf32>
      %add3A_909 = arith.addf %get3A_829, %get3A_835 : vector<16xf32>
      %add3A_910 = arith.addf %get3A_841, %get3A_847 : vector<16xf32>
      %add3A_911 = arith.addf %get3A_853, %get3A_859 : vector<16xf32>
      %add3A_912 = arith.addf %get3A_865, %get3A_871 : vector<16xf32>
      %add3A_913 = arith.addf %get3A_877, %get3A_883 : vector<16xf32>
      %add3A_914 = arith.addf %get3A_889, %get3A_895 : vector<16xf32>
      %add3A_915 = arith.addf %get3A_901, %get3A_907 : vector<16xf32>
      %add3A_916 = arith.addf %add3A_908, %add3A_909 : vector<16xf32>
      %add3A_917 = arith.addf %add3A_910, %add3A_911 : vector<16xf32>
      %add3A_918 = arith.addf %add3A_912, %add3A_913 : vector<16xf32>
      %add3A_919 = arith.addf %add3A_914, %add3A_915 : vector<16xf32>
      %add3A_920 = arith.addf %add3A_916, %add3A_917 : vector<16xf32>
      %add3A_921 = arith.addf %add3A_918, %add3A_919 : vector<16xf32>
      %add3A_922 = arith.addf %add3A_920, %add3A_921 : vector<16xf32>
      %swap3A_923 = arith.index_cast %scan3A_127 : i32 to index
      %swap3A_924 = arith.constant 96 : index
      %swap3A_925 = tpu.vector_load %arg8[%swap3A_923, %swap3A_924] {strides = array<i32>} : memref<33x128xf32, #tpu.memory_space<vmem>>, vector<16xf32>,
      tpu.vector_store %arg8[%swap3A_923, %swap3A_924], %add3A_922 {strides = array<i32>} : memref<33x128xf32, #tpu.memory_space<vmem>>, vector<16xf32>,
      %add3A_926 = arith.constant 0 : i32
      %add3A_927 = arith.addi %mul3A_129, %add3A_926 : i32
      %add3A_928 = arith.constant 112 : i32
      %add3A_929 = arith.addi %add3A_927, %add3A_928 : i32
      %get3A_930 = arith.index_cast %add3A_929 : i32 to index
      %get3A_931 = tpu.vector_load %arg7[%get3A_930] {strides = array<i32>} : memref<67584xf32, #tpu.memory_space<vmem>>, vector<16xf32>,
      %add3A_932 = arith.constant 128 : i32
      %add3A_933 = arith.addi %mul3A_129, %add3A_932 : i32
      %add3A_934 = arith.constant 112 : i32
      %add3A_935 = arith.addi %add3A_933, %add3A_934 : i32
      %get3A_936 = arith.index_cast %add3A_935 : i32 to index
      %get3A_937 = tpu.vector_load %arg7[%get3A_936] {strides = array<i32>} : memref<67584xf32, #tpu.memory_space<vmem>>, vector<16xf32>,
      %add3A_938 = arith.constant 256 : i32
      %add3A_939 = arith.addi %mul3A_129, %add3A_938 : i32
      %add3A_940 = arith.constant 112 : i32
      %add3A_941 = arith.addi %add3A_939, %add3A_940 : i32
      %get3A_942 = arith.index_cast %add3A_941 : i32 to index
      %get3A_943 = tpu.vector_load %arg7[%get3A_942] {strides = array<i32>} : memref<67584xf32, #tpu.memory_space<vmem>>, vector<16xf32>,
      %add3A_944 = arith.constant 384 : i32
      %add3A_945 = arith.addi %mul3A_129, %add3A_944 : i32
      %add3A_946 = arith.constant 112 : i32
      %add3A_947 = arith.addi %add3A_945, %add3A_946 : i32
      %get3A_948 = arith.index_cast %add3A_947 : i32 to index
      %get3A_949 = tpu.vector_load %arg7[%get3A_948] {strides = array<i32>} : memref<67584xf32, #tpu.memory_space<vmem>>, vector<16xf32>,
      %add3A_950 = arith.constant 512 : i32
      %add3A_951 = arith.addi %mul3A_129, %add3A_950 : i32
      %add3A_952 = arith.constant 112 : i32
      %add3A_953 = arith.addi %add3A_951, %add3A_952 : i32
      %get3A_954 = arith.index_cast %add3A_953 : i32 to index
      %get3A_955 = tpu.vector_load %arg7[%get3A_954] {strides = array<i32>} : memref<67584xf32, #tpu.memory_space<vmem>>, vector<16xf32>,
      %add3A_956 = arith.constant 640 : i32
      %add3A_957 = arith.addi %mul3A_129, %add3A_956 : i32
      %add3A_958 = arith.constant 112 : i32
      %add3A_959 = arith.addi %add3A_957, %add3A_958 : i32
      %get3A_960 = arith.index_cast %add3A_959 : i32 to index
      %get3A_961 = tpu.vector_load %arg7[%get3A_960] {strides = array<i32>} : memref<67584xf32, #tpu.memory_space<vmem>>, vector<16xf32>,
      %add3A_962 = arith.constant 768 : i32
      %add3A_963 = arith.addi %mul3A_129, %add3A_962 : i32
      %add3A_964 = arith.constant 112 : i32
      %add3A_965 = arith.addi %add3A_963, %add3A_964 : i32
      %get3A_966 = arith.index_cast %add3A_965 : i32 to index
      %get3A_967 = tpu.vector_load %arg7[%get3A_966] {strides = array<i32>} : memref<67584xf32, #tpu.memory_space<vmem>>, vector<16xf32>,
      %add3A_968 = arith.constant 896 : i32
      %add3A_969 = arith.addi %mul3A_129, %add3A_968 : i32
      %add3A_970 = arith.constant 112 : i32
      %add3A_971 = arith.addi %add3A_969, %add3A_970 : i32
      %get3A_972 = arith.index_cast %add3A_971 : i32 to index
      %get3A_973 = tpu.vector_load %arg7[%get3A_972] {strides = array<i32>} : memref<67584xf32, #tpu.memory_space<vmem>>, vector<16xf32>,
      %add3A_974 = arith.constant 1024 : i32
      %add3A_975 = arith.addi %mul3A_129, %add3A_974 : i32
      %add3A_976 = arith.constant 112 : i32
      %add3A_977 = arith.addi %add3A_975, %add3A_976 : i32
      %get3A_978 = arith.index_cast %add3A_977 : i32 to index
      %get3A_979 = tpu.vector_load %arg7[%get3A_978] {strides = array<i32>} : memref<67584xf32, #tpu.memory_space<vmem>>, vector<16xf32>,
      %add3A_980 = arith.constant 1152 : i32
      %add3A_981 = arith.addi %mul3A_129, %add3A_980 : i32
      %add3A_982 = arith.constant 112 : i32
      %add3A_983 = arith.addi %add3A_981, %add3A_982 : i32
      %get3A_984 = arith.index_cast %add3A_983 : i32 to index
      %get3A_985 = tpu.vector_load %arg7[%get3A_984] {strides = array<i32>} : memref<67584xf32, #tpu.memory_space<vmem>>, vector<16xf32>,
      %add3A_986 = arith.constant 1280 : i32
      %add3A_987 = arith.addi %mul3A_129, %add3A_986 : i32
      %add3A_988 = arith.constant 112 : i32
      %add3A_989 = arith.addi %add3A_987, %add3A_988 : i32
      %get3A_990 = arith.index_cast %add3A_989 : i32 to index
      %get3A_991 = tpu.vector_load %arg7[%get3A_990] {strides = array<i32>} : memref<67584xf32, #tpu.memory_space<vmem>>, vector<16xf32>,
      %add3A_992 = arith.constant 1408 : i32
      %add3A_993 = arith.addi %mul3A_129, %add3A_992 : i32
      %add3A_994 = arith.constant 112 : i32
      %add3A_995 = arith.addi %add3A_993, %add3A_994 : i32
      %get3A_996 = arith.index_cast %add3A_995 : i32 to index
      %get3A_997 = tpu.vector_load %arg7[%get3A_996] {strides = array<i32>} : memref<67584xf32, #tpu.memory_space<vmem>>, vector<16xf32>,
      %add3A_998 = arith.constant 1536 : i32
      %add3A_999 = arith.addi %mul3A_129, %add3A_998 : i32
      %add3A_1000 = arith.constant 112 : i32
      %add3A_1001 = arith.addi %add3A_999, %add3A_1000 : i32
      %get3A_1002 = arith.index_cast %add3A_1001 : i32 to index
      %get3A_1003 = tpu.vector_load %arg7[%get3A_1002] {strides = array<i32>} : memref<67584xf32, #tpu.memory_space<vmem>>, vector<16xf32>,
      %add3A_1004 = arith.constant 1664 : i32
      %add3A_1005 = arith.addi %mul3A_129, %add3A_1004 : i32
      %add3A_1006 = arith.constant 112 : i32
      %add3A_1007 = arith.addi %add3A_1005, %add3A_1006 : i32
      %get3A_1008 = arith.index_cast %add3A_1007 : i32 to index
      %get3A_1009 = tpu.vector_load %arg7[%get3A_1008] {strides = array<i32>} : memref<67584xf32, #tpu.memory_space<vmem>>, vector<16xf32>,
      %add3A_1010 = arith.constant 1792 : i32
      %add3A_1011 = arith.addi %mul3A_129, %add3A_1010 : i32
      %add3A_1012 = arith.constant 112 : i32
      %add3A_1013 = arith.addi %add3A_1011, %add3A_1012 : i32
      %get3A_1014 = arith.index_cast %add3A_1013 : i32 to index
      %get3A_1015 = tpu.vector_load %arg7[%get3A_1014] {strides = array<i32>} : memref<67584xf32, #tpu.memory_space<vmem>>, vector<16xf32>,
      %add3A_1016 = arith.constant 1920 : i32
      %add3A_1017 = arith.addi %mul3A_129, %add3A_1016 : i32
      %add3A_1018 = arith.constant 112 : i32
      %add3A_1019 = arith.addi %add3A_1017, %add3A_1018 : i32
      %get3A_1020 = arith.index_cast %add3A_1019 : i32 to index
      %get3A_1021 = tpu.vector_load %arg7[%get3A_1020] {strides = array<i32>} : memref<67584xf32, #tpu.memory_space<vmem>>, vector<16xf32>,
      %add3A_1022 = arith.addf %get3A_931, %get3A_937 : vector<16xf32>
      %add3A_1023 = arith.addf %get3A_943, %get3A_949 : vector<16xf32>
      %add3A_1024 = arith.addf %get3A_955, %get3A_961 : vector<16xf32>
      %add3A_1025 = arith.addf %get3A_967, %get3A_973 : vector<16xf32>
      %add3A_1026 = arith.addf %get3A_979, %get3A_985 : vector<16xf32>
      %add3A_1027 = arith.addf %get3A_991, %get3A_997 : vector<16xf32>
      %add3A_1028 = arith.addf %get3A_1003, %get3A_1009 : vector<16xf32>
      %add3A_1029 = arith.addf %get3A_1015, %get3A_1021 : vector<16xf32>
      %add3A_1030 = arith.addf %add3A_1022, %add3A_1023 : vector<16xf32>
      %add3A_1031 = arith.addf %add3A_1024, %add3A_1025 : vector<16xf32>
      %add3A_1032 = arith.addf %add3A_1026, %add3A_1027 : vector<16xf32>
      %add3A_1033 = arith.addf %add3A_1028, %add3A_1029 : vector<16xf32>
      %add3A_1034 = arith.addf %add3A_1030, %add3A_1031 : vector<16xf32>
      %add3A_1035 = arith.addf %add3A_1032, %add3A_1033 : vector<16xf32>
      %add3A_1036 = arith.addf %add3A_1034, %add3A_1035 : vector<16xf32>
      %swap3A_1037 = arith.index_cast %scan3A_127 : i32 to index
      %swap3A_1038 = arith.constant 112 : index
      %swap3A_1039 = tpu.vector_load %arg8[%swap3A_1037, %swap3A_1038] {strides = array<i32>} : memref<33x128xf32, #tpu.memory_space<vmem>>, vector<16xf32>,
      tpu.vector_store %arg8[%swap3A_1037, %swap3A_1038], %add3A_1036 {strides = array<i32>} : memref<33x128xf32, #tpu.memory_space<vmem>>, vector<16xf32>,
    }
    %scan3A_126 = arith.constant 33 : i32
    "tpu.region"() ({
      %run_scoped3A = tpu.sem_alloc : memref<!tpu.dma_semaphore, #tpu.memory_space<semaphore_mem>>
      %dma_start3A_127 = arith.constant 0 : i32
      %dma_start3A_128 = arith.constant 0 : i32
      %dma_start3A_129 = tpu.memref_slice %arg4[%add3A, %dma_start3A_127, %dma_start3A_128] : memref<32x33x128xf32, #tpu.memory_space<hbm>> -> memref<1x33x128xf32, #tpu.memory_space<hbm>>
      %dma_start3A_130 = tpu.memref_squeeze %dma_start3A_129 : memref<1x33x128xf32, #tpu.memory_space<hbm>> -> memref<33x128xf32, #tpu.memory_space<hbm>>
      %dma_start3A_131 = arith.constant 0 : i32
      %dma_start3A_132 = arith.constant 0 : i32
      %dma_start3A_133 = tpu.memref_slice %arg4[%add3A, %dma_start3A_131, %dma_start3A_132] : memref<32x33x128xf32, #tpu.memory_space<hbm>> -> memref<1x33x128xf32, #tpu.memory_space<hbm>>
      %dma_start3A_134 = tpu.memref_squeeze %dma_start3A_133 : memref<1x33x128xf32, #tpu.memory_space<hbm>> -> memref<33x128xf32, #tpu.memory_space<hbm>>
      tpu.enqueue_dma source(%arg8 : memref<33x128xf32, #tpu.memory_space<vmem>>) target(%dma_start3A_134 : memref<33x128xf32, #tpu.memory_space<hbm>>) target_semaphore(%run_scoped3A : memref<!tpu.dma_semaphore, #tpu.memory_space<semaphore_mem>>)
      %dma_wait3A_135 = arith.constant 0 : i32
      %dma_wait3A_136 = arith.constant 0 : i32
      %dma_wait3A_137 = tpu.memref_slice %arg4[%add3A, %dma_wait3A_135, %dma_wait3A_136] : memref<32x33x128xf32, #tpu.memory_space<hbm>> -> memref<1x33x128xf32, #tpu.memory_space<hbm>>
      %dma_wait3A_138 = tpu.memref_squeeze %dma_wait3A_137 : memref<1x33x128xf32, #tpu.memory_space<hbm>> -> memref<33x128xf32, #tpu.memory_space<hbm>>
      %dma_wait3A_139 = arith.constant 0 : i32
      %dma_wait3A_140 = arith.constant 0 : i32
      %dma_wait3A_141 = tpu.memref_slice %arg4[%add3A, %dma_wait3A_139, %dma_wait3A_140] : memref<32x33x128xf32, #tpu.memory_space<hbm>> -> memref<1x33x128xf32, #tpu.memory_space<hbm>>
      %dma_wait3A_142 = tpu.memref_squeeze %dma_wait3A_141 : memref<1x33x128xf32, #tpu.memory_space<hbm>> -> memref<33x128xf32, #tpu.memory_space<hbm>>
      tpu.wait_dma2 semaphore(%run_scoped3A : memref<!tpu.dma_semaphore, #tpu.memory_space<semaphore_mem>>) src(%arg8 : memref<33x128xf32, #tpu.memory_space<vmem>>) dst(%dma_wait3A_142 : memref<33x128xf32, #tpu.memory_space<hbm>>)
      tpu.yield
    }) : () -> ()
    return
  }
}

module attributes {stable_mosaic.version = 14 : i64} {
  func.func @tc_kernel(%arg0: memref<32x33x128xf32, #tpu.memory_space<vmem>>, %arg1: memref<1x1xf32, #tpu.memory_space<smem>>) attributes {dimension_semantics = [], scalar_prefetch = 0 : i64, scratch_operands = 0 : i64, tpu.core_type = #tpu.core_type<tc>} {
    %get3A = arith.constant 0 : index
    %get3A_0 = arith.constant 0 : index
    %get3A_1 = arith.constant 0 : index
    %get3A_2 = vector.load %arg0[%get3A, %get3A_0, %get3A_1] : memref<32x33x128xf32, #tpu.memory_space<vmem>>, vector<32x33x128xf32>
    %reshape3A = vector.shape_cast %get3A_2 : vector<32x33x128xf32> to vector<8x4x33x128xf32>
    %reduce_sum3A = arith.constant dense<0.000000e+00> : vector<8x33x128xf32>
    %reduce_sum3A_3 = vector.multi_reduction <add>, %reshape3A, %reduce_sum3A [1] : vector<8x4x33x128xf32> to vector<8x33x128xf32>
    %slice3A = vector.extract_strided_slice %reduce_sum3A_3 {offsets = [0, 0, 0], sizes = [8, 32, 128], strides = [1, 1, 1]} : vector<8x33x128xf32> to vector<8x32x128xf32>
    %reshape3A_4 = vector.shape_cast %slice3A : vector<8x32x128xf32> to vector<2x4x32x128xf32>
    %slice3A_5 = vector.extract_strided_slice %reduce_sum3A_3 {offsets = [0, 32, 0], sizes = [8, 1, 128], strides = [1, 1, 1]} : vector<8x33x128xf32> to vector<8x1x128xf32>
    %squeeze3A = vector.shape_cast %slice3A_5 : vector<8x1x128xf32> to vector<8x128xf32>
    %reshape3A_6 = vector.shape_cast %squeeze3A : vector<8x128xf32> to vector<2x4x128xf32>
    %max3A = arith.constant 1.000000e+00 : f32
    %max3A_7 = vector.broadcast %max3A : f32 to vector<2x4x128xf32>
    %max3A_8 = arith.maximumf %reshape3A_6, %max3A_7 : vector<2x4x128xf32>
    %broadcast_in_dim3A = vector.shape_cast %max3A_8 : vector<2x4x128xf32> to vector<2x4x1x128xf32>
    %div3A = vector.broadcast %broadcast_in_dim3A : vector<2x4x1x128xf32> to vector<2x4x32x128xf32>
    %div3A_9 = arith.divf %reshape3A_4, %div3A : vector<2x4x32x128xf32>
    %iota3A = tpu.iota {dimensions = array<i32: 2>} : vector<2x4x128xi32>
    %gt3A = arith.constant 0 : i32
    %gt3A_10 = vector.broadcast %gt3A : i32 to vector<2x4x128xi32>
    %gt3A_11 = arith.cmpi sgt, %iota3A, %gt3A_10 : vector<2x4x128xi32>
    %gt3A_12 = arith.constant 0.000000e+00 : f32
    %gt3A_13 = vector.broadcast %gt3A_12 : f32 to vector<2x4x128xf32>
    %gt3A_14 = arith.cmpf ogt, %reshape3A_6, %gt3A_13 : vector<2x4x128xf32>
    %and3A = arith.andi %gt3A_14, %gt3A_11 : vector<2x4x128xi1>
    %slice3A_15 = vector.extract_strided_slice %and3A {offsets = [0, 0, 0], sizes = [2, 3, 128], strides = [1, 1, 1]} : vector<2x4x128xi1> to vector<2x3x128xi1>
    %slice3A_16 = vector.extract_strided_slice %and3A {offsets = [0, 1, 0], sizes = [2, 3, 128], strides = [1, 1, 1]} : vector<2x4x128xi1> to vector<2x3x128xi1>
    %and3A_17 = arith.andi %slice3A_15, %slice3A_16 : vector<2x3x128xi1>
    %slice3A_18 = vector.extract_strided_slice %div3A_9 {offsets = [0, 1, 0, 0], sizes = [2, 3, 32, 128], strides = [1, 1, 1, 1]} : vector<2x4x32x128xf32> to vector<2x3x32x128xf32>
    %slice3A_19 = vector.extract_strided_slice %div3A_9 {offsets = [0, 0, 0, 0], sizes = [2, 3, 32, 128], strides = [1, 1, 1, 1]} : vector<2x4x32x128xf32> to vector<2x3x32x128xf32>
    %sub3A = arith.subf %slice3A_18, %slice3A_19 : vector<2x3x32x128xf32>
    %mul3A = arith.mulf %sub3A, %sub3A : vector<2x3x32x128xf32>
    %reduce_sum3A_20 = arith.constant dense<0.000000e+00> : vector<2x3x128xf32>
    %reduce_sum3A_21 = vector.multi_reduction <add>, %mul3A, %reduce_sum3A_20 [2] : vector<2x3x32x128xf32> to vector<2x3x128xf32>
    %jit3A = arith.constant 0.000000e+00 : f32
    %broadcast_in_dim3A_22 = vector.broadcast %jit3A : f32 to vector<2x3x128xf32>
    %select_n3A = arith.select %and3A_17, %reduce_sum3A_21, %broadcast_in_dim3A_22 : vector<2x3x128xi1>, vector<2x3x128xf32>
    %reduce_sum3A_23 = vector.shape_cast %select_n3A : vector<2x3x128xf32> to vector<1x2x3x128xf32>
    %reduce_sum3A_24 = arith.constant dense<0.000000e+00> : vector<1xf32>
    %reduce_sum3A_25 = vector.multi_reduction <add>, %reduce_sum3A_23, %reduce_sum3A_24 [1, 2, 3] : vector<1x2x3x128xf32> to vector<1xf32>
    %reduce_sum3A_26 = vector.shape_cast %reduce_sum3A_25 : vector<1xf32> to vector<1x1x1x1xf32>
    %reduce_sum3A_27 = vector.extract %reduce_sum3A_26[0, 0, 0, 0] : f32 from vector<1x1x1x1xf32>
    %convert_element_type3A = arith.extui %and3A_17 : vector<2x3x128xi1> to vector<2x3x128xi32>
    %convert_element_type3A_28 = arith.sitofp %convert_element_type3A : vector<2x3x128xi32> to vector<2x3x128xf32>
    %reduce_sum3A_29 = vector.shape_cast %convert_element_type3A_28 : vector<2x3x128xf32> to vector<1x2x3x128xf32>
    %reduce_sum3A_30 = arith.constant dense<0.000000e+00> : vector<1xf32>
    %reduce_sum3A_31 = vector.multi_reduction <add>, %reduce_sum3A_29, %reduce_sum3A_30 [1, 2, 3] : vector<1x2x3x128xf32> to vector<1xf32>
    %reduce_sum3A_32 = vector.shape_cast %reduce_sum3A_31 : vector<1xf32> to vector<1x1x1x1xf32>
    %reduce_sum3A_33 = vector.extract %reduce_sum3A_32[0, 0, 0, 0] : f32 from vector<1x1x1x1xf32>
    %gt3A_34 = arith.constant 0.000000e+00 : f32
    %gt3A_35 = arith.cmpf ogt, %reduce_sum3A_33, %gt3A_34 : f32
    %max3A_36 = arith.constant 1.000000e+00 : f32
    %max3A_37 = arith.maximumf %reduce_sum3A_33, %max3A_36 : f32
    %div3A_38 = arith.divf %reduce_sum3A_27, %max3A_37 : f32
    %jit3A_39 = arith.constant 0.000000e+00 : f32
    %select_n3A_40 = arith.select %gt3A_35, %div3A_38, %jit3A_39 : f32
    %swap3A = arith.constant 0 : index
    %swap3A_41 = arith.constant 0 : index
    %swap3A_42 = memref.load %arg1[%swap3A, %swap3A_41] : memref<1x1xf32, #tpu.memory_space<smem>>
    memref.store %select_n3A_40, %arg1[%swap3A, %swap3A_41] : memref<1x1xf32, #tpu.memory_space<smem>>
    return
  }
}

</mosaic_0001>

<sc_bundles>
// kernel: kernel.4.cloned.1.call-start
scs
__scs_entry_jumppad:
0x0: {  	(pc) =	sbr.rel $0x88, $3  }
0x1: {  	(tag) =	ssettag $0x0;
	lr =	simm.s32 $0x1  }
0x2: {  	[smem:$0x3F9F] =	sst lr;
	_ =	strace $0xD0000000  }
0x3: {  	_ = 	snop  }
0x4: {  	_ = 	snop  }
0x5: {  	_ = 	snop  }
0x6: {  	_ = 	snop  }
0x7: {  	_ = 	snop  }
__scs_overlays_trampoline_lowered:
0x8: {  	[smem:$0x3FAE] =	sst s0  }
0x9: {  	[smem:$0x3FAF] =	sst s1  }
0xa: {  	[smem:$0x3FB0] =	sst s2  }
0xb: {  	[smem:$0x3FB1] =	sst s3  }
0xc: {  	[smem:$0x3FB2] =	sst s4  }
0xd: {  	[smem:$0x3FB3] =	sst s5  }
0xe: {  	[smem:$0x3FB4] =	sst s6  }
0xf: {  	[smem:$0x3FB5] =	sst s7  }
0x10: {  	[smem:$0x3FB6] =	sst s8  }
0x11: {  	[smem:$0x3FB7] =	sst s9;
	s0 =	simm.s32 @!p0 $0x0  }
0x12: {  	s1 =	sld [smem:$0x3F9D];
	s0 =	simm.s32 @p0 $0x1  }
0x13: {  	[smem:$0x3FB8] =	sst s0;
	s0 =	simm.s32 @!p1 $0x0  }
0x14: {  	s2 =	sld [smem:$0x3F9C];
	s0 =	simm.s32 @p1 $0x1  }
0x15: {  	[smem:$0x3FB9] =	sst s0;
	s0 =	simm.s32 @!p2 $0x0  }
0x16: {  	s3 =	sld [smem:$0x3FDB];
	s0 =	simm.s32 @p2 $0x1  }
0x17: {  	s4 =	simm.s32 $0x1BF5;
	[smem:$0x3FBB] =	sst s0  }
0x18: {  	s0 =	sld [smem:$0x3F9E];
	_ =	swait.ge [sflag:s4], $0x0  }
0x19: {  	s7 =	sld [smem:$0x3F9F]  }
0x1a: {  	s8 =	sadd.s32 $0xFFFFE003, lr  }
0x1b: {  	s9 =	sadd.s32 $0xFFFFFEF7, lr;
	s5 =	simm.s32 $0xFFFFFFFF;
	p2 =	slt.u32 s8, $0xFFFFF086  }
0x1c: {  	p1 =	slt.u32 s9, $0xF7A;
	s5 =	simm.s32 @!p2 $0x0  }
0x1d: {  	s5 =	simm.s32 @p1 $0x1;
	p0 =	seq.s32 s7, s2  }
0x1e: {  	s7 =	smul.u32 @!p0 $0xF7A, s2;
	p2 =	seq.s32 @!p0 s5, $0x0  }
0x1f: {  	s9 =	smul.u32 $0xF7A, s1;
	s8 =	simm.s32 @!p0 $0x1BF5;
	p2 =	por !p2, p0  }
0x20: {  	[sflag:s8] =	ssyncset.s32 @!p0 $0xFFFFF086;
	s6 =	sadd.s32 @!p0 s3, s7;
	s7 =	simm.s32 @!p0 $0x108  }
0x21: {  	s3 =	sadd.s32 s3, s9;
	s6 =	sadd.s32 @!p0 $0x88, s6;
	s7 =	simm.s32 @p2 $0x1082  }
0x22: {  	[simem:s7], [sflag:s8] =	dma.local @!p0 [hbm:s6], $0xF7A  }
0x23: {  	s9 =	sor.u32 $0xD0000000, s2;
	s6 =	simm.s32 $0x108;
	_ =	swait.ge @!p0 [sflag:s8], $0x0  }
0x24: {  	s3 =	sadd.s32 $0x88, s3;
	s6 =	simm.s32 @!p1 $0x1082;
	[sflag:s4] =	ssyncset.s32 $0xFFFFF086  }
0x25: {  	[simem:s6], [sflag:s4] =	dma.local [hbm:s3], $0xF7A  }
0x26: {  	[smem:$0x3F9F] =	sst s1;
	(tag) =	ssettag s2;
	_ =	strace s9  }
0x27: {  	s1 =	sld [smem:$0x3FAF]  }
0x28: {  	s2 =	sld [smem:$0x3FB0]  }
0x29: {  	s4 =	sld [smem:$0x3FB2]  }
0x2a: {  	p0 =	seq.s32 s5, $0x0;
	s5 =	sld [smem:$0x3FB3]  }
0x2b: {  	s6 =	sld [smem:$0x3FB4]  }
0x2c: {  	s7 =	sld [smem:$0x3FB5]  }
0x2d: {  	s3 =	simm.s32 $0x108;
	s8 =	sld [smem:$0x3FB6]  }
0x2e: {  	s3 =	simm.s32 @!p0 $0x1082;
	s9 =	sld [smem:$0x3FB7]  }
0x2f: {  	lr =	sadd.s32 s0, s3;
	s0 =	sld [smem:$0x3FAE]  }
0x30: {  	s3 =	sld [smem:$0x3FB1]  }
0x31: {  	[smem:$0x3FBA] =	sst s10  }
0x32: {  	s10 =	sld [smem:$0x3FB8];
	_ =	sdelay $0x3  }
0x33: {  	p0 =	seq.s32 s10, $0x1;
	s10 =	sld [smem:$0x3FBA];
	_ =	sdelay $0x3  }
0x34: {  	[smem:$0x3FBA] =	sst s10  }
0x35: {  	s10 =	sld [smem:$0x3FB9];
	_ =	sdelay $0x3  }
0x36: {  	p1 =	seq.s32 s10, $0x1;
	s10 =	sld [smem:$0x3FBA];
	_ =	sdelay $0x3  }
0x37: {  	[smem:$0x3FBA] =	sst s10  }
0x38: {  	s10 =	sld [smem:$0x3FBB]  }
0x39: {  	_ = 	snop;
	(pc) =	sbr.ind lr, $3  }
0x3a: {  	_ = 	snop  }
0x3b: {  	_ = 	snop  }
0x3c: {  	p2 =	seq.s32 s10, $0x1;
	s10 =	sld [smem:$0x3FBA]  }
0x3d: {  	_ =	shalt  }
0x3e: {  	_ =	shalt  }
0x3f: {  	_ =	shalt  }
0x40: {  	_ =	shalt  }
0x41: {  	_ =	shalt  }
0x42: {  	_ =	shalt  }
0x43: {  	_ =	shalt  }
0x44: {  	_ =	shalt  }
0x45: {  	_ =	shalt  }
0x46: {  	_ =	shalt  }
0x47: {  	_ =	shalt  }
0x48: {  	_ =	shalt  }
0x49: {  	_ =	shalt  }
0x4a: {  	_ =	shalt  }
0x4b: {  	_ =	shalt  }
0x4c: {  	_ =	shalt  }
0x4d: {  	_ =	shalt  }
0x4e: {  	_ =	shalt  }
0x4f: {  	_ =	shalt  }
0x50: {  	_ =	shalt  }
0x51: {  	_ =	shalt  }
0x52: {  	_ =	shalt  }
0x53: {  	_ =	shalt  }
0x54: {  	_ =	shalt  }
0x55: {  	_ =	shalt  }
0x56: {  	_ =	shalt  }
0x57: {  	_ =	shalt  }
0x58: {  	_ =	shalt  }
0x59: {  	_ =	shalt  }
0x5a: {  	_ =	shalt  }
0x5b: {  	_ =	shalt  }
0x5c: {  	_ =	shalt  }
0x5d: {  	_ =	shalt  }
0x5e: {  	_ =	shalt  }
0x5f: {  	_ =	shalt  }
0x60: {  	_ =	shalt  }
0x61: {  	_ =	shalt  }
0x62: {  	_ =	shalt  }
0x63: {  	_ =	shalt  }
0x64: {  	_ =	shalt  }
0x65: {  	_ =	shalt  }
0x66: {  	_ =	shalt  }
0x67: {  	_ =	shalt  }
0x68: {  	_ =	shalt  }
0x69: {  	_ =	shalt  }
0x6a: {  	_ =	shalt  }
0x6b: {  	_ =	shalt  }
0x6c: {  	_ =	shalt  }
0x6d: {  	_ =	shalt  }
0x6e: {  	_ =	shalt  }
0x6f: {  	_ =	shalt  }
0x70: {  	_ =	shalt  }
0x71: {  	_ =	shalt  }
0x72: {  	_ =	shalt  }
0x73: {  	_ =	shalt  }
0x74: {  	_ =	shalt  }
0x75: {  	_ =	shalt  }
0x76: {  	_ =	shalt  }
0x77: {  	_ =	shalt  }
0x78: {  	_ =	shalt  }
0x79: {  	_ =	shalt  }
0x7a: {  	_ =	shalt  }
0x7b: {  	_ =	shalt  }
0x7c: {  	_ =	shalt  }
0x7d: {  	_ =	shalt  }
0x7e: {  	_ =	shalt  }
0x7f: {  	_ =	shalt  }
0x80: {  	_ =	shalt  }
0x81: {  	_ =	shalt  }
0x82: {  	_ =	shalt  }
0x83: {  	_ =	shalt  }
0x84: {  	_ =	shalt  }
0x85: {  	_ =	shalt  }
0x86: {  	_ =	shalt  }
0x87: {  	_ =	shalt  }
.Lfunc_end0:
.L_simem_size_0:
called_computation_lowered:
.L_overlay_start_0:
0x88: {  	s2 =	sld [smem:$0x3FD9]  }
0x89: {  	s3 =	sld [smem:$0x3FFE];
	_ =	sdelay $0x1  }
0x8a: {  	s1 =	srdreg.scid  }
0x8b: {  	s0 =	sand.u32 $0x1, s1  }
0x8c: {  	s17 =	sshll.u32 s0, $0xA;
	s2 =	sadd.s32 s3, s2  }
0x8d: {  	s2 =	sadd.s32 s2, s17  }
0x8e: {  	[smem:$0x3FC6] =	sst s2  }
0x8f: {  	_ = 	snop  }
0x90: {  	s2 =	sld [smem:$0x3FC9]  }
0x91: {  	s18 =	sld [smem:$0x3FC8];
	(tm) =	ssettm $0x1  }
0x92: {  	s4 =	sld [smem:$0x3FFB];
	_ =	sdelay $0x3  }
0x93: {  	_ =	strace s4  }
0x94: {  	s4 =	sld [smem:$0x3FFC];
	_ =	sdelay $0x3  }
0x95: {  	_ =	strace s4  }
0x96: {  	s4 =	sld [smem:$0x3FFD];
	_ =	sdelay $0x3  }
0x97: {  	_ =	strace s4  }
0x98: {  	_ =	strace $0x8FFFFFFF  }
0x99: {  	s19 =	sld [smem:$0x3FDB];
	_ =	sdelay $0x1  }
0x9a: {  	s5 =	simm.s32 $_scs_section_size  }
0x9b: {  	s6 =	simm.s32 $_size__tile_overlayer_lowered;
	s7 =	simm.s32 $_tile_overlayer_lowered  }
0x9c: {  	s22 =	simm.s32 $0x1BFF;
	s21 =	sshll.u32 s7, $0x1;
	s4 =	sadd.s32 s5, s19  }
0x9d: {  	s8 =	simm.s32 $0x0;
	s20 =	sshll.u32 s6, $0x1;
	s6 =	sadd.s32 s21, s4  }
0x9e: {  	[timem:s8], [sflag:s22] =	dma.local [hbm:s6], s20  }
0x9f: {  	_ =	swait.ge [sflag:s22], s20  }
0xa0: {  	s5 =	ssub.s32 $0x0, s20;
	[sflag:s22] =	ssyncset.done $0x0  }
0xa1: {  	[sflag:s22] =	ssyncadd.s32 s5;
	_ =	sdelay $0x1  }
0xa2: {  	s23 =	simm.s32 $0x1B8B  }
0xa3: {  	_ =	swait.ge [sflag:s23], $0x1  }
0xa4: {  	[sflag:s23] =	ssyncset.done $0x0  }
0xa5: {  	s25 =	simm.s32 $0x1B8E;
	s24 =	sld [smem:$0x3FFE];
	[sflag:s23] =	ssyncadd.s32 $0xFFFFFFFF  }
0xa6: {  	s26 =	simm.s32 $execute0_lowered;
	[smem:$0x3FD2] =	sst s25  }
0xa7: {  	s6 =	sshll.u32 s26, $0x1;
	_ =	strace $0x80000046;
	[dreg:$0x1] =	wrdreg $0xFFFFFFFF  }
0xa8: {  	s28 =	simm.s32 $_size_execute0_lowered;
	s4 =	sadd.s32 s4, s6;
	[dreg:$0x0] =	wrdreg $0x0  }
0xa9: {  	s6 =	sshll.u32 s28, $0x1;
	[dreg:$0x2] =	wrdreg s4  }
0xaa: {  	[dreg:$0x3] =	wrdreg s6  }
0xab: {  	[dreg:$0x4] =	wrdreg $0xC0  }
0xac: {  	_ =	task [dreg:s8], $0x5FFFF  }
0xad: {  	[dreg:$0x1] =	wrdreg $0xFFFFFFFF  }
0xae: {  	[dreg:$0x0] =	wrdreg $0x60  }
0xaf: {  	[dreg:$0x2] =	wrdreg s2  }
0xb0: {  	[dreg:$0x3] =	wrdreg s18  }
0xb1: {  	[dreg:$0x4] =	wrdreg s24  }
0xb2: {  	[dreg:$0x5] =	wrdreg $0x9  }
0xb3: {  	_ =	task.clear_ibuf [dreg:s8], $0x6FFFF;
	_ =	strace $0x90000046  }
0xb4: {  	s29 =	simm.s32 $0x9;
	_ =	strace $0x80000048  }
0xb5: {  	_ =	swait.ge [sflag:s29], $0x1  }
0xb6: {  	[sflag:s29] =	ssyncadd.s32 $0xFFFFFFFF  }
0xb7: {  	_ =	strace $0x90000048  }
0xb8: {  	_ =	sfence  }
0xb9: {  	s30 =	sld [smem:$0x0];
	_ =	sdelay $0x2  }
0xba: {  	s31 =	sshll.u32 s1, $0xD;
	s1 =	sshrl.u32 s1, $0x2  }
0xbb: {  	s3 =	sand.u32 $0x4000, s31;
	s1 =	sadd.s32 s1, s30  }
0xbc: {  	s0 =	sor.u32 s3, s0;
	s1 =	sshll.u32 s1, $0x11  }
0xbd: {  	s0 =	sor.u32 s1, s0  }
0xbe: {  	s0 =	sadd.s32 $0x8F2B, s0  }
0xbf: {  	[sflag:s0] =	ssyncadd.remote.s32 $0x1  }
0xc0: {  	_ =	sfence.sel $0xFFFF  }
0xc1: {  	[dreg:$0x0] =	wrdreg $0xFFFFFFFF;
	(pc) =	sbr.abs _section_cstart, $3  }
0xc2: {  	[dreg:$0x1] =	wrdreg $0xFFFFFFFF  }
0xc3: {  	_ =	task.clear_ibuf [dreg:s8], $0x2FFFF;
	_ =	strace $0x9FFFFFFF  }
0xc4: {  	(tm) =	ssettm $0x7FFFFFFF  }
0xc5: {  	_ =	shalt  }
tec
execute0_lowered:
.L_overlay_start_1:
0x0: {  	(tag) =	ssettag $0x1  }
0x1: {  	s1 =	rddreg [dreg:$0x0];
	s2 =	srdreg.scid  }
0x2: {  	s0 =	stileid.u32;
	s7 =	rddreg [dreg:$0x1];
	v0 =	vlaneseq.u32  }
0x3: {  	s4 =	rddreg [dreg:$0x2];
	s3 =	simm.s32 $0x0;
	s12 =	simm.s32 $0x400;
	v0 =	vmul.u32 $0x80, v0  }
0x4: {  	v1 =	vimm.f32 $0.0e+00;
	s13 =	simm.s32 $0x1;
	s14 =	simm.s32 $0x2;
	s15 =	simm.s32 $0xC000  }
0x5: {  	s16 =	simm.s32 $0x3;
	v34 =	vimm.f32 $1.000000000e+00;
	s18 =	simm.s32 $0x4;
	s19 =	simm.s32 $0x0;
	v2 =	vor.u32 $0x800, v0;
	v3 =	vor.u32 $0x1000, v0  }
0x6: {  	s5 =	sand.u32 $0x1, s2;
	s23 =	sshll.u32 s0, $0x1;
	[smem:$0x7FF] =	sst s3;
	v4 =	vor.u32 $0x1800, v0;
	v5 =	vor.u32 $0x2000, v0;
	v6 =	vor.u32 $0x2800, v0  }
0x7: {  	s24 =	sshrl.u32 s0, $0x1;
	s25 =	sshrl.u32 s0, $0x3;
	s6 =	sor.u32 s5, s23;
	v7 =	vor.u32 $0x3000, v0;
	v8 =	vor.u32 $0x3800, v0;
	v9 =	vor.u32 $0x4000, v0  }
0x8: {  	_ =	strace $0x80000047;
	s10 =	sand.u32 $0x3, s24;
	s8 =	smul.u32 $0x280, s6;
	v10 =	vor.u32 $0x4800, v0;
	v11 =	vor.u32 $0x5000, v0;
	v12 =	vor.u32 $0x5800, v0  }
0x9: {  	s26 =	sshll.u32 s25, $0x12;
	s28 =	ssub.s32 $0x2, s5;
	s6 =	sshll.u32 s6, $0xE;
	v13 =	vor.u32 $0x6000, v0;
	v14 =	vor.u32 $0x6800, v0;
	v15 =	vor.u32 $0x7000, v0  }
0xa: {  	s11 =	sshll.u32 s10, $0x10;
	s10 =	sshll.u32 s10, $0x15;
	v16 =	vor.u32 $0x7800, v0;
	v17 =	vor.u32 $0x8000, v0;
	v18 =	vor.u32 $0x8800, v0;
	s9 =	sadd.s32 s8, s4  }
0xb: {  	v19 =	vor.u32 $0x9000, v0;
	v20 =	vor.u32 $0x9800, v0;
	v21 =	vor.u32 $0xA000, v0;
	s4 =	sand.u32 $0xC000, s6;
	s6 =	sor.u32 s26, s11;
	s8 =	sshll.u32 s25, $0x17  }
0xc: {  	s29 =	sshrl.u32 s28, $0x1;
	v22 =	vor.u32 $0xA800, v0;
	v23 =	vor.u32 $0xB000, v0;
	v24 =	vor.u32 $0xB800, v0;
	s6 =	sor.u32 s4, s6;
	s5 =	sor.u32 s8, s10  }
0xd: {  	v25 =	vor.u32 $0xC000, v0;
	v26 =	vor.u32 $0xC800, v0;
	v27 =	vor.u32 $0xD000, v0;
	s11 =	ssub.s32 s28, s29;
	s30 =	sshrl.u32 s6, $0x3;
	s6 =	sor.u32 s4, s5  }
0xe: {  	v28 =	vor.u32 $0xD800, v0;
	v29 =	vor.u32 $0xE000, v0;
	v30 =	vor.u32 $0xE800, v0;
	s9 =	sadd.s32 $0x600, s9;
	s10 =	smax.u32 s11, $0x1;
	s31 =	sshrl.u32 s6, $0x3  }
0xf: {  	v31 =	vor.u32 $0xF000, v0;
	v32 =	vor.u32 $0xF800, v0;
	v33 =	vor.u32 $0x10000, v0;
	s11 =	simm.s32 $0x100;
	s7 =	sadd.s32 s7, s30;
	s8 =	sadd.s32 s1, s31  }
.LBB2_1:
0x10: {  	[tilespmem:s3], [sflag:$0x1] =	stream.linear.gather [hbm4b:s7+s3], $0x4000, $0x38;
	[tilespmem:$0x1DC00] =	vst v63  }
0x11: {  	s20 =	simm.s32 $0x0;
	s21 =	smov.u32 s8  }
.LBB2_2:
0x12: {  	p0 =	sne.s32 s20, $0xF800  }
.Ltmp0:
0x13: {  	_ = 	snop;
	(pc) =	sbr.rel @p0 .LBB2_2-.Ltmp0, $4  }
0x14: {  	s22 =	sshra.s32 s20, $0x2  }
0x15: {  	s22 =	sadd.s32 $0x4000, s22  }
0x16: {  	[tilespmem:s22], [sflag:$0x2] =	stream.strided.gather [hbm4b:s21+s11], $0x200, s12, s11, $0x38;
	[tilespmem:$0x1DC00] =	vst v63  }
0x17: {  	s20 =	sadd.s32 $0x800, s20;
	s21 =	sadd.s32 $0x2000, s21  }
0x18: {  	s20 =	simm.s32 $0xC040  }
0x19: {  	[tilespmem:s20+$0xFFFFFFC0] =	vst v1  }
0x1a: {  	[tilespmem:s20+$0x30] =	vst v1  }
0x1b: {  	[tilespmem:s20+$0x20] =	vst v1  }
0x1c: {  	[tilespmem:s20+$0x10] =	vst v1  }
0x1d: {  	[tilespmem:s20+$0x0] =	vst v1  }
0x1e: {  	[tilespmem:s20+$0xFFFFFFF0] =	vst v1  }
0x1f: {  	s21 =	simm.s32 $0x0;
	[tilespmem:s20+$0xFFFFFFE0] =	vst v1  }
.LBB2_4:
0x20: {  	s21 =	sadd.s32 $0x8, s21;
	[tilespmem:s20+$0xFFFFFFD0] =	vst v1;
	s20 =	sadd.s32 $0x80, s20  }
0x21: {  	[tilespmem:s20+$0xFFFFFFC0] =	vst v1;
	p0 =	slt.u32 s21, $0x1078  }
0x22: {  	[tilespmem:s20+$0x30] =	vst v1  }
.Ltmp1:
0x23: {  	[tilespmem:s20+$0x20] =	vst v1;
	(pc) =	sbr.rel @p0 .LBB2_4-.Ltmp1, $4  }
0x24: {  	[tilespmem:s20+$0x10] =	vst v1  }
0x25: {  	[tilespmem:s20+$0x0] =	vst v1  }
0x26: {  	[tilespmem:s20+$0xFFFFFFF0] =	vst v1  }
0x27: {  	[tilespmem:s20+$0xFFFFFFE0] =	vst v1  }
0x28: {  	[tilespmem:s20+$0xFFFFFFD0] =	vst v1  }
0x29: {  	_ =	swait.ge [sflag:s13], $0x4000  }
0x2a: {  	[sflag:s13] =	ssyncset.done $0x0  }
0x2b: {  	s20 =	simm.s32 $0x0;
	[sflag:s13] =	ssyncadd.s32 $0xFFFFC000  }
.LBB2_6:
0x2c: {  	s21 =	sshll.u32 s20, $0x9;
	s22 =	sshll.u32 s20, $0xA  }
0x2d: {  	s23 =	sand.u32 $0x200, s21;
	s21 =	sand.u32 $0x3800, s22  }
0x2e: {  	s22 =	sor.u32 $0x100, s23;
	s24 =	sor.u32 s21, s6  }
0x2f: {  	s24 =	sor.u32 s22, s24  }
0x30: {  	s24 =	sshrl.u32 s24, $0x3  }
0x31: {  	s25 =	simm.s32 $0x8000;
	s24 =	sadd.s32 s1, s24  }
0x32: {  	[tilespmem:s25], [sflag:$0x3] =	stream.strided.gather [hbm4b:s24+s11], $0x200, s12, s11, $0x38;
	[tilespmem:$0x1DC00] =	vst v63  }
0x33: {  	s25 =	simm.s32 $0x800  }
.LBB2_7:
0x34: {  	p0 =	sne.s32 s25, $0xF800  }
.Ltmp2:
0x35: {  	_ = 	snop;
	(pc) =	sbr.rel @p0 .LBB2_7-.Ltmp2, $4  }
0x36: {  	_ = 	snop  }
0x37: {  	s26 =	sshra.s32 s25, $0x2;
	s25 =	sadd.s32 $0x800, s25  }
0x38: {  	s24 =	sadd.s32 $0x2000, s24;
	s26 =	sadd.s32 $0x8000, s26  }
0x39: {  	[tilespmem:s26], [sflag:$0x3] =	stream.strided.gather [hbm4b:s24+s11], $0x200, s12, s11, $0x38;
	[tilespmem:$0x1DC00] =	vst v63  }
0x3a: {  	s24 =	simm.s32 $0x0  }
0x3b: {  	_ =	swait.ge [sflag:s14], $0x4000;
	s24 =	sand.u32 $0x1, s24  }
0x3c: {  	s25 =	sadd.s32 s23, s21;
	s26 =	simm.s32 $0x0;
	s30 =	sshll.u32 s24, $0xA  }
0x3d: {  	s28 =	simm.s32 $0x0;
	s29 =	sand.u32 $0x3FFFFF80, s26;
	s23 =	sadd.s32 s30, s25  }
0x3e: {  	[sflag:s14] =	ssyncset.done $0x0;
	s28 =	sand.u32 $0x70, s28;
	s23 =	sadd.s32 s29, s23  }
0x3f: {  	[sflag:s14] =	ssyncadd.s32 $0xFFFFC000;
	s23 =	sadd.s32 s28, s23  }
0x40: {  	v38 =	vld [tilespmem:s23+$0x0];
	_ =	sdelay $0x1  }
0x41: {  	s31 =	sand.u32 $0xFFFFFF80, s26;
	s24 =	sshll.u32 s24, $0x8  }
0x42: {  	s23 =	sadd.s32 s31, s24  }
0x43: {  	s29 =	sor.u32 s28, s23  }
0x44: {  	v36 =	vld [tilespmem:s29+$0x4000];
	v35 =	vadd.s32 v0, v38;
	_ =	sdelay $0x3  }
0x45: {  	s0 =	simm.s32 $0x0  }
0x46: {  	s23 =	sand.u32 $0x1, s0;
	[tilespmem:v35+s15+$0x0] =	vst.idx.add.f32.msk $0xffff, v36  }
0x47: {  	s17 =	simm.s32 $0x8;
	s2 =	sshll.u32 s23, $0xA;
	v56 =	vadd.s32 v2, v38;
	v36 =	vld [tilespmem:s29+$0x4200]  }
0x48: {  	s30 =	sand.u32 $0x3FFFFF80, s17;
	s28 =	simm.s32 $0x10;
	s24 =	sadd.s32 s2, s25  }
0x49: {  	s28 =	sand.u32 $0x70, s28;
	s24 =	sadd.s32 s30, s24  }
0x4a: {  	s24 =	sadd.s32 s28, s24  }
0x4b: {  	v35 =	vld [tilespmem:s24+$0x0]  }
0x4c: {  	[tilespmem:v56+s15+$0x0] =	vst.idx.add.f32.msk $0xffff, v36  }
0x4d: {  	s31 =	sand.u32 $0xFFFFFF80, s17;
	s23 =	sshll.u32 s23, $0x8;
	v57 =	vadd.s32 v3, v38;
	v36 =	vld [tilespmem:s29+$0x4400]  }
0x4e: {  	s23 =	sadd.s32 s31, s23  }
0x4f: {  	s23 =	sor.u32 s28, s23  }
0x50: {  	v40 =	vld [tilespmem:s23+$0x4000];
	v39 =	vadd.s32 v0, v35;
	_ =	sdelay $0x1  }
0x51: {  	[tilespmem:v57+s15+$0x0] =	vst.idx.add.f32.msk $0xffff, v36  }
0x52: {  	v58 =	vadd.s32 v4, v38;
	v36 =	vld [tilespmem:s29+$0x4600];
	_ =	sdelay $0x1  }
0x53: {  	[tilespmem:v39+s15+$0x0] =	vst.idx.add.f32.msk $0xffff, v40  }
0x54: {  	v61 =	vadd.s32 v2, v35;
	v40 =	vld [tilespmem:s23+$0x4200];
	_ =	sdelay $0x1  }
0x55: {  	[tilespmem:v58+s15+$0x0] =	vst.idx.add.f32.msk $0xffff, v36  }
0x56: {  	v59 =	vadd.s32 v5, v38;
	v37 =	vld [tilespmem:s29+$0x4800];
	_ =	sdelay $0x1  }
0x57: {  	[tilespmem:v61+s15+$0x0] =	vst.idx.add.f32.msk $0xffff, v40  }
0x58: {  	v63 =	vadd.s32 v3, v35;
	v40 =	vld [tilespmem:s23+$0x4400];
	_ =	sdelay $0x1  }
0x59: {  	[tilespmem:v59+s15+$0x0] =	vst.idx.add.f32.msk $0xffff, v37  }
0x5a: {  	v60 =	vadd.s32 v6, v38;
	v37 =	vld [tilespmem:s29+$0x4A00];
	_ =	sdelay $0x1  }
0x5b: {  	[tilespmem:v63+s15+$0x0] =	vst.idx.add.f32.msk $0xffff, v40  }
0x5c: {  	v45 =	vadd.s32 v4, v35;
	v40 =	vld [tilespmem:s23+$0x4600];
	_ =	sdelay $0x1  }
0x5d: {  	[tilespmem:v60+s15+$0x0] =	vst.idx.add.f32.msk $0xffff, v37  }
0x5e: {  	v62 =	vadd.s32 v7, v38;
	v37 =	vld [tilespmem:s29+$0x4C00];
	_ =	sdelay $0x1  }
0x5f: {  	[tilespmem:v45+s15+$0x0] =	vst.idx.add.f32.msk $0xffff, v40  }
0x60: {  	v47 =	vadd.s32 v5, v35;
	v40 =	vld [tilespmem:s23+$0x4800];
	_ =	sdelay $0x1  }
0x61: {  	[tilespmem:v62+s15+$0x0] =	vst.idx.add.f32.msk $0xffff, v37  }
0x62: {  	v44 =	vadd.s32 v8, v38;
	v37 =	vld [tilespmem:s29+$0x4E00];
	_ =	sdelay $0x1  }
0x63: {  	[tilespmem:v47+s15+$0x0] =	vst.idx.add.f32.msk $0xffff, v40  }
0x64: {  	v49 =	vadd.s32 v6, v35;
	v40 =	vld [tilespmem:s23+$0x4A00];
	_ =	sdelay $0x1  }
0x65: {  	[tilespmem:v44+s15+$0x0] =	vst.idx.add.f32.msk $0xffff, v37  }
0x66: {  	v46 =	vadd.s32 v9, v38;
	v37 =	vld [tilespmem:s29+$0x5000];
	_ =	sdelay $0x1  }
0x67: {  	[tilespmem:v49+s15+$0x0] =	vst.idx.add.f32.msk $0xffff, v40  }
0x68: {  	v51 =	vadd.s32 v7, v35;
	v40 =	vld [tilespmem:s23+$0x4C00];
	_ =	sdelay $0x1  }
0x69: {  	[tilespmem:v46+s15+$0x0] =	vst.idx.add.f32.msk $0xffff, v37  }
0x6a: {  	v48 =	vadd.s32 v10, v38;
	v37 =	vld [tilespmem:s29+$0x5200];
	_ =	sdelay $0x1  }
0x6b: {  	[tilespmem:v51+s15+$0x0] =	vst.idx.add.f32.msk $0xffff, v40  }
0x6c: {  	v53 =	vadd.s32 v8, v35;
	v40 =	vld [tilespmem:s23+$0x4E00];
	_ =	sdelay $0x1  }
0x6d: {  	[tilespmem:v48+s15+$0x0] =	vst.idx.add.f32.msk $0xffff, v37  }
0x6e: {  	v50 =	vadd.s32 v11, v38;
	v37 =	vld [tilespmem:s29+$0x5400];
	_ =	sdelay $0x1  }
0x6f: {  	[tilespmem:v53+s15+$0x0] =	vst.idx.add.f32.msk $0xffff, v40  }
0x70: {  	v55 =	vadd.s32 v9, v35;
	v40 =	vld [tilespmem:s23+$0x5000];
	_ =	sdelay $0x1  }
0x71: {  	[tilespmem:v50+s15+$0x0] =	vst.idx.add.f32.msk $0xffff, v37  }
0x72: {  	s0 =	simm.s32 $0x0;
	v52 =	vadd.s32 v12, v38;
	v36 =	vld [tilespmem:s29+$0x5600]  }
0x73: {  	s24 =	sand.u32 $0x1, s0  }
0x74: {  	s28 =	simm.s32 $0x10;
	s2 =	sshll.u32 s24, $0xA;
	[tilespmem:v55+s15+$0x0] =	vst.idx.add.f32.msk $0xffff, v40  }
0x75: {  	s17 =	simm.s32 $0x20;
	s31 =	sand.u32 $0x3FFFFF80, s28;
	s26 =	sadd.s32 s2, s25;
	v57 =	vadd.s32 v10, v35;
	v40 =	vld [tilespmem:s23+$0x5200]  }
0x76: {  	s30 =	sand.u32 $0x70, s17;
	s26 =	sadd.s32 s31, s26  }
0x77: {  	s26 =	sadd.s32 s30, s26;
	[tilespmem:v52+s15+$0x0] =	vst.idx.add.f32.msk $0xffff, v36  }
0x78: {  	v36 =	vld [tilespmem:s26+$0x0]  }
0x79: {  	v54 =	vadd.s32 v13, v38;
	v37 =	vld [tilespmem:s29+$0x5800]  }
0x7a: {  	s24 =	sshll.u32 s24, $0x8;
	s31 =	sand.u32 $0xFFFFFF80, s28;
	[tilespmem:v57+s15+$0x0] =	vst.idx.add.f32.msk $0xffff, v40  }
0x7b: {  	s24 =	sadd.s32 s31, s24;
	v59 =	vadd.s32 v11, v35;
	v40 =	vld [tilespmem:s23+$0x5400]  }
0x7c: {  	s24 =	sor.u32 s30, s24  }
0x7d: {  	v43 =	vld [tilespmem:s24+$0x4000];
	v42 =	vadd.s32 v0, v36  }
0x7e: {  	[tilespmem:v54+s15+$0x0] =	vst.idx.add.f32.msk $0xffff, v37  }
0x7f: {  	v56 =	vadd.s32 v14, v38;
	v41 =	vld [tilespmem:s29+$0x5A00]  }
0x80: {  	[tilespmem:v59+s15+$0x0] =	vst.idx.add.f32.msk $0xffff, v40  }
0x81: {  	v45 =	vadd.s32 v12, v35;
	v39 =	vld [tilespmem:s23+$0x5600]  }
0x82: {  	[tilespmem:v42+s15+$0x0] =	vst.idx.add.f32.msk $0xffff, v43  }
0x83: {  	v61 =	vld [tilespmem:s24+$0x4200]  }
0x84: {  	v60 =	vadd.s32 v2, v36;
	[tilespmem:v56+s15+$0x0] =	vst.idx.add.f32.msk $0xffff, v41  }
0x85: {  	v58 =	vadd.s32 v15, v38;
	v41 =	vld [tilespmem:s29+$0x5C00]  }
0x86: {  	[tilespmem:v45+s15+$0x0] =	vst.idx.add.f32.msk $0xffff, v39  }
0x87: {  	v47 =	vadd.s32 v13, v35;
	v40 =	vld [tilespmem:s23+$0x5800]  }
0x88: {  	s0 =	simm.s32 $0x0  }
0x89: {  	s26 =	sand.u32 $0x1, s0;
	[tilespmem:v60+s15+$0x0] =	vst.idx.add.f32.msk $0xffff, v61  }
0x8a: {  	s17 =	simm.s32 $0x18;
	s2 =	sshll.u32 s26, $0xA;
	[tilespmem:v58+s15+$0x0] =	vst.idx.add.f32.msk $0xffff, v41  }
0x8b: {  	s28 =	simm.s32 $0x30;
	s30 =	sadd.s32 s2, s25;
	s2 =	sand.u32 $0x3FFFFF80, s17;
	v46 =	vadd.s32 v3, v36;
	v41 =	vld [tilespmem:s24+$0x4400]  }
0x8c: {  	s0 =	sand.u32 $0x70, s28;
	s2 =	sadd.s32 s2, s30;
	[tilespmem:v47+s15+$0x0] =	vst.idx.add.f32.msk $0xffff, v40  }
0x8d: {  	v50 =	vadd.s32 v14, v35;
	s2 =	sadd.s32 s0, s2;
	v40 =	vld [tilespmem:s23+$0x5A00]  }
0x8e: {  	v37 =	vld [tilespmem:s2+$0x0]  }
0x8f: {  	v63 =	vadd.s32 v16, v38;
	v62 =	vld [tilespmem:s29+$0x5E00]  }
0x90: {  	[tilespmem:v46+s15+$0x0] =	vst.idx.add.f32.msk $0xffff, v41  }
0x91: {  	v49 =	vadd.s32 v4, v36;
	v41 =	vld [tilespmem:s24+$0x4600]  }
0x92: {  	[tilespmem:v50+s15+$0x0] =	vst.idx.add.f32.msk $0xffff, v40  }
0x93: {  	v53 =	vadd.s32 v15, v35;
	v40 =	vld [tilespmem:s23+$0x5C00]  }
0x94: {  	[tilespmem:v63+s15+$0x0] =	vst.idx.add.f32.msk $0xffff, v62  }
0x95: {  	v48 =	vadd.s32 v17, v38;
	v42 =	vld [tilespmem:s29+$0x6000]  }
0x96: {  	[tilespmem:v49+s15+$0x0] =	vst.idx.add.f32.msk $0xffff, v41  }
0x97: {  	v51 =	vadd.s32 v5, v36;
	v41 =	vld [tilespmem:s24+$0x4800]  }
0x98: {  	[tilespmem:v53+s15+$0x0] =	vst.idx.add.f32.msk $0xffff, v40  }
0x99: {  	v55 =	vadd.s32 v16, v35;
	v40 =	vld [tilespmem:s23+$0x5E00]  }
0x9a: {  	[tilespmem:v48+s15+$0x0] =	vst.idx.add.f32.msk $0xffff, v42  }
0x9b: {  	v52 =	vadd.s32 v18, v38;
	v42 =	vld [tilespmem:s29+$0x6200]  }
0x9c: {  	[tilespmem:v51+s15+$0x0] =	vst.idx.add.f32.msk $0xffff, v41  }
0x9d: {  	v54 =	vadd.s32 v6, v36;
	v41 =	vld [tilespmem:s24+$0x4A00]  }
0x9e: {  	[tilespmem:v55+s15+$0x0] =	vst.idx.add.f32.msk $0xffff, v40  }
0x9f: {  	v58 =	vadd.s32 v17, v35;
	v40 =	vld [tilespmem:s23+$0x6000]  }
0xa0: {  	[tilespmem:v52+s15+$0x0] =	vst.idx.add.f32.msk $0xffff, v42  }
0xa1: {  	v56 =	vadd.s32 v19, v38;
	v42 =	vld [tilespmem:s29+$0x6400]  }
0xa2: {  	[tilespmem:v54+s15+$0x0] =	vst.idx.add.f32.msk $0xffff, v41  }
0xa3: {  	v57 =	vadd.s32 v7, v36;
	v41 =	vld [tilespmem:s24+$0x4C00]  }
0xa4: {  	[tilespmem:v58+s15+$0x0] =	vst.idx.add.f32.msk $0xffff, v40  }
0xa5: {  	v40 =	vld [tilespmem:s23+$0x6200]  }
0xa6: {  	v61 =	vadd.s32 v18, v35;
	[tilespmem:v56+s15+$0x0] =	vst.idx.add.f32.msk $0xffff, v42  }
0xa7: {  	s31 =	sand.u32 $0xFFFFFF80, s17;
	s26 =	sshll.u32 s26, $0x8;
	v60 =	vadd.s32 v20, v38;
	v42 =	vld [tilespmem:s29+$0x6600]  }
0xa8: {  	s2 =	sadd.s32 s31, s26;
	[tilespmem:v57+s15+$0x0] =	vst.idx.add.f32.msk $0xffff, v41  }
0xa9: {  	v59 =	vadd.s32 v8, v36;
	s26 =	sor.u32 s0, s2;
	v41 =	vld [tilespmem:s24+$0x4E00]  }
0xaa: {  	v44 =	vld [tilespmem:s26+$0x4000]  }
0xab: {  	v54 =	vadd.s32 v0, v37;
	[tilespmem:v61+s15+$0x0] =	vst.idx.add.f32.msk $0xffff, v40  }
0xac: {  	[tilespmem:v60+s15+$0x0] =	vst.idx.add.f32.msk $0xffff, v42  }
0xad: {  	v63 =	vadd.s32 v21, v38;
	v45 =	vld [tilespmem:s29+$0x6800]  }
0xae: {  	[tilespmem:v59+s15+$0x0] =	vst.idx.add.f32.msk $0xffff, v41  }
0xaf: {  	v62 =	vadd.s32 v9, v36;
	v41 =	vld [tilespmem:s24+$0x5000]  }
0xb0: {  	[tilespmem:v54+s15+$0x0] =	vst.idx.add.f32.msk $0xffff, v44  }
0xb1: {  	v46 =	vld [tilespmem:s23+$0x6400]  }
0xb2: {  	v47 =	vadd.s32 v19, v35;
	[tilespmem:v63+s15+$0x0] =	vst.idx.add.f32.msk $0xffff, v45  }
0xb3: {  	v49 =	vadd.s32 v22, v38;
	v40 =	vld [tilespmem:s29+$0x6A00]  }
0xb4: {  	[tilespmem:v62+s15+$0x0] =	vst.idx.add.f32.msk $0xffff, v41  }
0xb5: {  	v48 =	vadd.s32 v10, v36;
	v41 =	vld [tilespmem:s24+$0x5200]  }
0xb6: {  	v42 =	vld [tilespmem:s26+$0x4200]  }
0xb7: {  	[tilespmem:v47+s15+$0x0] =	vst.idx.add.f32.msk $0xffff, v46  }
0xb8: {  	v56 =	vadd.s32 v2, v37;
	[tilespmem:v49+s15+$0x0] =	vst.idx.add.f32.msk $0xffff, v40  }
0xb9: {  	v52 =	vadd.s32 v23, v38;
	v40 =	vld [tilespmem:s29+$0x6C00]  }
0xba: {  	[tilespmem:v48+s15+$0x0] =	vst.idx.add.f32.msk $0xffff, v41  }
0xbb: {  	v50 =	vadd.s32 v11, v36;
	v51 =	vld [tilespmem:s24+$0x5400]  }
0xbc: {  	v43 =	vld [tilespmem:s23+$0x6600]  }
0xbd: {  	[tilespmem:v56+s15+$0x0] =	vst.idx.add.f32.msk $0xffff, v42  }
0xbe: {  	v53 =	vadd.s32 v20, v35;
	[tilespmem:v52+s15+$0x0] =	vst.idx.add.f32.msk $0xffff, v40  }
0xbf: {  	v55 =	vadd.s32 v24, v38;
	v39 =	vld [tilespmem:s29+$0x6E00]  }
0xc0: {  	[tilespmem:v50+s15+$0x0] =	vst.idx.add.f32.msk $0xffff, v51  }
0xc1: {  	v46 =	vadd.s32 v12, v36;
	v45 =	vld [tilespmem:s24+$0x5600]  }
0xc2: {  	v42 =	vld [tilespmem:s26+$0x4400]  }
0xc3: {  	v60 =	vadd.s32 v3, v37;
	[tilespmem:v53+s15+$0x0] =	vst.idx.add.f32.msk $0xffff, v43  }
0xc4: {  	[tilespmem:v55+s15+$0x0] =	vst.idx.add.f32.msk $0xffff, v39  }
0xc5: {  	v59 =	vadd.s32 v25, v38;
	v40 =	vld [tilespmem:s29+$0x7000]  }
0xc6: {  	[tilespmem:v46+s15+$0x0] =	vst.idx.add.f32.msk $0xffff, v45  }
0xc7: {  	v57 =	vadd.s32 v13, v36;
	v58 =	vld [tilespmem:s24+$0x5800]  }
0xc8: {  	[tilespmem:v60+s15+$0x0] =	vst.idx.add.f32.msk $0xffff, v42  }
0xc9: {  	v63 =	vadd.s32 v4, v37;
	v42 =	vld [tilespmem:s26+$0x4600]  }
0xca: {  	[tilespmem:v59+s15+$0x0] =	vst.idx.add.f32.msk $0xffff, v40  }
0xcb: {  	v62 =	vadd.s32 v26, v38;
	v40 =	vld [tilespmem:s29+$0x7200]  }
0xcc: {  	[tilespmem:v57+s15+$0x0] =	vst.idx.add.f32.msk $0xffff, v58  }
0xcd: {  	v61 =	vadd.s32 v14, v36;
	v44 =	vld [tilespmem:s24+$0x5A00]  }
0xce: {  	[tilespmem:v63+s15+$0x0] =	vst.idx.add.f32.msk $0xffff, v42  }
0xcf: {  	v42 =	vld [tilespmem:s26+$0x4800];
	v50 =	vadd.s32 v5, v37  }
0xd0: {  	[tilespmem:v62+s15+$0x0] =	vst.idx.add.f32.msk $0xffff, v40  }
0xd1: {  	v49 =	vadd.s32 v27, v38;
	v40 =	vld [tilespmem:s29+$0x7400]  }
0xd2: {  	[tilespmem:v61+s15+$0x0] =	vst.idx.add.f32.msk $0xffff, v44  }
0xd3: {  	v48 =	vadd.s32 v15, v36;
	v44 =	vld [tilespmem:s24+$0x5C00]  }
0xd4: {  	[tilespmem:v50+s15+$0x0] =	vst.idx.add.f32.msk $0xffff, v42  }
0xd5: {  	v53 =	vadd.s32 v6, v37;
	v42 =	vld [tilespmem:s26+$0x4A00]  }
0xd6: {  	[tilespmem:v49+s15+$0x0] =	vst.idx.add.f32.msk $0xffff, v40  }
0xd7: {  	v52 =	vadd.s32 v28, v38;
	v40 =	vld [tilespmem:s29+$0x7600]  }
0xd8: {  	[tilespmem:v48+s15+$0x0] =	vst.idx.add.f32.msk $0xffff, v44  }
0xd9: {  	v51 =	vadd.s32 v16, v36;
	v44 =	vld [tilespmem:s24+$0x5E00]  }
0xda: {  	[tilespmem:v53+s15+$0x0] =	vst.idx.add.f32.msk $0xffff, v42  }
0xdb: {  	v56 =	vadd.s32 v7, v37;
	v42 =	vld [tilespmem:s26+$0x4C00]  }
0xdc: {  	[tilespmem:v52+s15+$0x0] =	vst.idx.add.f32.msk $0xffff, v40  }
0xdd: {  	v55 =	vadd.s32 v29, v38;
	v40 =	vld [tilespmem:s29+$0x7800]  }
0xde: {  	[tilespmem:v51+s15+$0x0] =	vst.idx.add.f32.msk $0xffff, v44  }
0xdf: {  	v54 =	vadd.s32 v17, v36;
	v44 =	vld [tilespmem:s24+$0x6000]  }
0xe0: {  	[tilespmem:v56+s15+$0x0] =	vst.idx.add.f32.msk $0xffff, v42  }
0xe1: {  	v59 =	vadd.s32 v8, v37;
	v42 =	vld [tilespmem:s26+$0x4E00]  }
0xe2: {  	[tilespmem:v55+s15+$0x0] =	vst.idx.add.f32.msk $0xffff, v40  }
0xe3: {  	v58 =	vadd.s32 v30, v38;
	v40 =	vld [tilespmem:s29+$0x7A00]  }
0xe4: {  	[tilespmem:v54+s15+$0x0] =	vst.idx.add.f32.msk $0xffff, v44  }
0xe5: {  	v57 =	vadd.s32 v18, v36;
	v44 =	vld [tilespmem:s24+$0x6200]  }
0xe6: {  	[tilespmem:v59+s15+$0x0] =	vst.idx.add.f32.msk $0xffff, v42  }
0xe7: {  	v63 =	vld [tilespmem:s26+$0x5000]  }
0xe8: {  	v62 =	vadd.s32 v9, v37;
	[tilespmem:v58+s15+$0x0] =	vst.idx.add.f32.msk $0xffff, v40  }
0xe9: {  	v61 =	vadd.s32 v31, v38;
	v40 =	vld [tilespmem:s29+$0x7C00]  }
0xea: {  	[tilespmem:v57+s15+$0x0] =	vst.idx.add.f32.msk $0xffff, v44  }
0xeb: {  	v60 =	vadd.s32 v19, v36;
	v44 =	vld [tilespmem:s24+$0x6400]  }
0xec: {  	v42 =	vld [tilespmem:s23+$0x6800]  }
0xed: {  	[tilespmem:v62+s15+$0x0] =	vst.idx.add.f32.msk $0xffff, v63  }
0xee: {  	v43 =	vadd.s32 v21, v35;
	[tilespmem:v61+s15+$0x0] =	vst.idx.add.f32.msk $0xffff, v40  }
0xef: {  	v41 =	vld [tilespmem:s29+$0x7E00]  }
0xf0: {  	v40 =	vadd.s32 v32, v38;
	[tilespmem:v60+s15+$0x0] =	vst.idx.add.f32.msk $0xffff, v44  }
0xf1: {  	v39 =	vadd.s32 v33, v38;
	v38 =	vadd.s32 v10, v37;
	s29 =	simm.s32 $0x4;
	v44 =	vld [tilespmem:s26+$0x5200]  }
.LBB2_9:
0xf2: {  	s0 =	sshrl.u32 s29, $0x3  }
0xf3: {  	p0 =	sne.s32 s29, $0x1F;
	[tilespmem:v43+s15+$0x0] =	vst.idx.add.f32.msk $0xffff, v42;
	s2 =	smov.u32 s29;
	s29 =	sadd.s32 $0x1, s29  }
0xf4: {  	v42 =	vadd.s32 v22, v35;
	s0 =	sand.u32 $0x1, s0;
	v43 =	vld [tilespmem:s23+$0x6A00]  }
0xf5: {  	s28 =	sadd.s32 $0x10, s28;
	s2 =	sshll.u32 s2, $0x3;
	s30 =	sshll.u32 s0, $0xA;
	[tilespmem:v40+s15+$0x0] =	vst.idx.add.f32.msk $0xffff, v41  }
0xf6: {  	s31 =	sand.u32 $0x3FFFFF80, s2;
	s2 =	sand.u32 $0xFFFFFF80, s2;
	s30 =	sadd.s32 s30, s25;
	[tilespmem:v39+s15+$0x0] =	vst.idx.add.f32.msk $0xffff, v34  }
0xf7: {  	s17 =	sand.u32 $0x70, s28;
	s30 =	sadd.s32 s31, s30;
	[tilespmem:v38+s15+$0x0] =	vst.idx.add.f32.msk $0xffff, v44  }
0xf8: {  	v39 =	vadd.s32 v11, v37;
	s30 =	sadd.s32 s17, s30;
	v40 =	vld [tilespmem:s26+$0x5400]  }
0xf9: {  	v41 =	vadd.s32 v23, v35;
	v38 =	vld [tilespmem:s30+$0x0]  }
0xfa: {  	[tilespmem:v42+s15+$0x0] =	vst.idx.add.f32.msk $0xffff, v43  }
0xfb: {  	s0 =	sshll.u32 s0, $0x8;
	v42 =	vld [tilespmem:s23+$0x6C00]  }
0xfc: {  	s0 =	sadd.s32 s2, s0;
	v43 =	vld [tilespmem:s24+$0x6600]  }
0xfd: {  	s30 =	sor.u32 s17, s0;
	[tilespmem:v39+s15+$0x0] =	vst.idx.add.f32.msk $0xffff, v40;
	v39 =	vadd.s32 v20, v36  }
0xfe: {  	v40 =	vadd.s32 v0, v38;
	v44 =	vld [tilespmem:s30+$0x4000]  }
0xff: {  	v45 =	vld [tilespmem:s26+$0x5600]  }
0x100: {  	v46 =	vadd.s32 v12, v37;
	[tilespmem:v41+s15+$0x0] =	vst.idx.add.f32.msk $0xffff, v42  }
0x101: {  	v41 =	vadd.s32 v24, v35;
	v42 =	vld [tilespmem:s23+$0x6E00]  }
0x102: {  	[tilespmem:v39+s15+$0x0] =	vst.idx.add.f32.msk $0xffff, v43  }
0x103: {  	[tilespmem:v40+s15+$0x0] =	vst.idx.add.f32.msk $0xffff, v44  }
0x104: {  	v39 =	vadd.s32 v2, v38;
	v40 =	vld [tilespmem:s30+$0x4200]  }
0x105: {  	v43 =	vadd.s32 v25, v35;
	[tilespmem:v46+s15+$0x0] =	vst.idx.add.f32.msk $0xffff, v45  }
0x106: {  	v44 =	vadd.s32 v13, v37;
	v45 =	vld [tilespmem:s26+$0x5800]  }
0x107: {  	[tilespmem:v41+s15+$0x0] =	vst.idx.add.f32.msk $0xffff, v42  }
0x108: {  	v41 =	vld [tilespmem:s23+$0x7000]  }
0x109: {  	[tilespmem:v39+s15+$0x0] =	vst.idx.add.f32.msk $0xffff, v40  }
0x10a: {  	v39 =	vadd.s32 v3, v38;
	v40 =	vld [tilespmem:s30+$0x4400]  }
0x10b: {  	v42 =	vadd.s32 v26, v35;
	[tilespmem:v44+s15+$0x0] =	vst.idx.add.f32.msk $0xffff, v45  }
0x10c: {  	v44 =	vadd.s32 v14, v37;
	v45 =	vld [tilespmem:s26+$0x5A00]  }
0x10d: {  	[tilespmem:v43+s15+$0x0] =	vst.idx.add.f32.msk $0xffff, v41  }
0x10e: {  	v41 =	vld [tilespmem:s23+$0x7200]  }
0x10f: {  	[tilespmem:v39+s15+$0x0] =	vst.idx.add.f32.msk $0xffff, v40  }
0x110: {  	v39 =	vadd.s32 v4, v38;
	v40 =	vld [tilespmem:s30+$0x4600]  }
0x111: {  	v43 =	vadd.s32 v27, v35;
	[tilespmem:v44+s15+$0x0] =	vst.idx.add.f32.msk $0xffff, v45  }
0x112: {  	v44 =	vadd.s32 v15, v37;
	v45 =	vld [tilespmem:s26+$0x5C00]  }
0x113: {  	[tilespmem:v42+s15+$0x0] =	vst.idx.add.f32.msk $0xffff, v41  }
0x114: {  	v41 =	vld [tilespmem:s23+$0x7400]  }
0x115: {  	[tilespmem:v39+s15+$0x0] =	vst.idx.add.f32.msk $0xffff, v40  }
0x116: {  	v39 =	vadd.s32 v5, v38;
	v40 =	vld [tilespmem:s30+$0x4800]  }
0x117: {  	v42 =	vadd.s32 v28, v35;
	[tilespmem:v44+s15+$0x0] =	vst.idx.add.f32.msk $0xffff, v45  }
0x118: {  	v44 =	vadd.s32 v16, v37;
	v45 =	vld [tilespmem:s26+$0x5E00]  }
0x119: {  	[tilespmem:v43+s15+$0x0] =	vst.idx.add.f32.msk $0xffff, v41  }
0x11a: {  	v41 =	vld [tilespmem:s23+$0x7600]  }
0x11b: {  	[tilespmem:v39+s15+$0x0] =	vst.idx.add.f32.msk $0xffff, v40  }
0x11c: {  	v39 =	vadd.s32 v6, v38;
	v40 =	vld [tilespmem:s30+$0x4A00]  }
0x11d: {  	v43 =	vadd.s32 v29, v35;
	[tilespmem:v44+s15+$0x0] =	vst.idx.add.f32.msk $0xffff, v45  }
0x11e: {  	v44 =	vadd.s32 v17, v37;
	v45 =	vld [tilespmem:s26+$0x6000]  }
0x11f: {  	[tilespmem:v42+s15+$0x0] =	vst.idx.add.f32.msk $0xffff, v41  }
0x120: {  	v41 =	vld [tilespmem:s23+$0x7800]  }
0x121: {  	[tilespmem:v39+s15+$0x0] =	vst.idx.add.f32.msk $0xffff, v40  }
0x122: {  	v39 =	vadd.s32 v7, v38;
	v40 =	vld [tilespmem:s30+$0x4C00]  }
0x123: {  	v42 =	vadd.s32 v30, v35;
	[tilespmem:v44+s15+$0x0] =	vst.idx.add.f32.msk $0xffff, v45  }
0x124: {  	v44 =	vadd.s32 v18, v37;
	v45 =	vld [tilespmem:s26+$0x6200]  }
0x125: {  	[tilespmem:v43+s15+$0x0] =	vst.idx.add.f32.msk $0xffff, v41  }
0x126: {  	v41 =	vld [tilespmem:s23+$0x7A00]  }
0x127: {  	[tilespmem:v39+s15+$0x0] =	vst.idx.add.f32.msk $0xffff, v40  }
0x128: {  	v39 =	vadd.s32 v8, v38;
	v40 =	vld [tilespmem:s30+$0x4E00]  }
0x129: {  	[tilespmem:v44+s15+$0x0] =	vst.idx.add.f32.msk $0xffff, v45;
	v44 =	vadd.s32 v31, v35  }
0x12a: {  	v43 =	vadd.s32 v19, v37;
	v45 =	vld [tilespmem:s26+$0x6400]  }
0x12b: {  	[tilespmem:v42+s15+$0x0] =	vst.idx.add.f32.msk $0xffff, v41  }
0x12c: {  	v41 =	vld [tilespmem:s23+$0x7C00]  }
0x12d: {  	[tilespmem:v39+s15+$0x0] =	vst.idx.add.f32.msk $0xffff, v40  }
0x12e: {  	v46 =	vadd.s32 v9, v38;
	v47 =	vld [tilespmem:s30+$0x5000]  }
0x12f: {  	v40 =	vadd.s32 v32, v35;
	[tilespmem:v43+s15+$0x0] =	vst.idx.add.f32.msk $0xffff, v45;
	v43 =	vadd.s32 v21, v36  }
.Ltmp3:
0x130: {  	v39 =	vadd.s32 v33, v35;
	v35 =	vmovc v36;
	v36 =	vmov v37;
	v37 =	vmov v38;
	v42 =	vld [tilespmem:s24+$0x6800];
	(pc) =	sbr.rel @p0 .LBB2_9-.Ltmp3, $4  }
0x131: {  	[tilespmem:v44+s15+$0x0] =	vst.idx.add.f32.msk $0xffff, v41  }
0x132: {  	v41 =	vld [tilespmem:s23+$0x7E00];
	s23 =	smov.u32 s24;
	s24 =	smov.u32 s26;
	s26 =	smov.u32 s30  }
0x133: {  	[tilespmem:v46+s15+$0x0] =	vst.idx.add.f32.msk $0xffff, v47  }
0x134: {  	v38 =	vadd.s32 v10, v37;
	v44 =	vld [tilespmem:s26+$0x5200]  }
0x135: {  	_ =	sdelay $0x3  }
0x136: {  	[tilespmem:v38+s15+$0x0] =	vst.idx.add.f32.msk $0xffff, v44  }
0x137: {  	v49 =	vadd.s32 v11, v37;
	v44 =	vld [tilespmem:s26+$0x5400];
	_ =	sdelay $0x4  }
0x138: {  	[tilespmem:v49+s15+$0x0] =	vst.idx.add.f32.msk $0xffff, v44  }
0x139: {  	v50 =	vadd.s32 v12, v37;
	v38 =	vld [tilespmem:s26+$0x5600];
	_ =	sdelay $0x4  }
0x13a: {  	[tilespmem:v50+s15+$0x0] =	vst.idx.add.f32.msk $0xffff, v38  }
0x13b: {  	v51 =	vadd.s32 v13, v37;
	v44 =	vld [tilespmem:s26+$0x5800];
	_ =	sdelay $0x4  }
0x13c: {  	[tilespmem:v51+s15+$0x0] =	vst.idx.add.f32.msk $0xffff, v44  }
0x13d: {  	v52 =	vadd.s32 v14, v37;
	v44 =	vld [tilespmem:s26+$0x5A00];
	_ =	sdelay $0x4  }
0x13e: {  	[tilespmem:v52+s15+$0x0] =	vst.idx.add.f32.msk $0xffff, v44  }
0x13f: {  	v53 =	vadd.s32 v15, v37;
	v44 =	vld [tilespmem:s26+$0x5C00];
	_ =	sdelay $0x4  }
0x140: {  	[tilespmem:v53+s15+$0x0] =	vst.idx.add.f32.msk $0xffff, v44  }
0x141: {  	v54 =	vadd.s32 v16, v37;
	v44 =	vld [tilespmem:s26+$0x5E00];
	_ =	sdelay $0x4  }
0x142: {  	[tilespmem:v54+s15+$0x0] =	vst.idx.add.f32.msk $0xffff, v44  }
0x143: {  	v55 =	vadd.s32 v17, v37;
	v44 =	vld [tilespmem:s26+$0x6000];
	_ =	sdelay $0x4  }
0x144: {  	[tilespmem:v55+s15+$0x0] =	vst.idx.add.f32.msk $0xffff, v44  }
0x145: {  	v56 =	vadd.s32 v18, v37;
	v44 =	vld [tilespmem:s26+$0x6200];
	_ =	sdelay $0x4  }
0x146: {  	[tilespmem:v56+s15+$0x0] =	vst.idx.add.f32.msk $0xffff, v44  }
0x147: {  	v57 =	vadd.s32 v19, v37;
	v44 =	vld [tilespmem:s26+$0x6400];
	_ =	sdelay $0x1  }
0x148: {  	v45 =	vld [tilespmem:s24+$0x6600];
	v46 =	vadd.s32 v20, v36;
	_ =	sdelay $0x1  }
0x149: {  	[tilespmem:v43+s15+$0x0] =	vst.idx.add.f32.msk $0xffff, v42  }
0x14a: {  	[tilespmem:v57+s15+$0x0] =	vst.idx.add.f32.msk $0xffff, v44  }
0x14b: {  	v58 =	vadd.s32 v20, v37;
	v38 =	vld [tilespmem:s26+$0x6600]  }
0x14c: {  	[tilespmem:v46+s15+$0x0] =	vst.idx.add.f32.msk $0xffff, v45  }
0x14d: {  	v59 =	vadd.s32 v21, v36;
	v60 =	vld [tilespmem:s24+$0x6800]  }
0x14e: {  	v43 =	vld [tilespmem:s23+$0x6A00]  }
0x14f: {  	v63 =	vadd.s32 v22, v35;
	[tilespmem:v40+s15+$0x0] =	vst.idx.add.f32.msk $0xffff, v41  }
0x150: {  	[tilespmem:v58+s15+$0x0] =	vst.idx.add.f32.msk $0xffff, v38  }
0x151: {  	v61 =	vadd.s32 v21, v37;
	v62 =	vld [tilespmem:s26+$0x6800]  }
0x152: {  	[tilespmem:v59+s15+$0x0] =	vst.idx.add.f32.msk $0xffff, v60  }
0x153: {  	v47 =	vadd.s32 v22, v36;
	v40 =	vld [tilespmem:s24+$0x6A00]  }
0x154: {  	[tilespmem:v63+s15+$0x0] =	vst.idx.add.f32.msk $0xffff, v43  }
0x155: {  	v43 =	vld [tilespmem:s23+$0x6C00];
	v50 =	vadd.s32 v23, v35  }
0x156: {  	[tilespmem:v61+s15+$0x0] =	vst.idx.add.f32.msk $0xffff, v62  }
0x157: {  	v48 =	vadd.s32 v22, v37;
	v49 =	vld [tilespmem:s26+$0x6A00]  }
0x158: {  	[tilespmem:v47+s15+$0x0] =	vst.idx.add.f32.msk $0xffff, v40  }
0x159: {  	v40 =	vld [tilespmem:s24+$0x6C00];
	v51 =	vadd.s32 v23, v36  }
0x15a: {  	[tilespmem:v50+s15+$0x0] =	vst.idx.add.f32.msk $0xffff, v43  }
0x15b: {  	v43 =	vld [tilespmem:s23+$0x6E00];
	v53 =	vadd.s32 v24, v35  }
0x15c: {  	[tilespmem:v48+s15+$0x0] =	vst.idx.add.f32.msk $0xffff, v49  }
0x15d: {  	v52 =	vadd.s32 v23, v37;
	v41 =	vld [tilespmem:s26+$0x6C00]  }
0x15e: {  	[tilespmem:v51+s15+$0x0] =	vst.idx.add.f32.msk $0xffff, v40  }
0x15f: {  	v40 =	vld [tilespmem:s24+$0x6E00];
	v54 =	vadd.s32 v24, v36  }
0x160: {  	[tilespmem:v53+s15+$0x0] =	vst.idx.add.f32.msk $0xffff, v43  }
0x161: {  	v43 =	vld [tilespmem:s23+$0x7000];
	v56 =	vadd.s32 v25, v35  }
0x162: {  	[tilespmem:v52+s15+$0x0] =	vst.idx.add.f32.msk $0xffff, v41  }
0x163: {  	v55 =	vadd.s32 v24, v37;
	v41 =	vld [tilespmem:s26+$0x6E00]  }
0x164: {  	[tilespmem:v54+s15+$0x0] =	vst.idx.add.f32.msk $0xffff, v40  }
0x165: {  	v40 =	vld [tilespmem:s24+$0x7000];
	v57 =	vadd.s32 v25, v36  }
0x166: {  	[tilespmem:v56+s15+$0x0] =	vst.idx.add.f32.msk $0xffff, v43  }
0x167: {  	v59 =	vadd.s32 v26, v35;
	v43 =	vld [tilespmem:s23+$0x7200]  }
0x168: {  	[tilespmem:v55+s15+$0x0] =	vst.idx.add.f32.msk $0xffff, v41  }
0x169: {  	v58 =	vadd.s32 v25, v37;
	v41 =	vld [tilespmem:s26+$0x7000]  }
0x16a: {  	[tilespmem:v57+s15+$0x0] =	vst.idx.add.f32.msk $0xffff, v40  }
0x16b: {  	v60 =	vadd.s32 v26, v36;
	v40 =	vld [tilespmem:s24+$0x7200]  }
0x16c: {  	[tilespmem:v59+s15+$0x0] =	vst.idx.add.f32.msk $0xffff, v43  }
0x16d: {  	v43 =	vld [tilespmem:s23+$0x7400];
	v62 =	vadd.s32 v27, v35  }
0x16e: {  	[tilespmem:v58+s15+$0x0] =	vst.idx.add.f32.msk $0xffff, v41  }
0x16f: {  	v61 =	vadd.s32 v26, v37;
	v41 =	vld [tilespmem:s26+$0x7200]  }
0x170: {  	[tilespmem:v60+s15+$0x0] =	vst.idx.add.f32.msk $0xffff, v40  }
0x171: {  	v63 =	vadd.s32 v27, v36;
	v40 =	vld [tilespmem:s24+$0x7400]  }
0x172: {  	[tilespmem:v62+s15+$0x0] =	vst.idx.add.f32.msk $0xffff, v43  }
0x173: {  	v46 =	vadd.s32 v28, v35;
	v43 =	vld [tilespmem:s23+$0x7600]  }
0x174: {  	[tilespmem:v61+s15+$0x0] =	vst.idx.add.f32.msk $0xffff, v41  }
0x175: {  	v45 =	vadd.s32 v27, v37;
	v41 =	vld [tilespmem:s26+$0x7400]  }
0x176: {  	[tilespmem:v63+s15+$0x0] =	vst.idx.add.f32.msk $0xffff, v40  }
0x177: {  	v47 =	vadd.s32 v28, v36;
	v40 =	vld [tilespmem:s24+$0x7600]  }
0x178: {  	[tilespmem:v46+s15+$0x0] =	vst.idx.add.f32.msk $0xffff, v43  }
0x179: {  	v49 =	vadd.s32 v29, v35;
	v43 =	vld [tilespmem:s23+$0x7800]  }
0x17a: {  	[tilespmem:v45+s15+$0x0] =	vst.idx.add.f32.msk $0xffff, v41  }
0x17b: {  	v48 =	vadd.s32 v28, v37;
	v41 =	vld [tilespmem:s26+$0x7600]  }
0x17c: {  	[tilespmem:v47+s15+$0x0] =	vst.idx.add.f32.msk $0xffff, v40  }
0x17d: {  	v50 =	vadd.s32 v29, v36;
	v40 =	vld [tilespmem:s24+$0x7800]  }
0x17e: {  	[tilespmem:v49+s15+$0x0] =	vst.idx.add.f32.msk $0xffff, v43  }
0x17f: {  	v52 =	vadd.s32 v30, v35;
	v43 =	vld [tilespmem:s23+$0x7A00]  }
0x180: {  	[tilespmem:v48+s15+$0x0] =	vst.idx.add.f32.msk $0xffff, v41  }
0x181: {  	v51 =	vadd.s32 v29, v37;
	v41 =	vld [tilespmem:s26+$0x7800]  }
0x182: {  	[tilespmem:v50+s15+$0x0] =	vst.idx.add.f32.msk $0xffff, v40  }
0x183: {  	v53 =	vadd.s32 v30, v36;
	v40 =	vld [tilespmem:s24+$0x7A00]  }
0x184: {  	[tilespmem:v52+s15+$0x0] =	vst.idx.add.f32.msk $0xffff, v43  }
0x185: {  	v43 =	vld [tilespmem:s23+$0x7C00]  }
0x186: {  	v55 =	vadd.s32 v31, v35;
	[tilespmem:v51+s15+$0x0] =	vst.idx.add.f32.msk $0xffff, v41  }
0x187: {  	v54 =	vadd.s32 v30, v37;
	v41 =	vld [tilespmem:s26+$0x7A00]  }
0x188: {  	[tilespmem:v53+s15+$0x0] =	vst.idx.add.f32.msk $0xffff, v40  }
0x189: {  	v56 =	vadd.s32 v31, v36;
	v40 =	vld [tilespmem:s24+$0x7C00];
	_ =	sdelay $0x1  }
0x18a: {  	[tilespmem:v55+s15+$0x0] =	vst.idx.add.f32.msk $0xffff, v43  }
0x18b: {  	[tilespmem:v54+s15+$0x0] =	vst.idx.add.f32.msk $0xffff, v41  }
0x18c: {  	v57 =	vadd.s32 v31, v37;
	v41 =	vld [tilespmem:s26+$0x7C00]  }
0x18d: {  	[tilespmem:v56+s15+$0x0] =	vst.idx.add.f32.msk $0xffff, v40  }
0x18e: {  	v58 =	vadd.s32 v32, v35;
	v43 =	vld [tilespmem:s23+$0x7E00]  }
0x18f: {  	v60 =	vadd.s32 v32, v36;
	v40 =	vld [tilespmem:s24+$0x7E00]  }
0x190: {  	[tilespmem:v39+s15+$0x0] =	vst.idx.add.f32.msk $0xffff, v34;
	v59 =	vadd.s32 v33, v35  }
0x191: {  	v61 =	vadd.s32 v33, v36;
	[tilespmem:v57+s15+$0x0] =	vst.idx.add.f32.msk $0xffff, v41  }
0x192: {  	v62 =	vadd.s32 v32, v37;
	v41 =	vld [tilespmem:s26+$0x7E00]  }
0x193: {  	p0 =	seq.s32 s20, $0xF;
	v63 =	vadd.s32 v33, v37;
	[tilespmem:v58+s15+$0x0] =	vst.idx.add.f32.msk $0xffff, v43  }
.Ltmp4:
0x194: {  	[tilespmem:v60+s15+$0x0] =	vst.idx.add.f32.msk $0xffff, v40;
	(pc) =	sbr.rel @p0 .LBB2_13-.Ltmp4, $4  }
0x195: {  	[tilespmem:v59+s15+$0x0] =	vst.idx.add.f32.msk $0xffff, v34  }
0x196: {  	[tilespmem:v61+s15+$0x0] =	vst.idx.add.f32.msk $0xffff, v34  }
0x197: {  	[tilespmem:v62+s15+$0x0] =	vst.idx.add.f32.msk $0xffff, v41  }
0x198: {  	[tilespmem:v63+s15+$0x0] =	vst.idx.add.f32.msk $0xffff, v34  }
0x199: {  	s0 =	sshll.u32 s20, $0x1  }
0x19a: {  	s0 =	sadd.s32 $0x2, s0  }
0x19b: {  	s2 =	sshll.u32 s0, $0x9  }
0x19c: {  	s0 =	sshll.u32 s0, $0x8;
	s2 =	sadd.s32 s4, s2  }
0x19d: {  	s0 =	sand.u32 $0x200, s0;
	s2 =	sand.u32 $0x1F800, s2  }
0x19e: {  	s0 =	sor.u32 s2, s0  }
0x19f: {  	s0 =	sor.u32 s5, s0  }
0x1a0: {  	s0 =	sshrl.u32 s0, $0x3  }
0x1a1: {  	s31 =	simm.s32 $0x4000;
	s24 =	simm.s32 $0x800;
	s23 =	sadd.s32 s1, s0  }
0x1a2: {  	[tilespmem:s31], [sflag:$0x2] =	stream.strided.gather [hbm4b:s23+s11], $0x200, s12, s11, $0x38;
	[tilespmem:$0x1DC00] =	vst v63  }
.LBB2_12:
0x1a3: {  	p0 =	sne.s32 s24, $0xF800  }
.Ltmp5:
0x1a4: {  	_ = 	snop;
	(pc) =	sbr.rel @p0 .LBB2_12-.Ltmp5, $4  }
0x1a5: {  	_ = 	snop  }
0x1a6: {  	s0 =	sshra.s32 s24, $0x2;
	s24 =	sadd.s32 $0x800, s24  }
0x1a7: {  	s23 =	sadd.s32 $0x2000, s23;
	s0 =	sadd.s32 $0x4000, s0  }
0x1a8: {  	[tilespmem:s0], [sflag:$0x2] =	stream.strided.gather [hbm4b:s23+s11], $0x200, s12, s11, $0x38;
	[tilespmem:$0x1DC00] =	vst v63  }
.LBB2_13:
0x1a9: {  	s0 =	simm.s32 $0x0  }
0x1aa: {  	_ =	swait.ge [sflag:s16], $0x4000;
	s0 =	sand.u32 $0x1, s0  }
0x1ab: {  	s23 =	sadd.s32 s22, s21;
	s17 =	simm.s32 $0x0;
	s2 =	sshll.u32 s0, $0xA  }
0x1ac: {  	s25 =	simm.s32 $0x0;
	s26 =	sand.u32 $0x3FFFFF80, s17;
	s2 =	sadd.s32 s2, s23  }
0x1ad: {  	[sflag:s16] =	ssyncset.done $0x0;
	s21 =	sand.u32 $0x70, s25;
	s2 =	sadd.s32 s26, s2  }
0x1ae: {  	[sflag:s16] =	ssyncadd.s32 $0xFFFFC000;
	s2 =	sadd.s32 s21, s2  }
0x1af: {  	v38 =	vld [tilespmem:s2+$0x0];
	_ =	sdelay $0x1  }
0x1b0: {  	s28 =	sand.u32 $0xFFFFFF80, s17;
	s0 =	sshll.u32 s0, $0x8  }
0x1b1: {  	s0 =	sadd.s32 s28, s0  }
0x1b2: {  	s26 =	sor.u32 s21, s0  }
0x1b3: {  	v36 =	vld [tilespmem:s26+$0x8000];
	v35 =	vadd.s32 v0, v38;
	_ =	sdelay $0x3  }
0x1b4: {  	s29 =	simm.s32 $0x0  }
0x1b5: {  	s0 =	sand.u32 $0x1, s29;
	[tilespmem:v35+s15+$0x0] =	vst.idx.add.f32.msk $0xffff, v36  }
0x1b6: {  	s31 =	simm.s32 $0x8;
	s30 =	sshll.u32 s0, $0xA;
	v56 =	vadd.s32 v2, v38;
	v36 =	vld [tilespmem:s26+$0x8200]  }
0x1b7: {  	s22 =	simm.s32 $0x10;
	s24 =	sand.u32 $0x3FFFFF80, s31;
	s2 =	sadd.s32 s30, s23  }
0x1b8: {  	s21 =	sand.u32 $0x70, s22;
	s2 =	sadd.s32 s24, s2  }
0x1b9: {  	s2 =	sadd.s32 s21, s2  }
0x1ba: {  	v35 =	vld [tilespmem:s2+$0x0]  }
0x1bb: {  	[tilespmem:v56+s15+$0x0] =	vst.idx.add.f32.msk $0xffff, v36  }
0x1bc: {  	s25 =	sand.u32 $0xFFFFFF80, s31;
	s0 =	sshll.u32 s0, $0x8;
	v57 =	vadd.s32 v3, v38;
	v36 =	vld [tilespmem:s26+$0x8400]  }
0x1bd: {  	s0 =	sadd.s32 s25, s0  }
0x1be: {  	s21 =	sor.u32 s21, s0  }
0x1bf: {  	v40 =	vld [tilespmem:s21+$0x8000];
	v39 =	vadd.s32 v0, v35;
	_ =	sdelay $0x1  }
0x1c0: {  	[tilespmem:v57+s15+$0x0] =	vst.idx.add.f32.msk $0xffff, v36  }
0x1c1: {  	v58 =	vadd.s32 v4, v38;
	v36 =	vld [tilespmem:s26+$0x8600];
	_ =	sdelay $0x1  }
0x1c2: {  	[tilespmem:v39+s15+$0x0] =	vst.idx.add.f32.msk $0xffff, v40  }
0x1c3: {  	v61 =	vadd.s32 v2, v35;
	v40 =	vld [tilespmem:s21+$0x8200];
	_ =	sdelay $0x1  }
0x1c4: {  	[tilespmem:v58+s15+$0x0] =	vst.idx.add.f32.msk $0xffff, v36  }
0x1c5: {  	v59 =	vadd.s32 v5, v38;
	v37 =	vld [tilespmem:s26+$0x8800];
	_ =	sdelay $0x1  }
0x1c6: {  	[tilespmem:v61+s15+$0x0] =	vst.idx.add.f32.msk $0xffff, v40  }
0x1c7: {  	v63 =	vadd.s32 v3, v35;
	v40 =	vld [tilespmem:s21+$0x8400];
	_ =	sdelay $0x1  }
0x1c8: {  	[tilespmem:v59+s15+$0x0] =	vst.idx.add.f32.msk $0xffff, v37  }
0x1c9: {  	v60 =	vadd.s32 v6, v38;
	v37 =	vld [tilespmem:s26+$0x8A00];
	_ =	sdelay $0x1  }
0x1ca: {  	[tilespmem:v63+s15+$0x0] =	vst.idx.add.f32.msk $0xffff, v40  }
0x1cb: {  	v45 =	vadd.s32 v4, v35;
	v40 =	vld [tilespmem:s21+$0x8600];
	_ =	sdelay $0x1  }
0x1cc: {  	[tilespmem:v60+s15+$0x0] =	vst.idx.add.f32.msk $0xffff, v37  }
0x1cd: {  	v62 =	vadd.s32 v7, v38;
	v37 =	vld [tilespmem:s26+$0x8C00];
	_ =	sdelay $0x1  }
0x1ce: {  	[tilespmem:v45+s15+$0x0] =	vst.idx.add.f32.msk $0xffff, v40  }
0x1cf: {  	v47 =	vadd.s32 v5, v35;
	v40 =	vld [tilespmem:s21+$0x8800];
	_ =	sdelay $0x1  }
0x1d0: {  	[tilespmem:v62+s15+$0x0] =	vst.idx.add.f32.msk $0xffff, v37  }
0x1d1: {  	v44 =	vadd.s32 v8, v38;
	v37 =	vld [tilespmem:s26+$0x8E00];
	_ =	sdelay $0x1  }
0x1d2: {  	[tilespmem:v47+s15+$0x0] =	vst.idx.add.f32.msk $0xffff, v40  }
0x1d3: {  	v49 =	vadd.s32 v6, v35;
	v40 =	vld [tilespmem:s21+$0x8A00];
	_ =	sdelay $0x1  }
0x1d4: {  	[tilespmem:v44+s15+$0x0] =	vst.idx.add.f32.msk $0xffff, v37  }
0x1d5: {  	v46 =	vadd.s32 v9, v38;
	v37 =	vld [tilespmem:s26+$0x9000];
	_ =	sdelay $0x1  }
0x1d6: {  	[tilespmem:v49+s15+$0x0] =	vst.idx.add.f32.msk $0xffff, v40  }
0x1d7: {  	v51 =	vadd.s32 v7, v35;
	v40 =	vld [tilespmem:s21+$0x8C00];
	_ =	sdelay $0x1  }
0x1d8: {  	[tilespmem:v46+s15+$0x0] =	vst.idx.add.f32.msk $0xffff, v37  }
0x1d9: {  	v48 =	vadd.s32 v10, v38;
	v37 =	vld [tilespmem:s26+$0x9200];
	_ =	sdelay $0x1  }
0x1da: {  	[tilespmem:v51+s15+$0x0] =	vst.idx.add.f32.msk $0xffff, v40  }
0x1db: {  	v53 =	vadd.s32 v8, v35;
	v40 =	vld [tilespmem:s21+$0x8E00];
	_ =	sdelay $0x1  }
0x1dc: {  	[tilespmem:v48+s15+$0x0] =	vst.idx.add.f32.msk $0xffff, v37  }
0x1dd: {  	v50 =	vadd.s32 v11, v38;
	v37 =	vld [tilespmem:s26+$0x9400];
	_ =	sdelay $0x1  }
0x1de: {  	[tilespmem:v53+s15+$0x0] =	vst.idx.add.f32.msk $0xffff, v40  }
0x1df: {  	v55 =	vadd.s32 v9, v35;
	v40 =	vld [tilespmem:s21+$0x9000];
	_ =	sdelay $0x1  }
0x1e0: {  	[tilespmem:v50+s15+$0x0] =	vst.idx.add.f32.msk $0xffff, v37  }
0x1e1: {  	s28 =	simm.s32 $0x0;
	v52 =	vadd.s32 v12, v38;
	v36 =	vld [tilespmem:s26+$0x9600]  }
0x1e2: {  	s0 =	sand.u32 $0x1, s28  }
0x1e3: {  	s30 =	simm.s32 $0x10;
	s29 =	sshll.u32 s0, $0xA;
	[tilespmem:v55+s15+$0x0] =	vst.idx.add.f32.msk $0xffff, v40  }
0x1e4: {  	s31 =	simm.s32 $0x20;
	s24 =	sand.u32 $0x3FFFFF80, s30;
	s2 =	sadd.s32 s29, s23;
	v57 =	vadd.s32 v10, v35;
	v40 =	vld [tilespmem:s21+$0x9200]  }
0x1e5: {  	s22 =	sand.u32 $0x70, s31;
	s2 =	sadd.s32 s24, s2  }
0x1e6: {  	s2 =	sadd.s32 s22, s2;
	[tilespmem:v52+s15+$0x0] =	vst.idx.add.f32.msk $0xffff, v36  }
0x1e7: {  	v36 =	vld [tilespmem:s2+$0x0]  }
0x1e8: {  	v54 =	vadd.s32 v13, v38;
	v37 =	vld [tilespmem:s26+$0x9800]  }
0x1e9: {  	s0 =	sshll.u32 s0, $0x8;
	s24 =	sand.u32 $0xFFFFFF80, s30;
	[tilespmem:v57+s15+$0x0] =	vst.idx.add.f32.msk $0xffff, v40  }
0x1ea: {  	s0 =	sadd.s32 s24, s0;
	v59 =	vadd.s32 v11, v35;
	v40 =	vld [tilespmem:s21+$0x9400]  }
0x1eb: {  	s22 =	sor.u32 s22, s0  }
0x1ec: {  	v43 =	vld [tilespmem:s22+$0x8000];
	v42 =	vadd.s32 v0, v36  }
0x1ed: {  	[tilespmem:v54+s15+$0x0] =	vst.idx.add.f32.msk $0xffff, v37  }
0x1ee: {  	v56 =	vadd.s32 v14, v38;
	v41 =	vld [tilespmem:s26+$0x9A00]  }
0x1ef: {  	[tilespmem:v59+s15+$0x0] =	vst.idx.add.f32.msk $0xffff, v40  }
0x1f0: {  	v45 =	vadd.s32 v12, v35;
	v39 =	vld [tilespmem:s21+$0x9600]  }
0x1f1: {  	[tilespmem:v42+s15+$0x0] =	vst.idx.add.f32.msk $0xffff, v43  }
0x1f2: {  	v61 =	vld [tilespmem:s22+$0x8200]  }
0x1f3: {  	v60 =	vadd.s32 v2, v36;
	[tilespmem:v56+s15+$0x0] =	vst.idx.add.f32.msk $0xffff, v41  }
0x1f4: {  	v58 =	vadd.s32 v15, v38;
	v41 =	vld [tilespmem:s26+$0x9C00]  }
0x1f5: {  	[tilespmem:v45+s15+$0x0] =	vst.idx.add.f32.msk $0xffff, v39  }
0x1f6: {  	v47 =	vadd.s32 v13, v35;
	v40 =	vld [tilespmem:s21+$0x9800]  }
0x1f7: {  	s25 =	simm.s32 $0x0  }
0x1f8: {  	s0 =	sand.u32 $0x1, s25;
	[tilespmem:v60+s15+$0x0] =	vst.idx.add.f32.msk $0xffff, v61  }
0x1f9: {  	s29 =	simm.s32 $0x18;
	s28 =	sshll.u32 s0, $0xA;
	[tilespmem:v58+s15+$0x0] =	vst.idx.add.f32.msk $0xffff, v41  }
0x1fa: {  	s30 =	sand.u32 $0x3FFFFF80, s29;
	s25 =	simm.s32 $0x30;
	s2 =	sadd.s32 s28, s23;
	v46 =	vadd.s32 v3, v36;
	v41 =	vld [tilespmem:s22+$0x8400]  }
0x1fb: {  	s28 =	sand.u32 $0x70, s25;
	s2 =	sadd.s32 s30, s2;
	[tilespmem:v47+s15+$0x0] =	vst.idx.add.f32.msk $0xffff, v40  }
0x1fc: {  	v50 =	vadd.s32 v14, v35;
	s2 =	sadd.s32 s28, s2;
	v40 =	vld [tilespmem:s21+$0x9A00]  }
0x1fd: {  	v37 =	vld [tilespmem:s2+$0x0]  }
0x1fe: {  	v63 =	vadd.s32 v16, v38;
	v62 =	vld [tilespmem:s26+$0x9E00]  }
0x1ff: {  	[tilespmem:v46+s15+$0x0] =	vst.idx.add.f32.msk $0xffff, v41  }
0x200: {  	v49 =	vadd.s32 v4, v36;
	v41 =	vld [tilespmem:s22+$0x8600]  }
0x201: {  	[tilespmem:v50+s15+$0x0] =	vst.idx.add.f32.msk $0xffff, v40  }
0x202: {  	v53 =	vadd.s32 v15, v35;
	v40 =	vld [tilespmem:s21+$0x9C00]  }
0x203: {  	[tilespmem:v63+s15+$0x0] =	vst.idx.add.f32.msk $0xffff, v62  }
0x204: {  	v48 =	vadd.s32 v17, v38;
	v42 =	vld [tilespmem:s26+$0xA000]  }
0x205: {  	[tilespmem:v49+s15+$0x0] =	vst.idx.add.f32.msk $0xffff, v41  }
0x206: {  	v51 =	vadd.s32 v5, v36;
	v41 =	vld [tilespmem:s22+$0x8800]  }
0x207: {  	[tilespmem:v53+s15+$0x0] =	vst.idx.add.f32.msk $0xffff, v40  }
0x208: {  	v55 =	vadd.s32 v16, v35;
	v40 =	vld [tilespmem:s21+$0x9E00]  }
0x209: {  	[tilespmem:v48+s15+$0x0] =	vst.idx.add.f32.msk $0xffff, v42  }
0x20a: {  	v52 =	vadd.s32 v18, v38;
	v42 =	vld [tilespmem:s26+$0xA200]  }
0x20b: {  	[tilespmem:v51+s15+$0x0] =	vst.idx.add.f32.msk $0xffff, v41  }
0x20c: {  	v54 =	vadd.s32 v6, v36;
	v41 =	vld [tilespmem:s22+$0x8A00]  }
0x20d: {  	[tilespmem:v55+s15+$0x0] =	vst.idx.add.f32.msk $0xffff, v40  }
0x20e: {  	v58 =	vadd.s32 v17, v35;
	v40 =	vld [tilespmem:s21+$0xA000]  }
0x20f: {  	[tilespmem:v52+s15+$0x0] =	vst.idx.add.f32.msk $0xffff, v42  }
0x210: {  	v56 =	vadd.s32 v19, v38;
	v42 =	vld [tilespmem:s26+$0xA400]  }
0x211: {  	[tilespmem:v54+s15+$0x0] =	vst.idx.add.f32.msk $0xffff, v41  }
0x212: {  	v57 =	vadd.s32 v7, v36;
	v41 =	vld [tilespmem:s22+$0x8C00]  }
0x213: {  	[tilespmem:v58+s15+$0x0] =	vst.idx.add.f32.msk $0xffff, v40  }
0x214: {  	v40 =	vld [tilespmem:s21+$0xA200]  }
0x215: {  	v61 =	vadd.s32 v18, v35;
	[tilespmem:v56+s15+$0x0] =	vst.idx.add.f32.msk $0xffff, v42  }
0x216: {  	s31 =	sand.u32 $0xFFFFFF80, s29;
	s0 =	sshll.u32 s0, $0x8;
	v60 =	vadd.s32 v20, v38;
	v42 =	vld [tilespmem:s26+$0xA600]  }
0x217: {  	s0 =	sadd.s32 s31, s0;
	[tilespmem:v57+s15+$0x0] =	vst.idx.add.f32.msk $0xffff, v41  }
0x218: {  	s24 =	sor.u32 s28, s0;
	v59 =	vadd.s32 v8, v36;
	v41 =	vld [tilespmem:s22+$0x8E00]  }
0x219: {  	v44 =	vld [tilespmem:s24+$0x8000]  }
0x21a: {  	v54 =	vadd.s32 v0, v37;
	[tilespmem:v61+s15+$0x0] =	vst.idx.add.f32.msk $0xffff, v40  }
0x21b: {  	[tilespmem:v60+s15+$0x0] =	vst.idx.add.f32.msk $0xffff, v42  }
0x21c: {  	v63 =	vadd.s32 v21, v38;
	v45 =	vld [tilespmem:s26+$0xA800]  }
0x21d: {  	[tilespmem:v59+s15+$0x0] =	vst.idx.add.f32.msk $0xffff, v41  }
0x21e: {  	v62 =	vadd.s32 v9, v36;
	v41 =	vld [tilespmem:s22+$0x9000]  }
0x21f: {  	[tilespmem:v54+s15+$0x0] =	vst.idx.add.f32.msk $0xffff, v44  }
0x220: {  	v46 =	vld [tilespmem:s21+$0xA400]  }
0x221: {  	v47 =	vadd.s32 v19, v35;
	[tilespmem:v63+s15+$0x0] =	vst.idx.add.f32.msk $0xffff, v45  }
0x222: {  	v49 =	vadd.s32 v22, v38;
	v40 =	vld [tilespmem:s26+$0xAA00]  }
0x223: {  	[tilespmem:v62+s15+$0x0] =	vst.idx.add.f32.msk $0xffff, v41  }
0x224: {  	v48 =	vadd.s32 v10, v36;
	v41 =	vld [tilespmem:s22+$0x9200]  }
0x225: {  	v42 =	vld [tilespmem:s24+$0x8200]  }
0x226: {  	[tilespmem:v47+s15+$0x0] =	vst.idx.add.f32.msk $0xffff, v46  }
0x227: {  	v56 =	vadd.s32 v2, v37;
	[tilespmem:v49+s15+$0x0] =	vst.idx.add.f32.msk $0xffff, v40  }
0x228: {  	v52 =	vadd.s32 v23, v38;
	v40 =	vld [tilespmem:s26+$0xAC00]  }
0x229: {  	[tilespmem:v48+s15+$0x0] =	vst.idx.add.f32.msk $0xffff, v41  }
0x22a: {  	v50 =	vadd.s32 v11, v36;
	v51 =	vld [tilespmem:s22+$0x9400]  }
0x22b: {  	v43 =	vld [tilespmem:s21+$0xA600]  }
0x22c: {  	[tilespmem:v56+s15+$0x0] =	vst.idx.add.f32.msk $0xffff, v42  }
0x22d: {  	v53 =	vadd.s32 v20, v35;
	[tilespmem:v52+s15+$0x0] =	vst.idx.add.f32.msk $0xffff, v40  }
0x22e: {  	v55 =	vadd.s32 v24, v38;
	v39 =	vld [tilespmem:s26+$0xAE00]  }
0x22f: {  	[tilespmem:v50+s15+$0x0] =	vst.idx.add.f32.msk $0xffff, v51  }
0x230: {  	v46 =	vadd.s32 v12, v36;
	v45 =	vld [tilespmem:s22+$0x9600]  }
0x231: {  	v42 =	vld [tilespmem:s24+$0x8400]  }
0x232: {  	v60 =	vadd.s32 v3, v37;
	[tilespmem:v53+s15+$0x0] =	vst.idx.add.f32.msk $0xffff, v43  }
0x233: {  	[tilespmem:v55+s15+$0x0] =	vst.idx.add.f32.msk $0xffff, v39  }
0x234: {  	v59 =	vadd.s32 v25, v38;
	v40 =	vld [tilespmem:s26+$0xB000]  }
0x235: {  	[tilespmem:v46+s15+$0x0] =	vst.idx.add.f32.msk $0xffff, v45  }
0x236: {  	v57 =	vadd.s32 v13, v36;
	v58 =	vld [tilespmem:s22+$0x9800]  }
0x237: {  	[tilespmem:v60+s15+$0x0] =	vst.idx.add.f32.msk $0xffff, v42  }
0x238: {  	v63 =	vadd.s32 v4, v37;
	v42 =	vld [tilespmem:s24+$0x8600]  }
0x239: {  	[tilespmem:v59+s15+$0x0] =	vst.idx.add.f32.msk $0xffff, v40  }
0x23a: {  	v62 =	vadd.s32 v26, v38;
	v40 =	vld [tilespmem:s26+$0xB200]  }
0x23b: {  	[tilespmem:v57+s15+$0x0] =	vst.idx.add.f32.msk $0xffff, v58  }
0x23c: {  	v61 =	vadd.s32 v14, v36;
	v44 =	vld [tilespmem:s22+$0x9A00]  }
0x23d: {  	[tilespmem:v63+s15+$0x0] =	vst.idx.add.f32.msk $0xffff, v42  }
0x23e: {  	v42 =	vld [tilespmem:s24+$0x8800];
	v50 =	vadd.s32 v5, v37  }
0x23f: {  	[tilespmem:v62+s15+$0x0] =	vst.idx.add.f32.msk $0xffff, v40  }
0x240: {  	v49 =	vadd.s32 v27, v38;
	v40 =	vld [tilespmem:s26+$0xB400]  }
0x241: {  	[tilespmem:v61+s15+$0x0] =	vst.idx.add.f32.msk $0xffff, v44  }
0x242: {  	v48 =	vadd.s32 v15, v36;
	v44 =	vld [tilespmem:s22+$0x9C00]  }
0x243: {  	[tilespmem:v50+s15+$0x0] =	vst.idx.add.f32.msk $0xffff, v42  }
0x244: {  	v53 =	vadd.s32 v6, v37;
	v42 =	vld [tilespmem:s24+$0x8A00]  }
0x245: {  	[tilespmem:v49+s15+$0x0] =	vst.idx.add.f32.msk $0xffff, v40  }
0x246: {  	v52 =	vadd.s32 v28, v38;
	v40 =	vld [tilespmem:s26+$0xB600]  }
0x247: {  	[tilespmem:v48+s15+$0x0] =	vst.idx.add.f32.msk $0xffff, v44  }
0x248: {  	v51 =	vadd.s32 v16, v36;
	v44 =	vld [tilespmem:s22+$0x9E00]  }
0x249: {  	[tilespmem:v53+s15+$0x0] =	vst.idx.add.f32.msk $0xffff, v42  }
0x24a: {  	v56 =	vadd.s32 v7, v37;
	v42 =	vld [tilespmem:s24+$0x8C00]  }
0x24b: {  	[tilespmem:v52+s15+$0x0] =	vst.idx.add.f32.msk $0xffff, v40  }
0x24c: {  	v55 =	vadd.s32 v29, v38;
	v40 =	vld [tilespmem:s26+$0xB800]  }
0x24d: {  	[tilespmem:v51+s15+$0x0] =	vst.idx.add.f32.msk $0xffff, v44  }
0x24e: {  	v54 =	vadd.s32 v17, v36;
	v44 =	vld [tilespmem:s22+$0xA000]  }
0x24f: {  	[tilespmem:v56+s15+$0x0] =	vst.idx.add.f32.msk $0xffff, v42  }
0x250: {  	v59 =	vadd.s32 v8, v37;
	v42 =	vld [tilespmem:s24+$0x8E00]  }
0x251: {  	[tilespmem:v55+s15+$0x0] =	vst.idx.add.f32.msk $0xffff, v40  }
0x252: {  	v58 =	vadd.s32 v30, v38;
	v40 =	vld [tilespmem:s26+$0xBA00]  }
0x253: {  	[tilespmem:v54+s15+$0x0] =	vst.idx.add.f32.msk $0xffff, v44  }
0x254: {  	v57 =	vadd.s32 v18, v36;
	v44 =	vld [tilespmem:s22+$0xA200]  }
0x255: {  	[tilespmem:v59+s15+$0x0] =	vst.idx.add.f32.msk $0xffff, v42  }
0x256: {  	v63 =	vld [tilespmem:s24+$0x9000]  }
0x257: {  	v62 =	vadd.s32 v9, v37;
	[tilespmem:v58+s15+$0x0] =	vst.idx.add.f32.msk $0xffff, v40  }
0x258: {  	v61 =	vadd.s32 v31, v38;
	v40 =	vld [tilespmem:s26+$0xBC00]  }
0x259: {  	[tilespmem:v57+s15+$0x0] =	vst.idx.add.f32.msk $0xffff, v44  }
0x25a: {  	v60 =	vadd.s32 v19, v36;
	v44 =	vld [tilespmem:s22+$0xA400]  }
0x25b: {  	v42 =	vld [tilespmem:s21+$0xA800]  }
0x25c: {  	[tilespmem:v62+s15+$0x0] =	vst.idx.add.f32.msk $0xffff, v63  }
0x25d: {  	v43 =	vadd.s32 v21, v35;
	[tilespmem:v61+s15+$0x0] =	vst.idx.add.f32.msk $0xffff, v40  }
0x25e: {  	v41 =	vld [tilespmem:s26+$0xBE00]  }
0x25f: {  	v40 =	vadd.s32 v32, v38;
	[tilespmem:v60+s15+$0x0] =	vst.idx.add.f32.msk $0xffff, v44  }
0x260: {  	v39 =	vadd.s32 v33, v38;
	v38 =	vadd.s32 v10, v37;
	s26 =	simm.s32 $0x4;
	v44 =	vld [tilespmem:s24+$0x9200]  }
.LBB2_14:
0x261: {  	s0 =	sshrl.u32 s26, $0x3  }
0x262: {  	p0 =	sne.s32 s26, $0x1F;
	[tilespmem:v43+s15+$0x0] =	vst.idx.add.f32.msk $0xffff, v42;
	s2 =	smov.u32 s26;
	s26 =	sadd.s32 $0x1, s26  }
0x263: {  	v42 =	vadd.s32 v22, v35;
	s0 =	sand.u32 $0x1, s0;
	v43 =	vld [tilespmem:s21+$0xAA00]  }
0x264: {  	s25 =	sadd.s32 $0x10, s25;
	s2 =	sshll.u32 s2, $0x3;
	s17 =	sshll.u32 s0, $0xA;
	[tilespmem:v40+s15+$0x0] =	vst.idx.add.f32.msk $0xffff, v41  }
0x265: {  	s28 =	sand.u32 $0x3FFFFF80, s2;
	s2 =	sand.u32 $0xFFFFFF80, s2;
	s17 =	sadd.s32 s17, s23;
	[tilespmem:v39+s15+$0x0] =	vst.idx.add.f32.msk $0xffff, v34  }
0x266: {  	s29 =	sand.u32 $0x70, s25;
	s17 =	sadd.s32 s28, s17;
	[tilespmem:v38+s15+$0x0] =	vst.idx.add.f32.msk $0xffff, v44  }
0x267: {  	v39 =	vadd.s32 v11, v37;
	s17 =	sadd.s32 s29, s17;
	v40 =	vld [tilespmem:s24+$0x9400]  }
0x268: {  	v41 =	vadd.s32 v23, v35;
	v38 =	vld [tilespmem:s17+$0x0]  }
0x269: {  	[tilespmem:v42+s15+$0x0] =	vst.idx.add.f32.msk $0xffff, v43  }
0x26a: {  	s0 =	sshll.u32 s0, $0x8;
	v42 =	vld [tilespmem:s21+$0xAC00]  }
0x26b: {  	s0 =	sadd.s32 s2, s0;
	v43 =	vld [tilespmem:s22+$0xA600]  }
0x26c: {  	s28 =	sor.u32 s29, s0;
	[tilespmem:v39+s15+$0x0] =	vst.idx.add.f32.msk $0xffff, v40;
	v39 =	vadd.s32 v20, v36  }
0x26d: {  	v40 =	vadd.s32 v0, v38;
	v44 =	vld [tilespmem:s28+$0x8000]  }
0x26e: {  	v45 =	vld [tilespmem:s24+$0x9600]  }
0x26f: {  	v46 =	vadd.s32 v12, v37;
	[tilespmem:v41+s15+$0x0] =	vst.idx.add.f32.msk $0xffff, v42  }
0x270: {  	v41 =	vadd.s32 v24, v35;
	v42 =	vld [tilespmem:s21+$0xAE00]  }
0x271: {  	[tilespmem:v39+s15+$0x0] =	vst.idx.add.f32.msk $0xffff, v43  }
0x272: {  	[tilespmem:v40+s15+$0x0] =	vst.idx.add.f32.msk $0xffff, v44  }
0x273: {  	v39 =	vadd.s32 v2, v38;
	v40 =	vld [tilespmem:s28+$0x8200]  }
0x274: {  	v43 =	vadd.s32 v25, v35;
	[tilespmem:v46+s15+$0x0] =	vst.idx.add.f32.msk $0xffff, v45  }
0x275: {  	v44 =	vadd.s32 v13, v37;
	v45 =	vld [tilespmem:s24+$0x9800]  }
0x276: {  	[tilespmem:v41+s15+$0x0] =	vst.idx.add.f32.msk $0xffff, v42  }
0x277: {  	v41 =	vld [tilespmem:s21+$0xB000]  }
0x278: {  	[tilespmem:v39+s15+$0x0] =	vst.idx.add.f32.msk $0xffff, v40  }
0x279: {  	v39 =	vadd.s32 v3, v38;
	v40 =	vld [tilespmem:s28+$0x8400]  }
0x27a: {  	v42 =	vadd.s32 v26, v35;
	[tilespmem:v44+s15+$0x0] =	vst.idx.add.f32.msk $0xffff, v45  }
0x27b: {  	v44 =	vadd.s32 v14, v37;
	v45 =	vld [tilespmem:s24+$0x9A00]  }
0x27c: {  	[tilespmem:v43+s15+$0x0] =	vst.idx.add.f32.msk $0xffff, v41  }
0x27d: {  	v41 =	vld [tilespmem:s21+$0xB200]  }
0x27e: {  	[tilespmem:v39+s15+$0x0] =	vst.idx.add.f32.msk $0xffff, v40  }
0x27f: {  	v39 =	vadd.s32 v4, v38;
	v40 =	vld [tilespmem:s28+$0x8600]  }
0x280: {  	v43 =	vadd.s32 v27, v35;
	[tilespmem:v44+s15+$0x0] =	vst.idx.add.f32.msk $0xffff, v45  }
0x281: {  	v44 =	vadd.s32 v15, v37;
	v45 =	vld [tilespmem:s24+$0x9C00]  }
0x282: {  	[tilespmem:v42+s15+$0x0] =	vst.idx.add.f32.msk $0xffff, v41  }
0x283: {  	v41 =	vld [tilespmem:s21+$0xB400]  }
0x284: {  	[tilespmem:v39+s15+$0x0] =	vst.idx.add.f32.msk $0xffff, v40  }
0x285: {  	v39 =	vadd.s32 v5, v38;
	v40 =	vld [tilespmem:s28+$0x8800]  }
0x286: {  	v42 =	vadd.s32 v28, v35;
	[tilespmem:v44+s15+$0x0] =	vst.idx.add.f32.msk $0xffff, v45  }
0x287: {  	v44 =	vadd.s32 v16, v37;
	v45 =	vld [tilespmem:s24+$0x9E00]  }
0x288: {  	[tilespmem:v43+s15+$0x0] =	vst.idx.add.f32.msk $0xffff, v41  }
0x289: {  	v41 =	vld [tilespmem:s21+$0xB600]  }
0x28a: {  	[tilespmem:v39+s15+$0x0] =	vst.idx.add.f32.msk $0xffff, v40  }
0x28b: {  	v39 =	vadd.s32 v6, v38;
	v40 =	vld [tilespmem:s28+$0x8A00]  }
0x28c: {  	v43 =	vadd.s32 v29, v35;
	[tilespmem:v44+s15+$0x0] =	vst.idx.add.f32.msk $0xffff, v45  }
0x28d: {  	v44 =	vadd.s32 v17, v37;
	v45 =	vld [tilespmem:s24+$0xA000]  }
0x28e: {  	[tilespmem:v42+s15+$0x0] =	vst.idx.add.f32.msk $0xffff, v41  }
0x28f: {  	v41 =	vld [tilespmem:s21+$0xB800]  }
0x290: {  	[tilespmem:v39+s15+$0x0] =	vst.idx.add.f32.msk $0xffff, v40  }
0x291: {  	v39 =	vadd.s32 v7, v38;
	v40 =	vld [tilespmem:s28+$0x8C00]  }
0x292: {  	v42 =	vadd.s32 v30, v35;
	[tilespmem:v44+s15+$0x0] =	vst.idx.add.f32.msk $0xffff, v45  }
0x293: {  	v44 =	vadd.s32 v18, v37;
	v45 =	vld [tilespmem:s24+$0xA200]  }
0x294: {  	[tilespmem:v43+s15+$0x0] =	vst.idx.add.f32.msk $0xffff, v41  }
0x295: {  	v41 =	vld [tilespmem:s21+$0xBA00]  }
0x296: {  	[tilespmem:v39+s15+$0x0] =	vst.idx.add.f32.msk $0xffff, v40  }
0x297: {  	v39 =	vadd.s32 v8, v38;
	v40 =	vld [tilespmem:s28+$0x8E00]  }
0x298: {  	[tilespmem:v44+s15+$0x0] =	vst.idx.add.f32.msk $0xffff, v45;
	v44 =	vadd.s32 v31, v35  }
0x299: {  	v43 =	vadd.s32 v19, v37;
	v45 =	vld [tilespmem:s24+$0xA400]  }
0x29a: {  	[tilespmem:v42+s15+$0x0] =	vst.idx.add.f32.msk $0xffff, v41  }
0x29b: {  	v41 =	vld [tilespmem:s21+$0xBC00]  }
0x29c: {  	[tilespmem:v39+s15+$0x0] =	vst.idx.add.f32.msk $0xffff, v40  }
0x29d: {  	v46 =	vadd.s32 v9, v38;
	v47 =	vld [tilespmem:s28+$0x9000]  }
0x29e: {  	v40 =	vadd.s32 v32, v35;
	[tilespmem:v43+s15+$0x0] =	vst.idx.add.f32.msk $0xffff, v45;
	v43 =	vadd.s32 v21, v36  }
.Ltmp6:
0x29f: {  	v39 =	vadd.s32 v33, v35;
	v35 =	vmovc v36;
	v36 =	vmov v37;
	v37 =	vmov v38;
	v42 =	vld [tilespmem:s22+$0xA800];
	(pc) =	sbr.rel @p0 .LBB2_14-.Ltmp6, $4  }
0x2a0: {  	[tilespmem:v44+s15+$0x0] =	vst.idx.add.f32.msk $0xffff, v41  }
0x2a1: {  	v41 =	vld [tilespmem:s21+$0xBE00];
	s21 =	smov.u32 s22;
	s22 =	smov.u32 s24;
	s24 =	smov.u32 s28  }
0x2a2: {  	[tilespmem:v46+s15+$0x0] =	vst.idx.add.f32.msk $0xffff, v47  }
0x2a3: {  	v38 =	vadd.s32 v10, v37;
	v44 =	vld [tilespmem:s24+$0x9200]  }
0x2a4: {  	_ =	sdelay $0x3  }
0x2a5: {  	[tilespmem:v38+s15+$0x0] =	vst.idx.add.f32.msk $0xffff, v44  }
0x2a6: {  	v49 =	vadd.s32 v11, v37;
	v44 =	vld [tilespmem:s24+$0x9400];
	_ =	sdelay $0x4  }
0x2a7: {  	[tilespmem:v49+s15+$0x0] =	vst.idx.add.f32.msk $0xffff, v44  }
0x2a8: {  	v50 =	vadd.s32 v12, v37;
	v38 =	vld [tilespmem:s24+$0x9600];
	_ =	sdelay $0x4  }
0x2a9: {  	[tilespmem:v50+s15+$0x0] =	vst.idx.add.f32.msk $0xffff, v38  }
0x2aa: {  	v51 =	vadd.s32 v13, v37;
	v44 =	vld [tilespmem:s24+$0x9800];
	_ =	sdelay $0x4  }
0x2ab: {  	[tilespmem:v51+s15+$0x0] =	vst.idx.add.f32.msk $0xffff, v44  }
0x2ac: {  	v52 =	vadd.s32 v14, v37;
	v44 =	vld [tilespmem:s24+$0x9A00];
	_ =	sdelay $0x4  }
0x2ad: {  	[tilespmem:v52+s15+$0x0] =	vst.idx.add.f32.msk $0xffff, v44  }
0x2ae: {  	v53 =	vadd.s32 v15, v37;
	v44 =	vld [tilespmem:s24+$0x9C00];
	_ =	sdelay $0x4  }
0x2af: {  	[tilespmem:v53+s15+$0x0] =	vst.idx.add.f32.msk $0xffff, v44  }
0x2b0: {  	v54 =	vadd.s32 v16, v37;
	v44 =	vld [tilespmem:s24+$0x9E00];
	_ =	sdelay $0x4  }
0x2b1: {  	[tilespmem:v54+s15+$0x0] =	vst.idx.add.f32.msk $0xffff, v44  }
0x2b2: {  	v55 =	vadd.s32 v17, v37;
	v44 =	vld [tilespmem:s24+$0xA000];
	_ =	sdelay $0x4  }
0x2b3: {  	[tilespmem:v55+s15+$0x0] =	vst.idx.add.f32.msk $0xffff, v44  }
0x2b4: {  	v56 =	vadd.s32 v18, v37;
	v44 =	vld [tilespmem:s24+$0xA200];
	_ =	sdelay $0x4  }
0x2b5: {  	[tilespmem:v56+s15+$0x0] =	vst.idx.add.f32.msk $0xffff, v44  }
0x2b6: {  	v57 =	vadd.s32 v19, v37;
	v44 =	vld [tilespmem:s24+$0xA400];
	_ =	sdelay $0x1  }
0x2b7: {  	v45 =	vld [tilespmem:s22+$0xA600];
	v46 =	vadd.s32 v20, v36;
	_ =	sdelay $0x1  }
0x2b8: {  	[tilespmem:v43+s15+$0x0] =	vst.idx.add.f32.msk $0xffff, v42  }
0x2b9: {  	[tilespmem:v57+s15+$0x0] =	vst.idx.add.f32.msk $0xffff, v44  }
0x2ba: {  	v58 =	vadd.s32 v20, v37;
	v38 =	vld [tilespmem:s24+$0xA600]  }
0x2bb: {  	[tilespmem:v46+s15+$0x0] =	vst.idx.add.f32.msk $0xffff, v45  }
0x2bc: {  	v59 =	vadd.s32 v21, v36;
	v60 =	vld [tilespmem:s22+$0xA800]  }
0x2bd: {  	v43 =	vld [tilespmem:s21+$0xAA00]  }
0x2be: {  	v63 =	vadd.s32 v22, v35;
	[tilespmem:v40+s15+$0x0] =	vst.idx.add.f32.msk $0xffff, v41  }
0x2bf: {  	[tilespmem:v58+s15+$0x0] =	vst.idx.add.f32.msk $0xffff, v38  }
0x2c0: {  	v61 =	vadd.s32 v21, v37;
	v62 =	vld [tilespmem:s24+$0xA800]  }
0x2c1: {  	[tilespmem:v59+s15+$0x0] =	vst.idx.add.f32.msk $0xffff, v60  }
0x2c2: {  	v47 =	vadd.s32 v22, v36;
	v40 =	vld [tilespmem:s22+$0xAA00]  }
0x2c3: {  	[tilespmem:v63+s15+$0x0] =	vst.idx.add.f32.msk $0xffff, v43  }
0x2c4: {  	v43 =	vld [tilespmem:s21+$0xAC00];
	v50 =	vadd.s32 v23, v35  }
0x2c5: {  	[tilespmem:v61+s15+$0x0] =	vst.idx.add.f32.msk $0xffff, v62  }
0x2c6: {  	v48 =	vadd.s32 v22, v37;
	v49 =	vld [tilespmem:s24+$0xAA00]  }
0x2c7: {  	[tilespmem:v47+s15+$0x0] =	vst.idx.add.f32.msk $0xffff, v40  }
0x2c8: {  	v40 =	vld [tilespmem:s22+$0xAC00];
	v51 =	vadd.s32 v23, v36  }
0x2c9: {  	[tilespmem:v50+s15+$0x0] =	vst.idx.add.f32.msk $0xffff, v43  }
0x2ca: {  	v43 =	vld [tilespmem:s21+$0xAE00];
	v53 =	vadd.s32 v24, v35  }
0x2cb: {  	[tilespmem:v48+s15+$0x0] =	vst.idx.add.f32.msk $0xffff, v49  }
0x2cc: {  	v52 =	vadd.s32 v23, v37;
	v41 =	vld [tilespmem:s24+$0xAC00]  }
0x2cd: {  	[tilespmem:v51+s15+$0x0] =	vst.idx.add.f32.msk $0xffff, v40  }
0x2ce: {  	v40 =	vld [tilespmem:s22+$0xAE00];
	v54 =	vadd.s32 v24, v36  }
0x2cf: {  	[tilespmem:v53+s15+$0x0] =	vst.idx.add.f32.msk $0xffff, v43  }
0x2d0: {  	v43 =	vld [tilespmem:s21+$0xB000];
	v56 =	vadd.s32 v25, v35  }
0x2d1: {  	[tilespmem:v52+s15+$0x0] =	vst.idx.add.f32.msk $0xffff, v41  }
0x2d2: {  	v55 =	vadd.s32 v24, v37;
	v41 =	vld [tilespmem:s24+$0xAE00]  }
0x2d3: {  	[tilespmem:v54+s15+$0x0] =	vst.idx.add.f32.msk $0xffff, v40  }
0x2d4: {  	v40 =	vld [tilespmem:s22+$0xB000];
	v57 =	vadd.s32 v25, v36  }
0x2d5: {  	[tilespmem:v56+s15+$0x0] =	vst.idx.add.f32.msk $0xffff, v43  }
0x2d6: {  	v59 =	vadd.s32 v26, v35;
	v43 =	vld [tilespmem:s21+$0xB200]  }
0x2d7: {  	[tilespmem:v55+s15+$0x0] =	vst.idx.add.f32.msk $0xffff, v41  }
0x2d8: {  	v58 =	vadd.s32 v25, v37;
	v41 =	vld [tilespmem:s24+$0xB000]  }
0x2d9: {  	[tilespmem:v57+s15+$0x0] =	vst.idx.add.f32.msk $0xffff, v40  }
0x2da: {  	v60 =	vadd.s32 v26, v36;
	v40 =	vld [tilespmem:s22+$0xB200]  }
0x2db: {  	[tilespmem:v59+s15+$0x0] =	vst.idx.add.f32.msk $0xffff, v43  }
0x2dc: {  	v43 =	vld [tilespmem:s21+$0xB400];
	v62 =	vadd.s32 v27, v35  }
0x2dd: {  	[tilespmem:v58+s15+$0x0] =	vst.idx.add.f32.msk $0xffff, v41  }
0x2de: {  	v61 =	vadd.s32 v26, v37;
	v41 =	vld [tilespmem:s24+$0xB200]  }
0x2df: {  	[tilespmem:v60+s15+$0x0] =	vst.idx.add.f32.msk $0xffff, v40  }
0x2e0: {  	v63 =	vadd.s32 v27, v36;
	v40 =	vld [tilespmem:s22+$0xB400]  }
0x2e1: {  	[tilespmem:v62+s15+$0x0] =	vst.idx.add.f32.msk $0xffff, v43  }
0x2e2: {  	v46 =	vadd.s32 v28, v35;
	v43 =	vld [tilespmem:s21+$0xB600]  }
0x2e3: {  	[tilespmem:v61+s15+$0x0] =	vst.idx.add.f32.msk $0xffff, v41  }
0x2e4: {  	v45 =	vadd.s32 v27, v37;
	v41 =	vld [tilespmem:s24+$0xB400]  }
0x2e5: {  	[tilespmem:v63+s15+$0x0] =	vst.idx.add.f32.msk $0xffff, v40  }
0x2e6: {  	v47 =	vadd.s32 v28, v36;
	v40 =	vld [tilespmem:s22+$0xB600]  }
0x2e7: {  	[tilespmem:v46+s15+$0x0] =	vst.idx.add.f32.msk $0xffff, v43  }
0x2e8: {  	v49 =	vadd.s32 v29, v35;
	v43 =	vld [tilespmem:s21+$0xB800]  }
0x2e9: {  	[tilespmem:v45+s15+$0x0] =	vst.idx.add.f32.msk $0xffff, v41  }
0x2ea: {  	v48 =	vadd.s32 v28, v37;
	v41 =	vld [tilespmem:s24+$0xB600]  }
0x2eb: {  	[tilespmem:v47+s15+$0x0] =	vst.idx.add.f32.msk $0xffff, v40  }
0x2ec: {  	v50 =	vadd.s32 v29, v36;
	v40 =	vld [tilespmem:s22+$0xB800]  }
0x2ed: {  	[tilespmem:v49+s15+$0x0] =	vst.idx.add.f32.msk $0xffff, v43  }
0x2ee: {  	v52 =	vadd.s32 v30, v35;
	v43 =	vld [tilespmem:s21+$0xBA00]  }
0x2ef: {  	[tilespmem:v48+s15+$0x0] =	vst.idx.add.f32.msk $0xffff, v41  }
0x2f0: {  	v51 =	vadd.s32 v29, v37;
	v41 =	vld [tilespmem:s24+$0xB800]  }
0x2f1: {  	[tilespmem:v50+s15+$0x0] =	vst.idx.add.f32.msk $0xffff, v40  }
0x2f2: {  	v53 =	vadd.s32 v30, v36;
	v40 =	vld [tilespmem:s22+$0xBA00]  }
0x2f3: {  	[tilespmem:v52+s15+$0x0] =	vst.idx.add.f32.msk $0xffff, v43  }
0x2f4: {  	v43 =	vld [tilespmem:s21+$0xBC00]  }
0x2f5: {  	v55 =	vadd.s32 v31, v35;
	[tilespmem:v51+s15+$0x0] =	vst.idx.add.f32.msk $0xffff, v41  }
0x2f6: {  	v54 =	vadd.s32 v30, v37;
	v41 =	vld [tilespmem:s24+$0xBA00]  }
0x2f7: {  	[tilespmem:v53+s15+$0x0] =	vst.idx.add.f32.msk $0xffff, v40  }
0x2f8: {  	v56 =	vadd.s32 v31, v36;
	v40 =	vld [tilespmem:s22+$0xBC00];
	_ =	sdelay $0x1  }
0x2f9: {  	[tilespmem:v55+s15+$0x0] =	vst.idx.add.f32.msk $0xffff, v43  }
0x2fa: {  	[tilespmem:v54+s15+$0x0] =	vst.idx.add.f32.msk $0xffff, v41  }
0x2fb: {  	v57 =	vadd.s32 v31, v37;
	v41 =	vld [tilespmem:s24+$0xBC00]  }
0x2fc: {  	[tilespmem:v56+s15+$0x0] =	vst.idx.add.f32.msk $0xffff, v40  }
0x2fd: {  	v58 =	vadd.s32 v32, v35;
	v43 =	vld [tilespmem:s21+$0xBE00]  }
0x2fe: {  	v60 =	vadd.s32 v32, v36;
	v40 =	vld [tilespmem:s22+$0xBE00]  }
0x2ff: {  	[tilespmem:v39+s15+$0x0] =	vst.idx.add.f32.msk $0xffff, v34;
	v59 =	vadd.s32 v33, v35  }
0x300: {  	v61 =	vadd.s32 v33, v36;
	[tilespmem:v57+s15+$0x0] =	vst.idx.add.f32.msk $0xffff, v41  }
0x301: {  	s20 =	sadd.s32 $0x1, s20;
	v62 =	vadd.s32 v32, v37;
	v41 =	vld [tilespmem:s24+$0xBE00]  }
0x302: {  	p0 =	sne.s32 s20, $0x10;
	v63 =	vadd.s32 v33, v37;
	[tilespmem:v58+s15+$0x0] =	vst.idx.add.f32.msk $0xffff, v43  }
.Ltmp7:
0x303: {  	[tilespmem:v60+s15+$0x0] =	vst.idx.add.f32.msk $0xffff, v40;
	(pc) =	sbr.rel @p0 .LBB2_6-.Ltmp7, $4  }
0x304: {  	[tilespmem:v59+s15+$0x0] =	vst.idx.add.f32.msk $0xffff, v34  }
0x305: {  	[tilespmem:v61+s15+$0x0] =	vst.idx.add.f32.msk $0xffff, v34  }
0x306: {  	[tilespmem:v62+s15+$0x0] =	vst.idx.add.f32.msk $0xffff, v41  }
0x307: {  	[tilespmem:v63+s15+$0x0] =	vst.idx.add.f32.msk $0xffff, v34  }
0x308: {  	s20 =	simm.s32 $0x0;
	s21 =	simm.s32 $0xC400  }
.LBB2_17:
0x309: {  	v35 =	vld [tilespmem:s21+$0xFFFFFC00]  }
0x30a: {  	v36 =	vld [tilespmem:s21+$0xFFFFFC80]  }
0x30b: {  	v37 =	vld [tilespmem:s21+$0xFFFFFD00]  }
0x30c: {  	v38 =	vld [tilespmem:s21+$0xFFFFFD80]  }
0x30d: {  	v39 =	vld [tilespmem:s21+$0xFFFFFE00]  }
0x30e: {  	v40 =	vld [tilespmem:s21+$0xFFFFFE80]  }
0x30f: {  	v41 =	vld [tilespmem:s21+$0xFFFFFF00]  }
0x310: {  	v42 =	vld [tilespmem:s21+$0xFFFFFF80]  }
0x311: {  	v43 =	vld [tilespmem:s21+$0x0]  }
0x312: {  	v44 =	vld [tilespmem:s21+$0x80]  }
0x313: {  	v45 =	vld [tilespmem:s21+$0x100]  }
0x314: {  	v46 =	vld [tilespmem:s21+$0x180]  }
0x315: {  	v47 =	vld [tilespmem:s21+$0x200]  }
0x316: {  	v48 =	vld [tilespmem:s21+$0x280]  }
0x317: {  	v49 =	vld [tilespmem:s21+$0x300]  }
0x318: {  	v50 =	vld [tilespmem:s21+$0x380];
	_ =	sdelay $0x1  }
0x319: {  	v35 =	vadd.f32 v36, v35;
	v60 =	vadd.f32 v38, v37  }
0x31a: {  	v61 =	vadd.f32 v40, v39;
	v62 =	vadd.f32 v42, v41  }
0x31b: {  	v63 =	vadd.f32 v44, v43;
	v45 =	vadd.f32 v46, v45  }
0x31c: {  	v46 =	vadd.f32 v48, v47;
	v47 =	vadd.f32 v50, v49  }
0x31d: {  	v35 =	vadd.f32 v60, v35;
	v48 =	vadd.f32 v62, v61  }
0x31e: {  	v49 =	vadd.f32 v45, v63;
	v50 =	vadd.f32 v47, v46;
	_ =	sdelay $0x1  }
0x31f: {  	v35 =	vadd.f32 v48, v35;
	v51 =	vadd.f32 v50, v49;
	_ =	sdelay $0x1  }
0x320: {  	v35 =	vadd.f32 v51, v35  }
0x321: {  	s22 =	sshra.s32 s20, $0x2  }
0x322: {  	[tilespmem:s22+$0x1C800] =	vst v35  }
0x323: {  	v35 =	vld [tilespmem:s21+$0xFFFFFC10]  }
0x324: {  	v36 =	vld [tilespmem:s21+$0xFFFFFC90]  }
0x325: {  	v37 =	vld [tilespmem:s21+$0xFFFFFD10]  }
0x326: {  	v38 =	vld [tilespmem:s21+$0xFFFFFD90]  }
0x327: {  	v52 =	vld [tilespmem:s21+$0xFFFFFE10]  }
0x328: {  	v53 =	vld [tilespmem:s21+$0xFFFFFE90]  }
0x329: {  	v54 =	vld [tilespmem:s21+$0xFFFFFF10]  }
0x32a: {  	v55 =	vld [tilespmem:s21+$0xFFFFFF90]  }
0x32b: {  	v56 =	vld [tilespmem:s21+$0x10]  }
0x32c: {  	v57 =	vld [tilespmem:s21+$0x90]  }
0x32d: {  	v58 =	vld [tilespmem:s21+$0x110]  }
0x32e: {  	v59 =	vld [tilespmem:s21+$0x190]  }
0x32f: {  	v60 =	vld [tilespmem:s21+$0x210]  }
0x330: {  	v61 =	vld [tilespmem:s21+$0x290]  }
0x331: {  	v62 =	vld [tilespmem:s21+$0x310]  }
0x332: {  	v63 =	vld [tilespmem:s21+$0x390];
	_ =	sdelay $0x1  }
0x333: {  	v35 =	vadd.f32 v36, v35;
	v51 =	vadd.f32 v38, v37  }
0x334: {  	v52 =	vadd.f32 v53, v52;
	v53 =	vadd.f32 v55, v54  }
0x335: {  	v54 =	vadd.f32 v57, v56;
	v55 =	vadd.f32 v59, v58  }
0x336: {  	v56 =	vadd.f32 v61, v60;
	v57 =	vadd.f32 v63, v62  }
0x337: {  	v35 =	vadd.f32 v51, v35;
	v58 =	vadd.f32 v53, v52  }
0x338: {  	v59 =	vadd.f32 v55, v54;
	v60 =	vadd.f32 v57, v56;
	_ =	sdelay $0x1  }
0x339: {  	v35 =	vadd.f32 v58, v35;
	v61 =	vadd.f32 v60, v59;
	_ =	sdelay $0x1  }
0x33a: {  	v35 =	vadd.f32 v61, v35;
	_ =	sdelay $0x1  }
0x33b: {  	[tilespmem:s22+$0x1C810] =	vst v35  }
0x33c: {  	v35 =	vld [tilespmem:s21+$0xFFFFFC20]  }
0x33d: {  	v36 =	vld [tilespmem:s21+$0xFFFFFCA0]  }
0x33e: {  	v37 =	vld [tilespmem:s21+$0xFFFFFD20]  }
0x33f: {  	v62 =	vld [tilespmem:s21+$0xFFFFFDA0]  }
0x340: {  	v39 =	vld [tilespmem:s21+$0xFFFFFE20]  }
0x341: {  	v63 =	vld [tilespmem:s21+$0xFFFFFEA0]  }
0x342: {  	v52 =	vld [tilespmem:s21+$0xFFFFFF20]  }
0x343: {  	v53 =	vld [tilespmem:s21+$0xFFFFFFA0]  }
0x344: {  	v54 =	vld [tilespmem:s21+$0x20]  }
0x345: {  	v55 =	vld [tilespmem:s21+$0xA0]  }
0x346: {  	v56 =	vld [tilespmem:s21+$0x120]  }
0x347: {  	v57 =	vld [tilespmem:s21+$0x1A0]  }
0x348: {  	v58 =	vld [tilespmem:s21+$0x220]  }
0x349: {  	v59 =	vld [tilespmem:s21+$0x2A0]  }
0x34a: {  	v60 =	vld [tilespmem:s21+$0x320]  }
0x34b: {  	v61 =	vld [tilespmem:s21+$0x3A0];
	_ =	sdelay $0x1  }
0x34c: {  	v35 =	vadd.f32 v36, v35;
	v62 =	vadd.f32 v62, v37  }
0x34d: {  	v63 =	vadd.f32 v63, v39;
	v51 =	vadd.f32 v53, v52  }
0x34e: {  	v52 =	vadd.f32 v55, v54;
	v53 =	vadd.f32 v57, v56  }
0x34f: {  	v54 =	vadd.f32 v59, v58;
	v55 =	vadd.f32 v61, v60  }
0x350: {  	v35 =	vadd.f32 v62, v35;
	v56 =	vadd.f32 v51, v63  }
0x351: {  	v57 =	vadd.f32 v53, v52;
	v58 =	vadd.f32 v55, v54;
	_ =	sdelay $0x1  }
0x352: {  	v35 =	vadd.f32 v56, v35;
	v59 =	vadd.f32 v58, v57;
	_ =	sdelay $0x1  }
0x353: {  	v35 =	vadd.f32 v59, v35;
	_ =	sdelay $0x1  }
0x354: {  	[tilespmem:s22+$0x1C820] =	vst v35  }
0x355: {  	v35 =	vld [tilespmem:s21+$0xFFFFFC30]  }
0x356: {  	v36 =	vld [tilespmem:s21+$0xFFFFFCB0]  }
0x357: {  	v37 =	vld [tilespmem:s21+$0xFFFFFD30]  }
0x358: {  	v60 =	vld [tilespmem:s21+$0xFFFFFDB0]  }
0x359: {  	v39 =	vld [tilespmem:s21+$0xFFFFFE30]  }
0x35a: {  	v61 =	vld [tilespmem:s21+$0xFFFFFEB0]  }
0x35b: {  	v62 =	vld [tilespmem:s21+$0xFFFFFF30]  }
0x35c: {  	v63 =	vld [tilespmem:s21+$0xFFFFFFB0]  }
0x35d: {  	v52 =	vld [tilespmem:s21+$0x30]  }
0x35e: {  	v53 =	vld [tilespmem:s21+$0xB0]  }
0x35f: {  	v54 =	vld [tilespmem:s21+$0x130]  }
0x360: {  	v55 =	vld [tilespmem:s21+$0x1B0]  }
0x361: {  	v56 =	vld [tilespmem:s21+$0x230]  }
0x362: {  	v57 =	vld [tilespmem:s21+$0x2B0]  }
0x363: {  	v58 =	vld [tilespmem:s21+$0x330]  }
0x364: {  	v59 =	vld [tilespmem:s21+$0x3B0];
	_ =	sdelay $0x1  }
0x365: {  	v35 =	vadd.f32 v36, v35;
	v60 =	vadd.f32 v60, v37  }
0x366: {  	v61 =	vadd.f32 v61, v39;
	v62 =	vadd.f32 v63, v62  }
0x367: {  	v63 =	vadd.f32 v53, v52;
	v45 =	vadd.f32 v55, v54  }
0x368: {  	v46 =	vadd.f32 v57, v56;
	v47 =	vadd.f32 v59, v58  }
0x369: {  	v35 =	vadd.f32 v60, v35;
	v48 =	vadd.f32 v62, v61  }
0x36a: {  	v49 =	vadd.f32 v45, v63;
	v50 =	vadd.f32 v47, v46;
	_ =	sdelay $0x1  }
0x36b: {  	v35 =	vadd.f32 v48, v35;
	v51 =	vadd.f32 v50, v49;
	_ =	sdelay $0x1  }
0x36c: {  	v35 =	vadd.f32 v51, v35;
	_ =	sdelay $0x1  }
0x36d: {  	[tilespmem:s22+$0x1C830] =	vst v35  }
0x36e: {  	v35 =	vld [tilespmem:s21+$0xFFFFFC40]  }
0x36f: {  	v36 =	vld [tilespmem:s21+$0xFFFFFCC0]  }
0x370: {  	v37 =	vld [tilespmem:s21+$0xFFFFFD40]  }
0x371: {  	v38 =	vld [tilespmem:s21+$0xFFFFFDC0]  }
0x372: {  	v52 =	vld [tilespmem:s21+$0xFFFFFE40]  }
0x373: {  	v53 =	vld [tilespmem:s21+$0xFFFFFEC0]  }
0x374: {  	v54 =	vld [tilespmem:s21+$0xFFFFFF40]  }
0x375: {  	v55 =	vld [tilespmem:s21+$0xFFFFFFC0]  }
0x376: {  	v56 =	vld [tilespmem:s21+$0x40]  }
0x377: {  	v57 =	vld [tilespmem:s21+$0xC0]  }
0x378: {  	v58 =	vld [tilespmem:s21+$0x140]  }
0x379: {  	v59 =	vld [tilespmem:s21+$0x1C0]  }
0x37a: {  	v60 =	vld [tilespmem:s21+$0x240]  }
0x37b: {  	v61 =	vld [tilespmem:s21+$0x2C0]  }
0x37c: {  	v62 =	vld [tilespmem:s21+$0x340]  }
0x37d: {  	v63 =	vld [tilespmem:s21+$0x3C0];
	_ =	sdelay $0x1  }
0x37e: {  	v35 =	vadd.f32 v36, v35;
	v51 =	vadd.f32 v38, v37  }
0x37f: {  	v52 =	vadd.f32 v53, v52;
	v53 =	vadd.f32 v55, v54  }
0x380: {  	v54 =	vadd.f32 v57, v56;
	v55 =	vadd.f32 v59, v58  }
0x381: {  	v56 =	vadd.f32 v61, v60;
	v57 =	vadd.f32 v63, v62  }
0x382: {  	v35 =	vadd.f32 v51, v35;
	v58 =	vadd.f32 v53, v52  }
0x383: {  	v59 =	vadd.f32 v55, v54;
	v60 =	vadd.f32 v57, v56;
	_ =	sdelay $0x1  }
0x384: {  	v35 =	vadd.f32 v58, v35;
	v61 =	vadd.f32 v60, v59;
	_ =	sdelay $0x1  }
0x385: {  	v35 =	vadd.f32 v61, v35;
	_ =	sdelay $0x1  }
0x386: {  	[tilespmem:s22+$0x1C840] =	vst v35  }
0x387: {  	v35 =	vld [tilespmem:s21+$0xFFFFFC50]  }
0x388: {  	v36 =	vld [tilespmem:s21+$0xFFFFFCD0]  }
0x389: {  	v37 =	vld [tilespmem:s21+$0xFFFFFD50]  }
0x38a: {  	v62 =	vld [tilespmem:s21+$0xFFFFFDD0]  }
0x38b: {  	v39 =	vld [tilespmem:s21+$0xFFFFFE50]  }
0x38c: {  	v63 =	vld [tilespmem:s21+$0xFFFFFED0]  }
0x38d: {  	v52 =	vld [tilespmem:s21+$0xFFFFFF50]  }
0x38e: {  	v53 =	vld [tilespmem:s21+$0xFFFFFFD0]  }
0x38f: {  	v54 =	vld [tilespmem:s21+$0x50]  }
0x390: {  	v55 =	vld [tilespmem:s21+$0xD0]  }
0x391: {  	v56 =	vld [tilespmem:s21+$0x150]  }
0x392: {  	v57 =	vld [tilespmem:s21+$0x1D0]  }
0x393: {  	v58 =	vld [tilespmem:s21+$0x250]  }
0x394: {  	v59 =	vld [tilespmem:s21+$0x2D0]  }
0x395: {  	v60 =	vld [tilespmem:s21+$0x350]  }
0x396: {  	v61 =	vld [tilespmem:s21+$0x3D0];
	_ =	sdelay $0x1  }
0x397: {  	v35 =	vadd.f32 v36, v35;
	v62 =	vadd.f32 v62, v37  }
0x398: {  	v63 =	vadd.f32 v63, v39;
	v51 =	vadd.f32 v53, v52  }
0x399: {  	v52 =	vadd.f32 v55, v54;
	v53 =	vadd.f32 v57, v56  }
0x39a: {  	v54 =	vadd.f32 v59, v58;
	v55 =	vadd.f32 v61, v60  }
0x39b: {  	v35 =	vadd.f32 v62, v35;
	v56 =	vadd.f32 v51, v63  }
0x39c: {  	v57 =	vadd.f32 v53, v52;
	v58 =	vadd.f32 v55, v54;
	_ =	sdelay $0x1  }
0x39d: {  	v35 =	vadd.f32 v56, v35;
	v59 =	vadd.f32 v58, v57;
	_ =	sdelay $0x1  }
0x39e: {  	v35 =	vadd.f32 v59, v35;
	_ =	sdelay $0x1  }
0x39f: {  	[tilespmem:s22+$0x1C850] =	vst v35  }
0x3a0: {  	v35 =	vld [tilespmem:s21+$0xFFFFFC60]  }
0x3a1: {  	v36 =	vld [tilespmem:s21+$0xFFFFFCE0]  }
0x3a2: {  	v37 =	vld [tilespmem:s21+$0xFFFFFD60]  }
0x3a3: {  	v60 =	vld [tilespmem:s21+$0xFFFFFDE0]  }
0x3a4: {  	v39 =	vld [tilespmem:s21+$0xFFFFFE60]  }
0x3a5: {  	v61 =	vld [tilespmem:s21+$0xFFFFFEE0]  }
0x3a6: {  	v62 =	vld [tilespmem:s21+$0xFFFFFF60]  }
0x3a7: {  	v63 =	vld [tilespmem:s21+$0xFFFFFFE0]  }
0x3a8: {  	v52 =	vld [tilespmem:s21+$0x60]  }
0x3a9: {  	v53 =	vld [tilespmem:s21+$0xE0]  }
0x3aa: {  	v54 =	vld [tilespmem:s21+$0x160]  }
0x3ab: {  	v55 =	vld [tilespmem:s21+$0x1E0]  }
0x3ac: {  	v56 =	vld [tilespmem:s21+$0x260]  }
0x3ad: {  	v57 =	vld [tilespmem:s21+$0x2E0]  }
0x3ae: {  	v58 =	vld [tilespmem:s21+$0x360]  }
0x3af: {  	v59 =	vld [tilespmem:s21+$0x3E0];
	_ =	sdelay $0x1  }
0x3b0: {  	v35 =	vadd.f32 v36, v35;
	v60 =	vadd.f32 v60, v37  }
0x3b1: {  	v61 =	vadd.f32 v61, v39;
	v62 =	vadd.f32 v63, v62  }
0x3b2: {  	v63 =	vadd.f32 v53, v52;
	v46 =	vadd.f32 v55, v54  }
0x3b3: {  	v47 =	vadd.f32 v57, v56;
	v48 =	vadd.f32 v59, v58  }
0x3b4: {  	v35 =	vadd.f32 v60, v35;
	v49 =	vadd.f32 v62, v61  }
0x3b5: {  	v50 =	vadd.f32 v46, v63;
	v51 =	vadd.f32 v48, v47;
	_ =	sdelay $0x1  }
0x3b6: {  	v35 =	vadd.f32 v49, v35;
	v52 =	vadd.f32 v51, v50;
	_ =	sdelay $0x1  }
0x3b7: {  	v35 =	vadd.f32 v52, v35;
	_ =	sdelay $0x1  }
0x3b8: {  	[tilespmem:s22+$0x1C860] =	vst v35  }
0x3b9: {  	v35 =	vld [tilespmem:s21+$0xFFFFFC70]  }
0x3ba: {  	v36 =	vld [tilespmem:s21+$0xFFFFFCF0]  }
0x3bb: {  	v37 =	vld [tilespmem:s21+$0xFFFFFD70]  }
0x3bc: {  	v53 =	vld [tilespmem:s21+$0xFFFFFDF0]  }
0x3bd: {  	v39 =	vld [tilespmem:s21+$0xFFFFFE70]  }
0x3be: {  	v54 =	vld [tilespmem:s21+$0xFFFFFEF0]  }
0x3bf: {  	v55 =	vld [tilespmem:s21+$0xFFFFFF70]  }
0x3c0: {  	v56 =	vld [tilespmem:s21+$0xFFFFFFF0]  }
0x3c1: {  	v57 =	vld [tilespmem:s21+$0x70]  }
0x3c2: {  	v58 =	vld [tilespmem:s21+$0xF0]  }
0x3c3: {  	v59 =	vld [tilespmem:s21+$0x170]  }
0x3c4: {  	v60 =	vld [tilespmem:s21+$0x1F0]  }
0x3c5: {  	v61 =	vld [tilespmem:s21+$0x270]  }
0x3c6: {  	v62 =	vld [tilespmem:s21+$0x2F0]  }
0x3c7: {  	v63 =	vld [tilespmem:s21+$0x370]  }
0x3c8: {  	v52 =	vld [tilespmem:s21+$0x3F0];
	_ =	sdelay $0x1  }
0x3c9: {  	v35 =	vadd.f32 v36, v35;
	v53 =	vadd.f32 v53, v37  }
0x3ca: {  	v54 =	vadd.f32 v54, v39;
	v55 =	vadd.f32 v56, v55  }
0x3cb: {  	v56 =	vadd.f32 v58, v57;
	v57 =	vadd.f32 v60, v59  }
0x3cc: {  	v58 =	vadd.f32 v62, v61;
	v59 =	vadd.f32 v52, v63  }
0x3cd: {  	v35 =	vadd.f32 v53, v35;
	v60 =	vadd.f32 v55, v54  }
0x3ce: {  	v61 =	vadd.f32 v57, v56;
	v62 =	vadd.f32 v59, v58  }
0x3cf: {  	p0 =	sne.s32 s20, $0x4000  }
.Ltmp8:
0x3d0: {  	v35 =	vadd.f32 v60, v35;
	v63 =	vadd.f32 v62, v61;
	(pc) =	sbr.rel @p0 .LBB2_17-.Ltmp8, $3  }
0x3d1: {  	_ = 	snop  }
0x3d2: {  	v35 =	vadd.f32 v63, v35;
	_ =	sdelay $0x1  }
0x3d3: {  	s20 =	sadd.s32 $0x200, s20;
	s21 =	sadd.s32 $0x800, s21;
	[tilespmem:s22+$0x1C870] =	vst v35  }
0x3d4: {  	s19 =	sadd.s32 $0x1, s19  }
0x3d5: {  	p0 =	sne.s32 s19, s10  }
.Ltmp9:
0x3d6: {  	s0 =	simm.s32 $0x1C800;
	(pc) =	sbr.rel @p0 .LBB2_1-.Ltmp9, $4  }
0x3d7: {  	[hbm4b:s9+s3] =	stream.linear.scatter [tilespmem:s0], [sflag:$0x4], $0x1080, $0x38;
	[tilespmem:$0x1DC00] =	vst v63  }
0x3d8: {  	_ =	swait.ge [sflag:s18], $0x1080  }
0x3d9: {  	[sflag:s18] =	ssyncset.done $0x0  }
0x3da: {  	[sflag:s18] =	ssyncadd.s32 $0xFFFFEF80  }
0x3db: {  	_ =	sfence.sel $0x180000  }
0x3dc: {  	[bflag:$0x0] =	sbarrier.arrive $0xFFFF  }
0x3dd: {  	_ =	strace $0x90000047  }
0x3de: {  	s0 =	stileid.u32;
	[bflag:$0x2] =	sbarrier.arrive $0xFFFF  }
0x3df: {  	p0 =	sne.s32 s0, $0x0;
	s0 =	rddreg [dreg:$0x3]  }
0x3e0: {  	s0 =	sadd.s32 @!p0 $0x100000, s0  }
0x3e1: {  	[sflag:s0] =	ssyncadd.tile.s32 @!p0 $0x1;
	_ =	shalt  }
.Lfunc_end2:
_tile_overlayer_lowered:
.L_overlay_start_2:
0x3e2: {  	(tag) =	ssettag $0x2  }
0x3e3: {  	s0 =	rddreg [dreg:$0x0];
	s2 =	stileid.u32  }
0x3e4: {  	s1 =	rddreg [dreg:$0x1];
	p0 =	sne.s32 s2, $0x0  }
0x3e5: {  	s3 =	rddreg [dreg:$0x2];
	[bflag:$0x3] =	sbarrier.arrive $0xFFFF;
	s2 =	simm.s32 @!p0 $0x1C04  }
0x3e6: {  	[timem:s3], [sflag:s2] =	dma.local @!p0 [hbm:s0], s1  }
0x3e7: {  	s0 =	simm.s32 @!p0 $0x4  }
0x3e8: {  	_ =	swait.ge @!p0 [sflag:s0], s1  }
0x3e9: {  	s1 =	ssub.s32 @!p0 $0x0, s1;
	[sflag:s0] =	ssyncset.done @!p0 $0x0  }
0x3ea: {  	[sflag:s0] =	ssyncadd.s32 @!p0 s1  }
0x3eb: {  	[bflag:$0x3] =	sbarrier.arrive $0xFFFF  }
0x3ec: {  	_ =	shalt  }

</sc_bundles>
